<compile_context>
chip_gen: v7x
topology: tpu7x:2x2x1
jax: 0.10.2.dev20260603
libtpu: 0.0.44.dev20260713+nightly
codegen_flags: <defaults>
</compile_context>

<pallas_src>
import dataclasses
import functools

import jax
import jax.numpy as jnp
from jax import lax
from jax.experimental import pallas as pl
from jax.experimental.pallas import tpu as pltpu
from jax.experimental.pallas import tpu_sc as plsc

N = 10000
E = 320000
D = 128
H = 128
OUT = 128

NCORES = 2
NSUB = 16
NTILES = NCORES * NSUB
EPT = E // NTILES
CH = 64
NCH0 = 156
XTRA = 2
NPAD = 10240
ROWS_PT = NPAD // NSUB
DR = NPAD // 128


def _proj_body(x_ref, ws_ref, wd_ref, atts_ref, attd_ref,
               h_ref, as_ref, ad_ref):
    xb = x_ref[...]
    h = jnp.dot(xb, ws_ref[...], preferred_element_type=jnp.float32)
    h_ref[...] = h
    as_ref[...] = jnp.dot(h, atts_ref[...], preferred_element_type=jnp.float32)
    hd = jnp.dot(xb, wd_ref[...], preferred_element_type=jnp.float32)
    ad_ref[...] = jnp.dot(hd, attd_ref[...], preferred_element_type=jnp.float32)


def _tc_proj(x, W_src, W_dst, att_src, att_dst):
    R = 1000
    grid = (N // R,)
    return pl.pallas_call(
        _proj_body,
        grid=grid,
        in_specs=[
            pl.BlockSpec((R, D), lambda i: (i, 0)),
            pl.BlockSpec((D, H), lambda i: (0, 0)),
            pl.BlockSpec((D, H), lambda i: (0, 0)),
            pl.BlockSpec((H, 1), lambda i: (0, 0)),
            pl.BlockSpec((H, 1), lambda i: (0, 0)),
        ],
        out_specs=[
            pl.BlockSpec((R, H), lambda i: (i, 0)),
            pl.BlockSpec((R, 1), lambda i: (i, 0)),
            pl.BlockSpec((R, 1), lambda i: (i, 0)),
        ],
        out_shape=[
            jax.ShapeDtypeStruct((N, H), jnp.float32),
            jax.ShapeDtypeStruct((N, 1), jnp.float32),
            jax.ShapeDtypeStruct((N, 1), jnp.float32),
        ],
    )(x, W_src, W_dst, att_src, att_dst)


def _final_body(acc_ref, den_ref, bias_ref, wl_ref, bl_ref, out_ref):
    num = acc_ref[0] + acc_ref[1]
    den = den_ref[0] + den_ref[1]
    node = jnp.maximum(num / (den + 1e-16) + bias_ref[...], 0.0)
    out_ref[...] = (
        jnp.dot(node, wl_ref[...], preferred_element_type=jnp.float32)
        + bl_ref[...]
    )


def _tc_final(acc, den, bias_conv, W_lin, b_lin):
    R = 1000
    grid = (N // R,)
    return pl.pallas_call(
        _final_body,
        grid=grid,
        in_specs=[
            pl.BlockSpec((NCORES, R, H), lambda i: (0, i, 0)),
            pl.BlockSpec((NCORES, R, 1), lambda i: (0, i, 0)),
            pl.BlockSpec((1, H), lambda i: (0, 0)),
            pl.BlockSpec((H, OUT), lambda i: (0, 0)),
            pl.BlockSpec((1, OUT), lambda i: (0, 0)),
        ],
        out_specs=pl.BlockSpec((R, OUT), lambda i: (i, 0)),
        out_shape=jax.ShapeDtypeStruct((N, OUT), jnp.float32),
    )(acc, den, bias_conv, W_lin, b_lin)


def _sc_edges(h_src, a_src, a_dst, src, dst):
    mesh = plsc.VectorSubcoreMesh(core_axis_name="c", subcore_axis_name="s")
    cp = pltpu.CompilerParams()
    if "needs_layout_passes" in pltpu.CompilerParams.__dataclass_fields__:
        cp = dataclasses.replace(cp, needs_layout_passes=False)

    @functools.partial(
        pl.kernel,
        out_type=[jax.ShapeDtypeStruct((NCORES, NPAD, H), jnp.float32),
                  jax.ShapeDtypeStruct((NCORES, DR, H), jnp.float32)],
        mesh=mesh,
        compiler_params=cp,
        scratch_types=[
            pltpu.VMEM((2 * CH,), jnp.int32),
            pltpu.VMEM((2 * CH,), jnp.int32),
            pltpu.VMEM((CH,), jnp.int32),
            pltpu.VMEM((CH,), jnp.int32),
            pltpu.VMEM((CH,), jnp.int32),
            pltpu.VMEM((CH,), jnp.int32),
            pltpu.VMEM((N,), jnp.float32),
            pltpu.VMEM((N,), jnp.float32),
            pltpu.VMEM((2 * CH,), jnp.float32),
            pltpu.VMEM((CH, H), jnp.float32),
            pltpu.VMEM((CH, H), jnp.float32),
            pltpu.VMEM((DR, H), jnp.float32),
            pltpu.VMEM((DR,), jnp.int32),
            pltpu.SemaphoreType.DMA,
            pltpu.SemaphoreType.DMA,
            pltpu.SemaphoreType.DMA,
            pltpu.SemaphoreType.DMA,
            pltpu.SemaphoreType.DMA,
            pltpu.SemaphoreType.DMA,
            pltpu.VMEM_SHARED((NPAD, H), jnp.float32),
            pltpu.VMEM_SHARED((DR, H), jnp.float32),
        ],
    )
    def edge_kernel(h_hbm, asrc_hbm, adst_hbm, src_hbm, dst_hbm,
                    out_hbm, dout_hbm,
                    srcA_v, srcB_v, dstA0_v, dstA1_v, dstB0_v, dstB1_v,
                    asrc_v, adst_v,
                    ps_v, rows0_v, rows1_v, den_v, ident_v,
                    sem_g0, sem_g1, sem_s0, sem_s1, sem_iA, sem_iB,
                    acc_sh, den_sh):
        cid = lax.axis_index("c")
        sid = lax.axis_index("s")

        pltpu.sync_copy(asrc_hbm, asrc_v)
        pltpu.sync_copy(adst_hbm, adst_v)

        @pl.loop(0, CH)
        def _(j):
            for c in range(0, H, 16):
                rows0_v[j, pl.ds(c, 16)] = jnp.zeros((16,), jnp.float32)

        @pl.loop(0, DR)
        def _(j):
            for c in range(0, H, 16):
                den_v[j, pl.ds(c, 16)] = jnp.zeros((16,), jnp.float32)

        lane16 = lax.iota(jnp.int32, 16)

        @pl.loop(0, DR, step=16)
        def _(k):
            ident_v[pl.ds(k, 16)] = lane16 + k

        row0 = sid * ROWS_PT

        @pl.loop(0, ROWS_PT, step=CH)
        def _(r):
            pltpu.sync_copy(rows0_v, acc_sh.at[pl.ds(row0 + r, CH)])

        @pl.when(sid < DR // 8)
        def _():
            pltpu.sync_copy(rows0_v.at[pl.ds(0, 8)],
                            den_sh.at[pl.ds(sid * 8, 8)])

        def _vmaxs(i, m):
            return jnp.maximum(m, asrc_v[pl.ds(i * 16, 16)])
        msrc = lax.fori_loop(0, N // 16, _vmaxs,
                             jnp.full((16,), -1e30, jnp.float32))

        def _vmaxd(i, m):
            return jnp.maximum(m, adst_v[pl.ds(i * 16, 16)])
        mdst = lax.fori_loop(0, N // 16, _vmaxd,
                             jnp.full((16,), -1e30, jnp.float32))
        g = jnp.maximum(
            lax.reduce_max(msrc, (0,)) + lax.reduce_max(mdst, (0,)), 0.0)
        gvec = jnp.zeros((16,), jnp.float32) + g

        plsc.subcore_barrier()

        tid = cid * NSUB + sid
        nch = NCH0 + 4 * jnp.where(tid < XTRA, 1, 0)
        tile_base = tid * (NCH0 * CH) + 4 * CH * jnp.minimum(tid, XTRA)
        sem_g = (sem_g0, sem_g1)
        sem_s = (sem_s0, sem_s1)
        rows_b = (rows0_v, rows1_v)
        src_p = (srcA_v, srcB_v)
        dst_p = ((dstA0_v, dstA1_v), (dstB0_v, dstB1_v))
        sem_i = (sem_iA, sem_iB)

        def _idx_descs(chunk, pp):
            base = jnp.minimum(tile_base + chunk * CH, E - 2 * CH)
            return (
                pltpu.make_async_copy(
                    src_hbm.at[pl.ds(base, 2 * CH)], src_p[pp], sem_i[pp]),
                pltpu.make_async_copy(
                    dst_hbm.at[pl.ds(base, CH)], dst_p[pp][0], sem_i[pp]),
                pltpu.make_async_copy(
                    dst_hbm.at[pl.ds(base + CH, CH)], dst_p[pp][1],
                    sem_i[pp]),
            )

        def _idx_start(chunk, pp):
            for d in _idx_descs(chunk, pp):
                d.start()

        def _idx_wait(chunk, pp):
            for d in _idx_descs(chunk, pp):
                d.wait()

        def _gather_start(b, pp):
            pltpu.async_copy(h_hbm.at[src_p[pp].at[pl.ds(b * CH, CH)]],
                             rows_b[b], sem_g[b])

        def _gather_wait(b, pp):
            pltpu.make_async_copy(h_hbm.at[src_p[pp].at[pl.ds(b * CH, CH)]],
                                  rows_b[b], sem_g[b]).wait()

        def _scatter_start(b, pp):
            pltpu.async_copy(rows_b[b], acc_sh.at[dst_p[pp][b]], sem_s[b],
                             add=True)

        def _scatter_wait(b, pp):
            pltpu.make_async_copy(rows_b[b], acc_sh.at[dst_p[pp][b]],
                                  sem_s[b]).wait()

        def _compute(b, pp):
            po = b * CH
            dref = dst_p[pp][b]

            @pl.loop(0, CH, step=16)
            def _(i):
                s16 = src_p[pp][pl.ds(po + i, 16)]
                d16 = dref[pl.ds(i, 16)]
                a_s = plsc.load_gather(asrc_v, [s16])
                a_d = plsc.load_gather(adst_v, [d16])
                e = a_s + a_d
                e = jnp.where(e > 0.0, e, e * 0.2)
                p = jnp.exp(e - gvec)
                ps_v[pl.ds(po + i, 16)] = p
                plsc.addupdate_scatter(
                    den_v, [lax.shift_right_logical(d16, 7),
                            lax.bitwise_and(d16, 127)], p)

            @plsc.parallel_loop(0, CH, unroll=4)
            def _(j):
                pj = plsc.load_gather(
                    ps_v, [jnp.zeros((16,), jnp.int32) + (po + j)])
                for c in range(0, H, 16):
                    rows_b[b][j, pl.ds(c, 16)] = (
                        rows_b[b][j, pl.ds(c, 16)] * pj)

        _idx_start(0, 0)
        _idx_wait(0, 0)
        _gather_start(0, 0)
        _gather_start(1, 0)
        _idx_start(2, 1)

        @pl.loop(0, nch, step=4)
        def _(k):
            _gather_wait(0, 0)
            _compute(0, 0)
            _scatter_start(0, 0)

            _gather_wait(1, 0)
            _compute(1, 0)
            _scatter_start(1, 0)

            _scatter_wait(0, 0)
            _idx_wait(k + 2, 1)
            _gather_start(0, 1)
            _scatter_wait(1, 0)
            _gather_start(1, 1)
            _idx_start(k + 4, 0)

            _gather_wait(0, 1)
            _compute(0, 1)
            _scatter_start(0, 1)

            _gather_wait(1, 1)
            _compute(1, 1)
            _scatter_start(1, 1)

            _scatter_wait(0, 1)
            _idx_wait(k + 4, 0)
            _gather_start(0, 0)
            _scatter_wait(1, 1)
            _gather_start(1, 0)
            _idx_start(k + 6, 1)

        _gather_wait(0, 0)
        _gather_wait(1, 0)
        _idx_wait(nch + 2, 1)

        pltpu.sync_copy(den_v, den_sh.at[ident_v], add=True)

        plsc.subcore_barrier()

        @pl.loop(0, ROWS_PT, step=2 * CH)
        def _(r):
            pltpu.sync_copy(acc_sh.at[pl.ds(row0 + r, 2 * CH)],
                            out_hbm.at[cid].at[pl.ds(row0 + r, 2 * CH)])

        @pl.when(sid < DR // 8)
        def _():
            pltpu.sync_copy(den_sh.at[pl.ds(sid * 8, 8)],
                            dout_hbm.at[cid].at[pl.ds(sid * 8, 8)])

    return edge_kernel(h_src, a_src, a_dst, src, dst)


def kernel(x, edge_index, W_src, W_dst, att_src, att_dst, bias_conv,
           W_lin, b_lin):
    ei = edge_index.astype(jnp.int32)
    src = ei[0]
    dst = ei[1]
    h_src, a_src, a_dst = _tc_proj(
        x, W_src, W_dst,
        att_src.reshape(H, 1).astype(jnp.float32),
        att_dst.reshape(H, 1).astype(jnp.float32))
    acc, dacc = _sc_edges(h_src, a_src.reshape(N), a_dst.reshape(N), src, dst)
    den = dacc.reshape(NCORES, NPAD)[:, :N].reshape(NCORES, N, 1)
    return _tc_final(acc, den, bias_conv.reshape(1, H), W_lin,
                     b_lin.reshape(1, OUT))

# --- scband reference (transcript-rebuilt; emitter-appended) ---
"""Pipeline reference for scband-gat-4681514352902 (READ-ONLY COPY).

The authoritative reference and input builder live on the scoring server;
editing this copy changes nothing except your own understanding.
"""

import jax, jax.numpy as jnp
import numpy as np

N = 10000
E = 320000
D = 128
H = 128
OUT = 128

def setup_inputs(seed: int = 0) -> dict:
    key = jax.random.key(seed)
    ks = jax.random.split(key, 10)
    x = jax.random.normal(ks[0], (N, D), dtype=jnp.float32)
    edge_index = jax.random.randint(ks[1], (2, E), 0, N, dtype=jnp.int64)
    s = 1.0 / np.sqrt(D)
    W_src = jax.random.normal(ks[2], (D, H), dtype=jnp.float32) * s
    W_dst = jax.random.normal(ks[3], (D, H), dtype=jnp.float32) * s
    att_src = jax.random.normal(ks[4], (H,), dtype=jnp.float32) * (1.0 / np.sqrt(H))
    att_dst = jax.random.normal(ks[5], (H,), dtype=jnp.float32) * (1.0 / np.sqrt(H))
    bias_conv = jnp.zeros((H,), dtype=jnp.float32)
    W_lin = jax.random.normal(ks[6], (H, OUT), dtype=jnp.float32) * (1.0 / np.sqrt(H))
    b_lin = jnp.zeros((OUT,), dtype=jnp.float32)
    return {"x": x, "edge_index": edge_index, "W_src": W_src, "W_dst": W_dst,
            "att_src": att_src, "att_dst": att_dst, "bias_conv": bias_conv,
            "W_lin": W_lin, "b_lin": b_lin}

def reference(x, edge_index, W_src, W_dst, att_src, att_dst, bias_conv, W_lin, b_lin):
    # GATConv((-1,-1), dim_h, heads=1, add_self_loops=False): separate src/dst linears
    src = edge_index[0]
    dst = edge_index[1]
    n = x.shape[0]
    h_src = x @ W_src  # [N, H]
    h_dst = x @ W_dst  # [N, H]
    a_src = jnp.sum(h_src * att_src, axis=-1)  # [N]
    a_dst = jnp.sum(h_dst * att_dst, axis=-1)  # [N]
    e = a_src[src] + a_dst[dst]  # [E]
    e = jax.nn.leaky_relu(e, negative_slope=0.2)
    # softmax over incoming edges per destination node
    e_max = jax.ops.segment_max(e, dst, num_segments=n)
    e_max = jnp.where(jnp.isfinite(e_max), e_max, 0.0)
    e_exp = jnp.exp(e - e_max[dst])
    denom = jax.ops.segment_sum(e_exp, dst, num_segments=n)
    alpha = e_exp / (denom[dst] + 1e-16)  # [E]
    msg = h_src[src] * alpha[:, None]  # [E, H]
    out = jax.ops.segment_sum(msg, dst, num_segments=n) + bias_conv  # [N, H]
    h = jax.nn.relu(out)
    return h @ W_lin + b_lin

if __name__ == "__main__":
    import jax
    _d = setup_inputs()
    print(jax.jit(kernel)(*tuple(_d.values())))

</pallas_src>

<mosaic_0001>
#map = affine_map<(d0, d1) -> (0, 0)>
#map1 = affine_map<(d0, d1) -> (0)>
#map2 = affine_map<(d0, d1) -> (0, 0, 0)>
module attributes {stable_mosaic.version = 14 : i64} {
  func.func @edge_kernel(%arg0: i32, %arg1: i32, %arg2: memref<10000x128xf32, #tpu.memory_space<hbm>>, %arg3: memref<10000xf32, #tpu.memory_space<hbm>>, %arg4: memref<10000xf32, #tpu.memory_space<hbm>>, %arg5: memref<320000xi32, #tpu.memory_space<hbm>>, %arg6: memref<320000xi32, #tpu.memory_space<hbm>>, %arg7: memref<2x10240x128xf32, #tpu.memory_space<hbm>>, %arg8: memref<2x80x128xf32, #tpu.memory_space<hbm>>, %arg9: memref<128xi32, #tpu.memory_space<vmem>>, %arg10: memref<128xi32, #tpu.memory_space<vmem>>, %arg11: memref<64xi32, #tpu.memory_space<vmem>>, %arg12: memref<64xi32, #tpu.memory_space<vmem>>, %arg13: memref<64xi32, #tpu.memory_space<vmem>>, %arg14: memref<64xi32, #tpu.memory_space<vmem>>, %arg15: memref<10000xf32, #tpu.memory_space<vmem>>, %arg16: memref<10000xf32, #tpu.memory_space<vmem>>, %arg17: memref<128xf32, #tpu.memory_space<vmem>>, %arg18: memref<64x128xf32, #tpu.memory_space<vmem>>, %arg19: memref<64x128xf32, #tpu.memory_space<vmem>>, %arg20: memref<80x128xf32, #tpu.memory_space<vmem>>, %arg21: memref<80xi32, #tpu.memory_space<vmem>>, %arg22: memref<!tpu.dma_semaphore, #tpu.memory_space<semaphore_mem>>, %arg23: memref<!tpu.dma_semaphore, #tpu.memory_space<semaphore_mem>>, %arg24: memref<!tpu.dma_semaphore, #tpu.memory_space<semaphore_mem>>, %arg25: memref<!tpu.dma_semaphore, #tpu.memory_space<semaphore_mem>>, %arg26: memref<!tpu.dma_semaphore, #tpu.memory_space<semaphore_mem>>, %arg27: memref<!tpu.dma_semaphore, #tpu.memory_space<semaphore_mem>>, %arg28: memref<10240x128xf32, #tpu.memory_space<vmem_shared>>, %arg29: memref<80x128xf32, #tpu.memory_space<vmem_shared>>) attributes {dimension_semantics = [#tpu.dimension_semantics<core_parallel>, #tpu.dimension_semantics<subcore_parallel>], iteration_bounds = array<i64: 2, 16>, scalar_prefetch = 0 : i64, scratch_operands = 21 : i64, tpu.core_type = #tpu.core_type<sc_vector_subcore>, window_params = [{transform_indices = #map}, {transform_indices = #map1}, {transform_indices = #map1}, {transform_indices = #map1}, {transform_indices = #map1}, {transform_indices = #map2}, {transform_indices = #map2}]} {
    "tpu.region"() ({
      %run_scoped3A = tpu.sem_alloc : memref<!tpu.dma_semaphore, #tpu.memory_space<semaphore_mem>>
      tpu.enqueue_dma source(%arg3 : memref<10000xf32, #tpu.memory_space<hbm>>) target(%arg15 : memref<10000xf32, #tpu.memory_space<vmem>>) target_semaphore(%run_scoped3A : memref<!tpu.dma_semaphore, #tpu.memory_space<semaphore_mem>>)
      tpu.wait_dma2 semaphore(%run_scoped3A : memref<!tpu.dma_semaphore, #tpu.memory_space<semaphore_mem>>) src(%arg3 : memref<10000xf32, #tpu.memory_space<hbm>>) dst(%arg15 : memref<10000xf32, #tpu.memory_space<vmem>>)
      tpu.yield
    }) : () -> ()
    "tpu.region"() ({
      %run_scoped3A = tpu.sem_alloc : memref<!tpu.dma_semaphore, #tpu.memory_space<semaphore_mem>>
      tpu.enqueue_dma source(%arg4 : memref<10000xf32, #tpu.memory_space<hbm>>) target(%arg16 : memref<10000xf32, #tpu.memory_space<vmem>>) target_semaphore(%run_scoped3A : memref<!tpu.dma_semaphore, #tpu.memory_space<semaphore_mem>>)
      tpu.wait_dma2 semaphore(%run_scoped3A : memref<!tpu.dma_semaphore, #tpu.memory_space<semaphore_mem>>) src(%arg4 : memref<10000xf32, #tpu.memory_space<hbm>>) dst(%arg16 : memref<10000xf32, #tpu.memory_space<vmem>>)
      tpu.yield
    }) : () -> ()
    %scan3A = arith.constant 0 : i32
    %scan3A_0 = arith.constant 64 : i32
    %scan3A_1 = arith.addi %scan3A, %scan3A_0 : i32
    %scan3A_2 = arith.constant 1 : i32
    scf.for %scan3A_161 = %scan3A to %scan3A_1 step %scan3A_2  : i32 {
      %mul3A_162 = arith.constant 1 : i32
      %mul3A_163 = arith.muli %scan3A_161, %mul3A_162 : i32
      %add3A_164 = arith.constant 0 : i32
      %add3A_165 = arith.addi %add3A_164, %mul3A_163 : i32
      %broadcast_in_dim3A_166 = arith.constant 0.000000e+00 : f32
      %broadcast_in_dim3A_167 = vector.broadcast %broadcast_in_dim3A_166 : f32 to vector<16xf32>
      %swap3A = arith.index_cast %add3A_165 : i32 to index
      %swap3A_168 = arith.constant 0 : index
      %swap3A_169 = tpu.vector_load %arg18[%swap3A, %swap3A_168] {strides = array<i32>} : memref<64x128xf32, #tpu.memory_space<vmem>>, vector<16xf32>,
      tpu.vector_store %arg18[%swap3A, %swap3A_168], %broadcast_in_dim3A_167 {strides = array<i32>} : memref<64x128xf32, #tpu.memory_space<vmem>>, vector<16xf32>,
      %broadcast_in_dim3A_170 = arith.constant 0.000000e+00 : f32
      %broadcast_in_dim3A_171 = vector.broadcast %broadcast_in_dim3A_170 : f32 to vector<16xf32>
      %swap3A_172 = arith.index_cast %add3A_165 : i32 to index
      %swap3A_173 = arith.constant 16 : index
      %swap3A_174 = tpu.vector_load %arg18[%swap3A_172, %swap3A_173] {strides = array<i32>} : memref<64x128xf32, #tpu.memory_space<vmem>>, vector<16xf32>,
      tpu.vector_store %arg18[%swap3A_172, %swap3A_173], %broadcast_in_dim3A_171 {strides = array<i32>} : memref<64x128xf32, #tpu.memory_space<vmem>>, vector<16xf32>,
      %broadcast_in_dim3A_175 = arith.constant 0.000000e+00 : f32
      %broadcast_in_dim3A_176 = vector.broadcast %broadcast_in_dim3A_175 : f32 to vector<16xf32>
      %swap3A_177 = arith.index_cast %add3A_165 : i32 to index
      %swap3A_178 = arith.constant 32 : index
      %swap3A_179 = tpu.vector_load %arg18[%swap3A_177, %swap3A_178] {strides = array<i32>} : memref<64x128xf32, #tpu.memory_space<vmem>>, vector<16xf32>,
      tpu.vector_store %arg18[%swap3A_177, %swap3A_178], %broadcast_in_dim3A_176 {strides = array<i32>} : memref<64x128xf32, #tpu.memory_space<vmem>>, vector<16xf32>,
      %broadcast_in_dim3A_180 = arith.constant 0.000000e+00 : f32
      %broadcast_in_dim3A_181 = vector.broadcast %broadcast_in_dim3A_180 : f32 to vector<16xf32>
      %swap3A_182 = arith.index_cast %add3A_165 : i32 to index
      %swap3A_183 = arith.constant 48 : index
      %swap3A_184 = tpu.vector_load %arg18[%swap3A_182, %swap3A_183] {strides = array<i32>} : memref<64x128xf32, #tpu.memory_space<vmem>>, vector<16xf32>,
      tpu.vector_store %arg18[%swap3A_182, %swap3A_183], %broadcast_in_dim3A_181 {strides = array<i32>} : memref<64x128xf32, #tpu.memory_space<vmem>>, vector<16xf32>,
      %broadcast_in_dim3A_185 = arith.constant 0.000000e+00 : f32
      %broadcast_in_dim3A_186 = vector.broadcast %broadcast_in_dim3A_185 : f32 to vector<16xf32>
      %swap3A_187 = arith.index_cast %add3A_165 : i32 to index
      %swap3A_188 = arith.constant 64 : index
      %swap3A_189 = tpu.vector_load %arg18[%swap3A_187, %swap3A_188] {strides = array<i32>} : memref<64x128xf32, #tpu.memory_space<vmem>>, vector<16xf32>,
      tpu.vector_store %arg18[%swap3A_187, %swap3A_188], %broadcast_in_dim3A_186 {strides = array<i32>} : memref<64x128xf32, #tpu.memory_space<vmem>>, vector<16xf32>,
      %broadcast_in_dim3A_190 = arith.constant 0.000000e+00 : f32
      %broadcast_in_dim3A_191 = vector.broadcast %broadcast_in_dim3A_190 : f32 to vector<16xf32>
      %swap3A_192 = arith.index_cast %add3A_165 : i32 to index
      %swap3A_193 = arith.constant 80 : index
      %swap3A_194 = tpu.vector_load %arg18[%swap3A_192, %swap3A_193] {strides = array<i32>} : memref<64x128xf32, #tpu.memory_space<vmem>>, vector<16xf32>,
      tpu.vector_store %arg18[%swap3A_192, %swap3A_193], %broadcast_in_dim3A_191 {strides = array<i32>} : memref<64x128xf32, #tpu.memory_space<vmem>>, vector<16xf32>,
      %broadcast_in_dim3A_195 = arith.constant 0.000000e+00 : f32
      %broadcast_in_dim3A_196 = vector.broadcast %broadcast_in_dim3A_195 : f32 to vector<16xf32>
      %swap3A_197 = arith.index_cast %add3A_165 : i32 to index
      %swap3A_198 = arith.constant 96 : index
      %swap3A_199 = tpu.vector_load %arg18[%swap3A_197, %swap3A_198] {strides = array<i32>} : memref<64x128xf32, #tpu.memory_space<vmem>>, vector<16xf32>,
      tpu.vector_store %arg18[%swap3A_197, %swap3A_198], %broadcast_in_dim3A_196 {strides = array<i32>} : memref<64x128xf32, #tpu.memory_space<vmem>>, vector<16xf32>,
      %broadcast_in_dim3A_200 = arith.constant 0.000000e+00 : f32
      %broadcast_in_dim3A_201 = vector.broadcast %broadcast_in_dim3A_200 : f32 to vector<16xf32>
      %swap3A_202 = arith.index_cast %add3A_165 : i32 to index
      %swap3A_203 = arith.constant 112 : index
      %swap3A_204 = tpu.vector_load %arg18[%swap3A_202, %swap3A_203] {strides = array<i32>} : memref<64x128xf32, #tpu.memory_space<vmem>>, vector<16xf32>,
      tpu.vector_store %arg18[%swap3A_202, %swap3A_203], %broadcast_in_dim3A_201 {strides = array<i32>} : memref<64x128xf32, #tpu.memory_space<vmem>>, vector<16xf32>,
    }
    %scan3A_3 = arith.constant 64 : i32
    %scan3A_4 = arith.constant 0 : i32
    %scan3A_5 = arith.constant 80 : i32
    %scan3A_6 = arith.addi %scan3A_4, %scan3A_5 : i32
    %scan3A_7 = arith.constant 1 : i32
    scf.for %scan3A_161 = %scan3A_4 to %scan3A_6 step %scan3A_7  : i32 {
      %mul3A_162 = arith.constant 1 : i32
      %mul3A_163 = arith.muli %scan3A_161, %mul3A_162 : i32
      %add3A_164 = arith.constant 0 : i32
      %add3A_165 = arith.addi %add3A_164, %mul3A_163 : i32
      %broadcast_in_dim3A_166 = arith.constant 0.000000e+00 : f32
      %broadcast_in_dim3A_167 = vector.broadcast %broadcast_in_dim3A_166 : f32 to vector<16xf32>
      %swap3A = arith.index_cast %add3A_165 : i32 to index
      %swap3A_168 = arith.constant 0 : index
      %swap3A_169 = tpu.vector_load %arg20[%swap3A, %swap3A_168] {strides = array<i32>} : memref<80x128xf32, #tpu.memory_space<vmem>>, vector<16xf32>,
      tpu.vector_store %arg20[%swap3A, %swap3A_168], %broadcast_in_dim3A_167 {strides = array<i32>} : memref<80x128xf32, #tpu.memory_space<vmem>>, vector<16xf32>,
      %broadcast_in_dim3A_170 = arith.constant 0.000000e+00 : f32
      %broadcast_in_dim3A_171 = vector.broadcast %broadcast_in_dim3A_170 : f32 to vector<16xf32>
      %swap3A_172 = arith.index_cast %add3A_165 : i32 to index
      %swap3A_173 = arith.constant 16 : index
      %swap3A_174 = tpu.vector_load %arg20[%swap3A_172, %swap3A_173] {strides = array<i32>} : memref<80x128xf32, #tpu.memory_space<vmem>>, vector<16xf32>,
      tpu.vector_store %arg20[%swap3A_172, %swap3A_173], %broadcast_in_dim3A_171 {strides = array<i32>} : memref<80x128xf32, #tpu.memory_space<vmem>>, vector<16xf32>,
      %broadcast_in_dim3A_175 = arith.constant 0.000000e+00 : f32
      %broadcast_in_dim3A_176 = vector.broadcast %broadcast_in_dim3A_175 : f32 to vector<16xf32>
      %swap3A_177 = arith.index_cast %add3A_165 : i32 to index
      %swap3A_178 = arith.constant 32 : index
      %swap3A_179 = tpu.vector_load %arg20[%swap3A_177, %swap3A_178] {strides = array<i32>} : memref<80x128xf32, #tpu.memory_space<vmem>>, vector<16xf32>,
      tpu.vector_store %arg20[%swap3A_177, %swap3A_178], %broadcast_in_dim3A_176 {strides = array<i32>} : memref<80x128xf32, #tpu.memory_space<vmem>>, vector<16xf32>,
      %broadcast_in_dim3A_180 = arith.constant 0.000000e+00 : f32
      %broadcast_in_dim3A_181 = vector.broadcast %broadcast_in_dim3A_180 : f32 to vector<16xf32>
      %swap3A_182 = arith.index_cast %add3A_165 : i32 to index
      %swap3A_183 = arith.constant 48 : index
      %swap3A_184 = tpu.vector_load %arg20[%swap3A_182, %swap3A_183] {strides = array<i32>} : memref<80x128xf32, #tpu.memory_space<vmem>>, vector<16xf32>,
      tpu.vector_store %arg20[%swap3A_182, %swap3A_183], %broadcast_in_dim3A_181 {strides = array<i32>} : memref<80x128xf32, #tpu.memory_space<vmem>>, vector<16xf32>,
      %broadcast_in_dim3A_185 = arith.constant 0.000000e+00 : f32
      %broadcast_in_dim3A_186 = vector.broadcast %broadcast_in_dim3A_185 : f32 to vector<16xf32>
      %swap3A_187 = arith.index_cast %add3A_165 : i32 to index
      %swap3A_188 = arith.constant 64 : index
      %swap3A_189 = tpu.vector_load %arg20[%swap3A_187, %swap3A_188] {strides = array<i32>} : memref<80x128xf32, #tpu.memory_space<vmem>>, vector<16xf32>,
      tpu.vector_store %arg20[%swap3A_187, %swap3A_188], %broadcast_in_dim3A_186 {strides = array<i32>} : memref<80x128xf32, #tpu.memory_space<vmem>>, vector<16xf32>,
      %broadcast_in_dim3A_190 = arith.constant 0.000000e+00 : f32
      %broadcast_in_dim3A_191 = vector.broadcast %broadcast_in_dim3A_190 : f32 to vector<16xf32>
      %swap3A_192 = arith.index_cast %add3A_165 : i32 to index
      %swap3A_193 = arith.constant 80 : index
      %swap3A_194 = tpu.vector_load %arg20[%swap3A_192, %swap3A_193] {strides = array<i32>} : memref<80x128xf32, #tpu.memory_space<vmem>>, vector<16xf32>,
      tpu.vector_store %arg20[%swap3A_192, %swap3A_193], %broadcast_in_dim3A_191 {strides = array<i32>} : memref<80x128xf32, #tpu.memory_space<vmem>>, vector<16xf32>,
      %broadcast_in_dim3A_195 = arith.constant 0.000000e+00 : f32
      %broadcast_in_dim3A_196 = vector.broadcast %broadcast_in_dim3A_195 : f32 to vector<16xf32>
      %swap3A_197 = arith.index_cast %add3A_165 : i32 to index
      %swap3A_198 = arith.constant 96 : index
      %swap3A_199 = tpu.vector_load %arg20[%swap3A_197, %swap3A_198] {strides = array<i32>} : memref<80x128xf32, #tpu.memory_space<vmem>>, vector<16xf32>,
      tpu.vector_store %arg20[%swap3A_197, %swap3A_198], %broadcast_in_dim3A_196 {strides = array<i32>} : memref<80x128xf32, #tpu.memory_space<vmem>>, vector<16xf32>,
      %broadcast_in_dim3A_200 = arith.constant 0.000000e+00 : f32
      %broadcast_in_dim3A_201 = vector.broadcast %broadcast_in_dim3A_200 : f32 to vector<16xf32>
      %swap3A_202 = arith.index_cast %add3A_165 : i32 to index
      %swap3A_203 = arith.constant 112 : index
      %swap3A_204 = tpu.vector_load %arg20[%swap3A_202, %swap3A_203] {strides = array<i32>} : memref<80x128xf32, #tpu.memory_space<vmem>>, vector<16xf32>,
      tpu.vector_store %arg20[%swap3A_202, %swap3A_203], %broadcast_in_dim3A_201 {strides = array<i32>} : memref<80x128xf32, #tpu.memory_space<vmem>>, vector<16xf32>,
    }
    %scan3A_8 = arith.constant 80 : i32
    %iota3A = tpu.iota {dimensions = array<i32: 0>} : vector<16xi32>
    %scan3A_9 = arith.constant 0 : i32
    %scan3A_10 = arith.constant 5 : i32
    %scan3A_11 = arith.addi %scan3A_9, %scan3A_10 : i32
    %scan3A_12 = arith.constant 1 : i32
    scf.for %scan3A_161 = %scan3A_9 to %scan3A_11 step %scan3A_12  : i32 {
      %mul3A_162 = arith.constant 16 : i32
      %mul3A_163 = arith.muli %scan3A_161, %mul3A_162 : i32
      %add3A_164 = arith.constant 0 : i32
      %add3A_165 = arith.addi %add3A_164, %mul3A_163 : i32
      %add3A_166 = vector.broadcast %add3A_165 : i32 to vector<16xi32>
      %add3A_167 = arith.addi %iota3A, %add3A_166 : vector<16xi32>
      %swap3A = arith.index_cast %add3A_165 : i32 to index
      %swap3A_168 = tpu.vector_load %arg21[%swap3A] {strides = array<i32>} : memref<80xi32, #tpu.memory_space<vmem>>, vector<16xi32>,
      tpu.vector_store %arg21[%swap3A], %add3A_167 {strides = array<i32>} : memref<80xi32, #tpu.memory_space<vmem>>, vector<16xi32>,
    }
    %scan3A_13 = arith.constant 5 : i32
    %mul3A = arith.constant 640 : i32
    %mul3A_14 = arith.muli %arg1, %mul3A : i32
    %scan3A_15 = arith.constant 0 : i32
    %scan3A_16 = arith.constant 10 : i32
    %scan3A_17 = arith.addi %scan3A_15, %scan3A_16 : i32
    %scan3A_18 = arith.constant 1 : i32
    scf.for %scan3A_161 = %scan3A_15 to %scan3A_17 step %scan3A_18  : i32 {
      %mul3A_162 = arith.constant 64 : i32
      %mul3A_163 = arith.muli %scan3A_161, %mul3A_162 : i32
      %add3A_164 = arith.constant 0 : i32
      %add3A_165 = arith.addi %add3A_164, %mul3A_163 : i32
      %add3A_166 = arith.addi %mul3A_14, %add3A_165 : i32
      "tpu.region"() ({
        %run_scoped3A = tpu.sem_alloc : memref<!tpu.dma_semaphore, #tpu.memory_space<semaphore_mem>>
        %dma_start3A_167 = arith.constant 0 : i32
        %dma_start3A_168 = tpu.memref_slice %arg28[%add3A_166, %dma_start3A_167] : memref<10240x128xf32, #tpu.memory_space<vmem_shared>> -> memref<64x128xf32, #tpu.memory_space<vmem_shared>>
        %dma_start3A_169 = arith.constant 0 : i32
        %dma_start3A_170 = tpu.memref_slice %arg28[%add3A_166, %dma_start3A_169] : memref<10240x128xf32, #tpu.memory_space<vmem_shared>> -> memref<64x128xf32, #tpu.memory_space<vmem_shared>>
        tpu.enqueue_dma source(%arg18 : memref<64x128xf32, #tpu.memory_space<vmem>>) target(%dma_start3A_170 : memref<64x128xf32, #tpu.memory_space<vmem_shared>>) target_semaphore(%run_scoped3A : memref<!tpu.dma_semaphore, #tpu.memory_space<semaphore_mem>>)
        %dma_wait3A_171 = arith.constant 0 : i32
        %dma_wait3A_172 = tpu.memref_slice %arg28[%add3A_166, %dma_wait3A_171] : memref<10240x128xf32, #tpu.memory_space<vmem_shared>> -> memref<64x128xf32, #tpu.memory_space<vmem_shared>>
        %dma_wait3A_173 = arith.constant 0 : i32
        %dma_wait3A_174 = tpu.memref_slice %arg28[%add3A_166, %dma_wait3A_173] : memref<10240x128xf32, #tpu.memory_space<vmem_shared>> -> memref<64x128xf32, #tpu.memory_space<vmem_shared>>
        tpu.wait_dma2 semaphore(%run_scoped3A : memref<!tpu.dma_semaphore, #tpu.memory_space<semaphore_mem>>) src(%arg18 : memref<64x128xf32, #tpu.memory_space<vmem>>) dst(%dma_wait3A_174 : memref<64x128xf32, #tpu.memory_space<vmem_shared>>)
        tpu.yield
      }) : () -> ()
    }
    %scan3A_19 = arith.constant 10 : i32
    %lt3A = arith.constant 10 : i32
    %lt3A_20 = arith.cmpi slt, %arg1, %lt3A : i32
    %convert_element_type3A = arith.extui %lt3A_20 : i1 to i32
    %cond3A = arith.constant 0 : i32
    %cond3A_21 = arith.cmpi ne, %convert_element_type3A, %cond3A : i32
    scf.if %cond3A_21 {
      %mul3A_161 = arith.constant 8 : i32
      %mul3A_162 = arith.muli %arg1, %mul3A_161 : i32
      "tpu.region"() ({
        %run_scoped3A = tpu.sem_alloc : memref<!tpu.dma_semaphore, #tpu.memory_space<semaphore_mem>>
        %dma_start3A_163 = arith.constant 0 : i32
        %dma_start3A_164 = arith.constant 0 : i32
        %dma_start3A_165 = tpu.memref_slice %arg18[%dma_start3A_163, %dma_start3A_164] : memref<64x128xf32, #tpu.memory_space<vmem>> -> memref<8x128xf32, #tpu.memory_space<vmem>>
        %dma_start3A_166 = arith.constant 0 : i32
        %dma_start3A_167 = tpu.memref_slice %arg29[%mul3A_162, %dma_start3A_166] : memref<80x128xf32, #tpu.memory_space<vmem_shared>> -> memref<8x128xf32, #tpu.memory_space<vmem_shared>>
        %dma_start3A_168 = arith.constant 0 : i32
        %dma_start3A_169 = tpu.memref_slice %arg29[%mul3A_162, %dma_start3A_168] : memref<80x128xf32, #tpu.memory_space<vmem_shared>> -> memref<8x128xf32, #tpu.memory_space<vmem_shared>>
        %dma_start3A_170 = arith.constant 0 : i32
        %dma_start3A_171 = arith.constant 0 : i32
        %dma_start3A_172 = tpu.memref_slice %arg18[%dma_start3A_170, %dma_start3A_171] : memref<64x128xf32, #tpu.memory_space<vmem>> -> memref<8x128xf32, #tpu.memory_space<vmem>>
        tpu.enqueue_dma source(%dma_start3A_172 : memref<8x128xf32, #tpu.memory_space<vmem>>) target(%dma_start3A_169 : memref<8x128xf32, #tpu.memory_space<vmem_shared>>) target_semaphore(%run_scoped3A : memref<!tpu.dma_semaphore, #tpu.memory_space<semaphore_mem>>)
        %dma_wait3A_173 = arith.constant 0 : i32
        %dma_wait3A_174 = arith.constant 0 : i32
        %dma_wait3A_175 = tpu.memref_slice %arg18[%dma_wait3A_173, %dma_wait3A_174] : memref<64x128xf32, #tpu.memory_space<vmem>> -> memref<8x128xf32, #tpu.memory_space<vmem>>
        %dma_wait3A_176 = arith.constant 0 : i32
        %dma_wait3A_177 = tpu.memref_slice %arg29[%mul3A_162, %dma_wait3A_176] : memref<80x128xf32, #tpu.memory_space<vmem_shared>> -> memref<8x128xf32, #tpu.memory_space<vmem_shared>>
        %dma_wait3A_178 = arith.constant 0 : i32
        %dma_wait3A_179 = tpu.memref_slice %arg29[%mul3A_162, %dma_wait3A_178] : memref<80x128xf32, #tpu.memory_space<vmem_shared>> -> memref<8x128xf32, #tpu.memory_space<vmem_shared>>
        %dma_wait3A_180 = arith.constant 0 : i32
        %dma_wait3A_181 = arith.constant 0 : i32
        %dma_wait3A_182 = tpu.memref_slice %arg18[%dma_wait3A_180, %dma_wait3A_181] : memref<64x128xf32, #tpu.memory_space<vmem>> -> memref<8x128xf32, #tpu.memory_space<vmem>>
        tpu.wait_dma2 semaphore(%run_scoped3A : memref<!tpu.dma_semaphore, #tpu.memory_space<semaphore_mem>>) src(%dma_wait3A_182 : memref<8x128xf32, #tpu.memory_space<vmem>>) dst(%dma_wait3A_179 : memref<8x128xf32, #tpu.memory_space<vmem_shared>>)
        tpu.yield
      }) : () -> ()
    } else {
    }
    %broadcast_in_dim3A = arith.constant -1.000000e+30 : f32
    %broadcast_in_dim3A_22 = vector.broadcast %broadcast_in_dim3A : f32 to vector<16xf32>
    %scan3A_23 = arith.constant 0 : i32
    %scan3A_24 = arith.constant 625 : i32
    %scan3A_25 = arith.addi %scan3A_23, %scan3A_24 : i32
    %scan3A_26 = arith.constant 1 : i32
    %scan3A_27 = scf.for %scan3A_161 = %scan3A_23 to %scan3A_25 step %scan3A_26 iter_args(%scan3A_162 = %broadcast_in_dim3A_22) -> (vector<16xf32>)  : i32 {
      %mul3A_163 = arith.constant 16 : i32
      %mul3A_164 = arith.muli %scan3A_161, %mul3A_163 : i32
      %get3A = arith.index_cast %mul3A_164 : i32 to index
      %get3A_165 = tpu.vector_load %arg15[%get3A] {strides = array<i32>} : memref<10000xf32, #tpu.memory_space<vmem>>, vector<16xf32>,
      %max3A_166 = arith.maximumf %scan3A_162, %get3A_165 : vector<16xf32>
      scf.yield %max3A_166 : vector<16xf32>
    }
    %scan3A_28 = arith.constant 625 : i32
    %broadcast_in_dim3A_29 = arith.constant -1.000000e+30 : f32
    %broadcast_in_dim3A_30 = vector.broadcast %broadcast_in_dim3A_29 : f32 to vector<16xf32>
    %scan3A_31 = arith.constant 0 : i32
    %scan3A_32 = arith.constant 625 : i32
    %scan3A_33 = arith.addi %scan3A_31, %scan3A_32 : i32
    %scan3A_34 = arith.constant 1 : i32
    %scan3A_35 = scf.for %scan3A_161 = %scan3A_31 to %scan3A_33 step %scan3A_34 iter_args(%scan3A_162 = %broadcast_in_dim3A_30) -> (vector<16xf32>)  : i32 {
      %mul3A_163 = arith.constant 16 : i32
      %mul3A_164 = arith.muli %scan3A_161, %mul3A_163 : i32
      %get3A = arith.index_cast %mul3A_164 : i32 to index
      %get3A_165 = tpu.vector_load %arg16[%get3A] {strides = array<i32>} : memref<10000xf32, #tpu.memory_space<vmem>>, vector<16xf32>,
      %max3A_166 = arith.maximumf %scan3A_162, %get3A_165 : vector<16xf32>
      scf.yield %max3A_166 : vector<16xf32>
    }
    %scan3A_36 = arith.constant 625 : i32
    %reduce_max3A = arith.constant true
    %reduce_max3A_37 = vector.broadcast %reduce_max3A : i1 to vector<16xi1>
    %reduce_max3A_38 = tpu.scan <max>, %scan3A_27 masked %reduce_max3A_37 : vector<16xf32>, vector<16xi1> -> vector<16xf32>
    %reduce_max3A_39 = vector.extract %reduce_max3A_38[15] : f32 from vector<16xf32>
    %reduce_max3A_40 = arith.constant true
    %reduce_max3A_41 = vector.broadcast %reduce_max3A_40 : i1 to vector<16xi1>
    %reduce_max3A_42 = tpu.scan <max>, %scan3A_35 masked %reduce_max3A_41 : vector<16xf32>, vector<16xi1> -> vector<16xf32>
    %reduce_max3A_43 = vector.extract %reduce_max3A_42[15] : f32 from vector<16xf32>
    %add3A = arith.addf %reduce_max3A_39, %reduce_max3A_43 : f32
    %max3A = arith.constant 0.000000e+00 : f32
    %max3A_44 = arith.maximumf %add3A, %max3A : f32
    %broadcast_in_dim3A_45 = arith.constant 0.000000e+00 : f32
    %broadcast_in_dim3A_46 = vector.broadcast %broadcast_in_dim3A_45 : f32 to vector<16xf32>
    %add3A_47 = vector.broadcast %max3A_44 : f32 to vector<16xf32>
    %add3A_48 = arith.addf %broadcast_in_dim3A_46, %add3A_47 : vector<16xf32>
    %barrier3A = arith.constant 0 : index
    tpu.barrier barrier_id(%barrier3A)
    %mul3A_49 = arith.constant 16 : i32
    %mul3A_50 = arith.muli %arg0, %mul3A_49 : i32
    %add3A_51 = arith.addi %mul3A_50, %arg1 : i32
    %lt3A_52 = arith.constant 2 : i32
    %lt3A_53 = arith.cmpi slt, %add3A_51, %lt3A_52 : i32
    %jit3A = arith.constant 1 : i32
    %jit3A_54 = arith.constant 0 : i32
    %select_n3A = arith.select %lt3A_53, %jit3A, %jit3A_54 : i32
    %mul3A_55 = arith.constant 4 : i32
    %mul3A_56 = arith.muli %mul3A_55, %select_n3A : i32
    %add3A_57 = arith.constant 156 : i32
    %add3A_58 = arith.addi %add3A_57, %mul3A_56 : i32
    %mul3A_59 = arith.constant 9984 : i32
    %mul3A_60 = arith.muli %add3A_51, %mul3A_59 : i32
    %min3A = arith.constant 2 : i32
    %min3A_61 = arith.minsi %add3A_51, %min3A : i32
    %mul3A_62 = arith.constant 256 : i32
    %mul3A_63 = arith.muli %mul3A_62, %min3A_61 : i32
    %add3A_64 = arith.addi %mul3A_60, %mul3A_63 : i32
    %add3A_65 = arith.constant 0 : i32
    %add3A_66 = arith.addi %add3A_64, %add3A_65 : i32
    %min3A_67 = arith.constant 319872 : i32
    %min3A_68 = arith.minsi %add3A_66, %min3A_67 : i32
    %add3A_69 = arith.constant 64 : i32
    %add3A_70 = arith.addi %min3A_68, %add3A_69 : i32
    %dma_start3A = tpu.memref_slice %arg5[%min3A_68] : memref<320000xi32, #tpu.memory_space<hbm>> -> memref<128xi32, #tpu.memory_space<hbm>>
    %dma_start3A_71 = tpu.memref_slice %arg5[%min3A_68] : memref<320000xi32, #tpu.memory_space<hbm>> -> memref<128xi32, #tpu.memory_space<hbm>>
    tpu.enqueue_dma source(%dma_start3A_71 : memref<128xi32, #tpu.memory_space<hbm>>) target(%arg9 : memref<128xi32, #tpu.memory_space<vmem>>) target_semaphore(%arg26 : memref<!tpu.dma_semaphore, #tpu.memory_space<semaphore_mem>>)
    %dma_start3A_72 = tpu.memref_slice %arg6[%min3A_68] : memref<320000xi32, #tpu.memory_space<hbm>> -> memref<64xi32, #tpu.memory_space<hbm>>
    %dma_start3A_73 = tpu.memref_slice %arg6[%min3A_68] : memref<320000xi32, #tpu.memory_space<hbm>> -> memref<64xi32, #tpu.memory_space<hbm>>
    tpu.enqueue_dma source(%dma_start3A_73 : memref<64xi32, #tpu.memory_space<hbm>>) target(%arg11 : memref<64xi32, #tpu.memory_space<vmem>>) target_semaphore(%arg26 : memref<!tpu.dma_semaphore, #tpu.memory_space<semaphore_mem>>)
    %dma_start3A_74 = tpu.memref_slice %arg6[%add3A_70] : memref<320000xi32, #tpu.memory_space<hbm>> -> memref<64xi32, #tpu.memory_space<hbm>>
    %dma_start3A_75 = tpu.memref_slice %arg6[%add3A_70] : memref<320000xi32, #tpu.memory_space<hbm>> -> memref<64xi32, #tpu.memory_space<hbm>>
    tpu.enqueue_dma source(%dma_start3A_75 : memref<64xi32, #tpu.memory_space<hbm>>) target(%arg12 : memref<64xi32, #tpu.memory_space<vmem>>) target_semaphore(%arg26 : memref<!tpu.dma_semaphore, #tpu.memory_space<semaphore_mem>>)
    %add3A_76 = arith.constant 0 : i32
    %add3A_77 = arith.addi %add3A_64, %add3A_76 : i32
    %min3A_78 = arith.constant 319872 : i32
    %min3A_79 = arith.minsi %add3A_77, %min3A_78 : i32
    %add3A_80 = arith.constant 64 : i32
    %add3A_81 = arith.addi %min3A_79, %add3A_80 : i32
    %dma_wait3A = tpu.memref_slice %arg5[%min3A_79] : memref<320000xi32, #tpu.memory_space<hbm>> -> memref<128xi32, #tpu.memory_space<hbm>>
    %dma_wait3A_82 = tpu.memref_slice %arg5[%min3A_79] : memref<320000xi32, #tpu.memory_space<hbm>> -> memref<128xi32, #tpu.memory_space<hbm>>
    tpu.wait_dma2 semaphore(%arg26 : memref<!tpu.dma_semaphore, #tpu.memory_space<semaphore_mem>>) src(%dma_wait3A_82 : memref<128xi32, #tpu.memory_space<hbm>>) dst(%arg9 : memref<128xi32, #tpu.memory_space<vmem>>)
    %dma_wait3A_83 = tpu.memref_slice %arg6[%min3A_79] : memref<320000xi32, #tpu.memory_space<hbm>> -> memref<64xi32, #tpu.memory_space<hbm>>
    %dma_wait3A_84 = tpu.memref_slice %arg6[%min3A_79] : memref<320000xi32, #tpu.memory_space<hbm>> -> memref<64xi32, #tpu.memory_space<hbm>>
    tpu.wait_dma2 semaphore(%arg26 : memref<!tpu.dma_semaphore, #tpu.memory_space<semaphore_mem>>) src(%dma_wait3A_84 : memref<64xi32, #tpu.memory_space<hbm>>) dst(%arg11 : memref<64xi32, #tpu.memory_space<vmem>>)
    %dma_wait3A_85 = tpu.memref_slice %arg6[%add3A_81] : memref<320000xi32, #tpu.memory_space<hbm>> -> memref<64xi32, #tpu.memory_space<hbm>>
    %dma_wait3A_86 = tpu.memref_slice %arg6[%add3A_81] : memref<320000xi32, #tpu.memory_space<hbm>> -> memref<64xi32, #tpu.memory_space<hbm>>
    tpu.wait_dma2 semaphore(%arg26 : memref<!tpu.dma_semaphore, #tpu.memory_space<semaphore_mem>>) src(%dma_wait3A_86 : memref<64xi32, #tpu.memory_space<hbm>>) dst(%arg12 : memref<64xi32, #tpu.memory_space<vmem>>)
    %dma_start3A_87 = arith.constant 0 : i32
    %dma_start3A_88 = tpu.memref_slice %arg9[%dma_start3A_87] : memref<128xi32, #tpu.memory_space<vmem>> -> memref<64xi32, #tpu.memory_space<vmem>>
    %dma_start3A_89 = arith.constant 0 : i32
    %dma_start3A_90 = arith.constant 0 : i32
    %dma_start3A_91 = tpu.memref_slice %arg2[%dma_start3A_89, %dma_start3A_90] : memref<10000x128xf32, #tpu.memory_space<hbm>> -> memref<10000x128xf32, #tpu.memory_space<hbm>>
    tpu.enqueue_indirect_dma source(%dma_start3A_91 : memref<10000x128xf32, #tpu.memory_space<hbm>>) target(%arg18 : memref<64x128xf32, #tpu.memory_space<vmem>>) offsets(%dma_start3A_88 : memref<64xi32, #tpu.memory_space<vmem>>) semaphore(%arg22 : memref<!tpu.dma_semaphore, #tpu.memory_space<semaphore_mem>>)
    %dma_start3A_92 = arith.constant 64 : i32
    %dma_start3A_93 = tpu.memref_slice %arg9[%dma_start3A_92] : memref<128xi32, #tpu.memory_space<vmem>> -> memref<64xi32, #tpu.memory_space<vmem>>
    %dma_start3A_94 = arith.constant 0 : i32
    %dma_start3A_95 = arith.constant 0 : i32
    %dma_start3A_96 = tpu.memref_slice %arg2[%dma_start3A_94, %dma_start3A_95] : memref<10000x128xf32, #tpu.memory_space<hbm>> -> memref<10000x128xf32, #tpu.memory_space<hbm>>
    tpu.enqueue_indirect_dma source(%dma_start3A_96 : memref<10000x128xf32, #tpu.memory_space<hbm>>) target(%arg19 : memref<64x128xf32, #tpu.memory_space<vmem>>) offsets(%dma_start3A_93 : memref<64xi32, #tpu.memory_space<vmem>>) semaphore(%arg23 : memref<!tpu.dma_semaphore, #tpu.memory_space<semaphore_mem>>)
    %add3A_97 = arith.constant 128 : i32
    %add3A_98 = arith.addi %add3A_64, %add3A_97 : i32
    %min3A_99 = arith.constant 319872 : i32
    %min3A_100 = arith.minsi %add3A_98, %min3A_99 : i32
    %add3A_101 = arith.constant 64 : i32
    %add3A_102 = arith.addi %min3A_100, %add3A_101 : i32
    %dma_start3A_103 = tpu.memref_slice %arg5[%min3A_100] : memref<320000xi32, #tpu.memory_space<hbm>> -> memref<128xi32, #tpu.memory_space<hbm>>
    %dma_start3A_104 = tpu.memref_slice %arg5[%min3A_100] : memref<320000xi32, #tpu.memory_space<hbm>> -> memref<128xi32, #tpu.memory_space<hbm>>
    tpu.enqueue_dma source(%dma_start3A_104 : memref<128xi32, #tpu.memory_space<hbm>>) target(%arg10 : memref<128xi32, #tpu.memory_space<vmem>>) target_semaphore(%arg27 : memref<!tpu.dma_semaphore, #tpu.memory_space<semaphore_mem>>)
    %dma_start3A_105 = tpu.memref_slice %arg6[%min3A_100] : memref<320000xi32, #tpu.memory_space<hbm>> -> memref<64xi32, #tpu.memory_space<hbm>>
    %dma_start3A_106 = tpu.memref_slice %arg6[%min3A_100] : memref<320000xi32, #tpu.memory_space<hbm>> -> memref<64xi32, #tpu.memory_space<hbm>>
    tpu.enqueue_dma source(%dma_start3A_106 : memref<64xi32, #tpu.memory_space<hbm>>) target(%arg13 : memref<64xi32, #tpu.memory_space<vmem>>) target_semaphore(%arg27 : memref<!tpu.dma_semaphore, #tpu.memory_space<semaphore_mem>>)
    %dma_start3A_107 = tpu.memref_slice %arg6[%add3A_102] : memref<320000xi32, #tpu.memory_space<hbm>> -> memref<64xi32, #tpu.memory_space<hbm>>
    %dma_start3A_108 = tpu.memref_slice %arg6[%add3A_102] : memref<320000xi32, #tpu.memory_space<hbm>> -> memref<64xi32, #tpu.memory_space<hbm>>
    tpu.enqueue_dma source(%dma_start3A_108 : memref<64xi32, #tpu.memory_space<hbm>>) target(%arg14 : memref<64xi32, #tpu.memory_space<vmem>>) target_semaphore(%arg27 : memref<!tpu.dma_semaphore, #tpu.memory_space<semaphore_mem>>)
    %sub3A = arith.constant 0 : i32
    %sub3A_109 = arith.subi %add3A_58, %sub3A : i32
    %sub3A_110 = arith.constant 4 : i32
    %sub3A_111 = arith.constant 1 : i32
    %sub3A_112 = arith.subi %sub3A_110, %sub3A_111 : i32
    %add3A_113 = arith.addi %sub3A_109, %sub3A_112 : i32
    %div3A = arith.constant 4 : i32
    %div3A_114 = arith.divsi %add3A_113, %div3A : i32
    %while3A = arith.constant 4 : i32
    %while3A_115 = arith.constant 0 : i32
    %while3A_116 = arith.constant 0 : i32
    %while3A_117 = arith.subi %div3A_114, %while3A_116 : i32
    %while3A_118 = arith.addi %while3A_116, %while3A_117 : i32
    %while3A_119 = arith.constant 1 : i32
    %while3A_120 = arith.divsi %while3A_117, %while3A_119 : i32
    %while3A_121 = arith.muli %while3A_120, %while3A_119 : i32
    %while3A_122 = arith.addi %while3A_116, %while3A_121 : i32
    %while3A_123 = arith.constant 1 : i32
    scf.for %while3A_161 = %while3A_116 to %while3A_122 step %while3A_123  : i32 {
      %mul3A_162 = arith.muli %while3A_161, %while3A : i32
      %add3A_163 = arith.addi %while3A_115, %mul3A_162 : i32
      %dma_wait3A_164 = arith.constant 0 : i32
      %dma_wait3A_165 = tpu.memref_slice %arg9[%dma_wait3A_164] : memref<128xi32, #tpu.memory_space<vmem>> -> memref<64xi32, #tpu.memory_space<vmem>>
      %dma_wait3A_166 = arith.constant 0 : i32
      %dma_wait3A_167 = arith.constant 0 : i32
      %dma_wait3A_168 = tpu.memref_slice %arg2[%dma_wait3A_166, %dma_wait3A_167] : memref<10000x128xf32, #tpu.memory_space<hbm>> -> memref<10000x128xf32, #tpu.memory_space<hbm>>
      tpu.wait_indirect_dma semaphore(%arg22 : memref<!tpu.dma_semaphore, #tpu.memory_space<semaphore_mem>>) src(%dma_wait3A_168 : memref<10000x128xf32, #tpu.memory_space<hbm>>) dst(%arg18 : memref<64x128xf32, #tpu.memory_space<vmem>>)
      %scan3A_169 = arith.constant 0 : i32
      %scan3A_170 = arith.constant 4 : i32
      %scan3A_171 = arith.addi %scan3A_169, %scan3A_170 : i32
      %scan3A_172 = arith.constant 1 : i32
      scf.for %scan3A_319 = %scan3A_169 to %scan3A_171 step %scan3A_172  : i32 {
        %mul3A_320 = arith.constant 16 : i32
        %mul3A_321 = arith.muli %scan3A_319, %mul3A_320 : i32
        %add3A_322 = arith.constant 0 : i32
        %add3A_323 = arith.addi %add3A_322, %mul3A_321 : i32
        %add3A_324 = arith.constant 0 : i32
        %add3A_325 = arith.addi %add3A_324, %add3A_323 : i32
        %get3A = arith.index_cast %add3A_325 : i32 to index
        %get3A_326 = tpu.vector_load %arg9[%get3A] {strides = array<i32>} : memref<128xi32, #tpu.memory_space<vmem>>, vector<16xi32>,
        %get3A_327 = arith.index_cast %add3A_323 : i32 to index
        %get3A_328 = tpu.vector_load %arg11[%get3A_327] {strides = array<i32>} : memref<64xi32, #tpu.memory_space<vmem>>, vector<16xi32>,
        %gather3A = tpu.vector_load_idx %arg15[%get3A_326] : memref<10000xf32, #tpu.memory_space<vmem>>[vector<16xi32>], vector<16xf32>,
        %gather3A_329 = tpu.vector_load_idx %arg16[%get3A_328] : memref<10000xf32, #tpu.memory_space<vmem>>[vector<16xi32>], vector<16xf32>,
        %add3A_330 = arith.addf %gather3A, %gather3A_329 : vector<16xf32>
        %gt3A = arith.constant 0.000000e+00 : f32
        %gt3A_331 = vector.broadcast %gt3A : f32 to vector<16xf32>
        %gt3A_332 = arith.cmpf ogt, %add3A_330, %gt3A_331 : vector<16xf32>
        %mul3A_333 = arith.constant 2.000000e-01 : f32
        %mul3A_334 = vector.broadcast %mul3A_333 : f32 to vector<16xf32>
        %mul3A_335 = arith.mulf %add3A_330, %mul3A_334 : vector<16xf32>
        %select_n3A_336 = arith.select %gt3A_332, %add3A_330, %mul3A_335 : vector<16xi1>, vector<16xf32>
        %sub3A_337 = arith.subf %select_n3A_336, %add3A_48 : vector<16xf32>
        %exp3A = math.exp %sub3A_337 : vector<16xf32>
        %add3A_338 = arith.constant 0 : i32
        %add3A_339 = arith.addi %add3A_338, %add3A_323 : i32
        %swap3A = arith.index_cast %add3A_339 : i32 to index
        %swap3A_340 = tpu.vector_load %arg17[%swap3A] {strides = array<i32>} : memref<128xf32, #tpu.memory_space<vmem>>, vector<16xf32>,
        tpu.vector_store %arg17[%swap3A], %exp3A {strides = array<i32>} : memref<128xf32, #tpu.memory_space<vmem>>, vector<16xf32>,
        %shift_right_logical3A = arith.constant 7 : i32
        %shift_right_logical3A_341 = vector.broadcast %shift_right_logical3A : i32 to vector<16xi32>
        %shift_right_logical3A_342 = arith.shrui %get3A_328, %shift_right_logical3A_341 : vector<16xi32>
        %and3A = arith.constant 127 : i32
        %and3A_343 = vector.broadcast %and3A : i32 to vector<16xi32>
        %and3A_344 = arith.andi %get3A_328, %and3A_343 : vector<16xi32>
        tpu.vector_store_idx %arg20[%shift_right_logical3A_342, %and3A_344], %exp3A {add = true} : memref<80x128xf32, #tpu.memory_space<vmem>>[vector<16xi32>, vector<16xi32>], vector<16xf32>,
      }
      %scan3A_173 = arith.constant 4 : i32
      %parallel_loop3A = arith.constant 0 : i32
      %parallel_loop3A_174 = arith.constant 64 : i32
      %parallel_loop3A_175 = arith.constant 1 : i32
      scf.for %parallel_loop3A_319 = %parallel_loop3A to %parallel_loop3A_174 step %parallel_loop3A_175  : i32 {
        %parallel_loop3A_320 = arith.constant 0 : i32
        %parallel_loop3A_321 = vector.broadcast %parallel_loop3A_320 : i32 to vector<16xi32>
        %parallel_loop3A_322 = arith.constant 0 : i32
        %parallel_loop3A_323 = arith.addi %parallel_loop3A_322, %parallel_loop3A_319 : i32
        %parallel_loop3A_324 = vector.broadcast %parallel_loop3A_323 : i32 to vector<16xi32>
        %parallel_loop3A_325 = arith.addi %parallel_loop3A_321, %parallel_loop3A_324 : vector<16xi32>
        %parallel_loop3A_326 = tpu.vector_load_idx %arg17[%parallel_loop3A_325] : memref<128xf32, #tpu.memory_space<vmem>>[vector<16xi32>], vector<16xf32>,
        %parallel_loop3A_327 = arith.index_cast %parallel_loop3A_319 : i32 to index
        %parallel_loop3A_328 = arith.constant 0 : index
        %parallel_loop3A_329 = tpu.vector_load %arg18[%parallel_loop3A_327, %parallel_loop3A_328] {strides = array<i32>} : memref<64x128xf32, #tpu.memory_space<vmem>>, vector<16xf32>,
        %parallel_loop3A_330 = arith.mulf %parallel_loop3A_329, %parallel_loop3A_326 : vector<16xf32>
        %parallel_loop3A_331 = arith.index_cast %parallel_loop3A_319 : i32 to index
        %parallel_loop3A_332 = arith.constant 0 : index
        %parallel_loop3A_333 = tpu.vector_load %arg18[%parallel_loop3A_331, %parallel_loop3A_332] {strides = array<i32>} : memref<64x128xf32, #tpu.memory_space<vmem>>, vector<16xf32>,
        tpu.vector_store %arg18[%parallel_loop3A_331, %parallel_loop3A_332], %parallel_loop3A_330 {strides = array<i32>} : memref<64x128xf32, #tpu.memory_space<vmem>>, vector<16xf32>,
        %parallel_loop3A_334 = arith.index_cast %parallel_loop3A_319 : i32 to index
        %parallel_loop3A_335 = arith.constant 16 : index
        %parallel_loop3A_336 = tpu.vector_load %arg18[%parallel_loop3A_334, %parallel_loop3A_335] {strides = array<i32>} : memref<64x128xf32, #tpu.memory_space<vmem>>, vector<16xf32>,
        %parallel_loop3A_337 = arith.mulf %parallel_loop3A_336, %parallel_loop3A_326 : vector<16xf32>
        %parallel_loop3A_338 = arith.index_cast %parallel_loop3A_319 : i32 to index
        %parallel_loop3A_339 = arith.constant 16 : index
        %parallel_loop3A_340 = tpu.vector_load %arg18[%parallel_loop3A_338, %parallel_loop3A_339] {strides = array<i32>} : memref<64x128xf32, #tpu.memory_space<vmem>>, vector<16xf32>,
        tpu.vector_store %arg18[%parallel_loop3A_338, %parallel_loop3A_339], %parallel_loop3A_337 {strides = array<i32>} : memref<64x128xf32, #tpu.memory_space<vmem>>, vector<16xf32>,
        %parallel_loop3A_341 = arith.index_cast %parallel_loop3A_319 : i32 to index
        %parallel_loop3A_342 = arith.constant 32 : index
        %parallel_loop3A_343 = tpu.vector_load %arg18[%parallel_loop3A_341, %parallel_loop3A_342] {strides = array<i32>} : memref<64x128xf32, #tpu.memory_space<vmem>>, vector<16xf32>,
        %parallel_loop3A_344 = arith.mulf %parallel_loop3A_343, %parallel_loop3A_326 : vector<16xf32>
        %parallel_loop3A_345 = arith.index_cast %parallel_loop3A_319 : i32 to index
        %parallel_loop3A_346 = arith.constant 32 : index
        %parallel_loop3A_347 = tpu.vector_load %arg18[%parallel_loop3A_345, %parallel_loop3A_346] {strides = array<i32>} : memref<64x128xf32, #tpu.memory_space<vmem>>, vector<16xf32>,
        tpu.vector_store %arg18[%parallel_loop3A_345, %parallel_loop3A_346], %parallel_loop3A_344 {strides = array<i32>} : memref<64x128xf32, #tpu.memory_space<vmem>>, vector<16xf32>,
        %parallel_loop3A_348 = arith.index_cast %parallel_loop3A_319 : i32 to index
        %parallel_loop3A_349 = arith.constant 48 : index
        %parallel_loop3A_350 = tpu.vector_load %arg18[%parallel_loop3A_348, %parallel_loop3A_349] {strides = array<i32>} : memref<64x128xf32, #tpu.memory_space<vmem>>, vector<16xf32>,
        %parallel_loop3A_351 = arith.mulf %parallel_loop3A_350, %parallel_loop3A_326 : vector<16xf32>
        %parallel_loop3A_352 = arith.index_cast %parallel_loop3A_319 : i32 to index
        %parallel_loop3A_353 = arith.constant 48 : index
        %parallel_loop3A_354 = tpu.vector_load %arg18[%parallel_loop3A_352, %parallel_loop3A_353] {strides = array<i32>} : memref<64x128xf32, #tpu.memory_space<vmem>>, vector<16xf32>,
        tpu.vector_store %arg18[%parallel_loop3A_352, %parallel_loop3A_353], %parallel_loop3A_351 {strides = array<i32>} : memref<64x128xf32, #tpu.memory_space<vmem>>, vector<16xf32>,
        %parallel_loop3A_355 = arith.index_cast %parallel_loop3A_319 : i32 to index
        %parallel_loop3A_356 = arith.constant 64 : index
        %parallel_loop3A_357 = tpu.vector_load %arg18[%parallel_loop3A_355, %parallel_loop3A_356] {strides = array<i32>} : memref<64x128xf32, #tpu.memory_space<vmem>>, vector<16xf32>,
        %parallel_loop3A_358 = arith.mulf %parallel_loop3A_357, %parallel_loop3A_326 : vector<16xf32>
        %parallel_loop3A_359 = arith.index_cast %parallel_loop3A_319 : i32 to index
        %parallel_loop3A_360 = arith.constant 64 : index
        %parallel_loop3A_361 = tpu.vector_load %arg18[%parallel_loop3A_359, %parallel_loop3A_360] {strides = array<i32>} : memref<64x128xf32, #tpu.memory_space<vmem>>, vector<16xf32>,
        tpu.vector_store %arg18[%parallel_loop3A_359, %parallel_loop3A_360], %parallel_loop3A_358 {strides = array<i32>} : memref<64x128xf32, #tpu.memory_space<vmem>>, vector<16xf32>,
        %parallel_loop3A_362 = arith.index_cast %parallel_loop3A_319 : i32 to index
        %parallel_loop3A_363 = arith.constant 80 : index
        %parallel_loop3A_364 = tpu.vector_load %arg18[%parallel_loop3A_362, %parallel_loop3A_363] {strides = array<i32>} : memref<64x128xf32, #tpu.memory_space<vmem>>, vector<16xf32>,
        %parallel_loop3A_365 = arith.mulf %parallel_loop3A_364, %parallel_loop3A_326 : vector<16xf32>
        %parallel_loop3A_366 = arith.index_cast %parallel_loop3A_319 : i32 to index
        %parallel_loop3A_367 = arith.constant 80 : index
        %parallel_loop3A_368 = tpu.vector_load %arg18[%parallel_loop3A_366, %parallel_loop3A_367] {strides = array<i32>} : memref<64x128xf32, #tpu.memory_space<vmem>>, vector<16xf32>,
        tpu.vector_store %arg18[%parallel_loop3A_366, %parallel_loop3A_367], %parallel_loop3A_365 {strides = array<i32>} : memref<64x128xf32, #tpu.memory_space<vmem>>, vector<16xf32>,
        %parallel_loop3A_369 = arith.index_cast %parallel_loop3A_319 : i32 to index
        %parallel_loop3A_370 = arith.constant 96 : index
        %parallel_loop3A_371 = tpu.vector_load %arg18[%parallel_loop3A_369, %parallel_loop3A_370] {strides = array<i32>} : memref<64x128xf32, #tpu.memory_space<vmem>>, vector<16xf32>,
        %parallel_loop3A_372 = arith.mulf %parallel_loop3A_371, %parallel_loop3A_326 : vector<16xf32>
        %parallel_loop3A_373 = arith.index_cast %parallel_loop3A_319 : i32 to index
        %parallel_loop3A_374 = arith.constant 96 : index
        %parallel_loop3A_375 = tpu.vector_load %arg18[%parallel_loop3A_373, %parallel_loop3A_374] {strides = array<i32>} : memref<64x128xf32, #tpu.memory_space<vmem>>, vector<16xf32>,
        tpu.vector_store %arg18[%parallel_loop3A_373, %parallel_loop3A_374], %parallel_loop3A_372 {strides = array<i32>} : memref<64x128xf32, #tpu.memory_space<vmem>>, vector<16xf32>,
        %parallel_loop3A_376 = arith.index_cast %parallel_loop3A_319 : i32 to index
        %parallel_loop3A_377 = arith.constant 112 : index
        %parallel_loop3A_378 = tpu.vector_load %arg18[%parallel_loop3A_376, %parallel_loop3A_377] {strides = array<i32>} : memref<64x128xf32, #tpu.memory_space<vmem>>, vector<16xf32>,
        %parallel_loop3A_379 = arith.mulf %parallel_loop3A_378, %parallel_loop3A_326 : vector<16xf32>
        %parallel_loop3A_380 = arith.index_cast %parallel_loop3A_319 : i32 to index
        %parallel_loop3A_381 = arith.constant 112 : index
        %parallel_loop3A_382 = tpu.vector_load %arg18[%parallel_loop3A_380, %parallel_loop3A_381] {strides = array<i32>} : memref<64x128xf32, #tpu.memory_space<vmem>>, vector<16xf32>,
        tpu.vector_store %arg18[%parallel_loop3A_380, %parallel_loop3A_381], %parallel_loop3A_379 {strides = array<i32>} : memref<64x128xf32, #tpu.memory_space<vmem>>, vector<16xf32>,
      } {sc.loop_unroll_factor = 4 : i64, sc.parallel_access}
      %dma_start3A_176 = arith.constant 0 : i32
      %dma_start3A_177 = arith.constant 0 : i32
      %dma_start3A_178 = tpu.memref_slice %arg28[%dma_start3A_176, %dma_start3A_177] : memref<10240x128xf32, #tpu.memory_space<vmem_shared>> -> memref<10240x128xf32, #tpu.memory_space<vmem_shared>>
      tpu.enqueue_indirect_dma source(%arg18 : memref<64x128xf32, #tpu.memory_space<vmem>>) target(%dma_start3A_178 : memref<10240x128xf32, #tpu.memory_space<vmem_shared>>) offsets(%arg11 : memref<64xi32, #tpu.memory_space<vmem>>) semaphore(%arg24 : memref<!tpu.dma_semaphore, #tpu.memory_space<semaphore_mem>>) {add = true}
      %dma_wait3A_179 = arith.constant 64 : i32
      %dma_wait3A_180 = tpu.memref_slice %arg9[%dma_wait3A_179] : memref<128xi32, #tpu.memory_space<vmem>> -> memref<64xi32, #tpu.memory_space<vmem>>
      %dma_wait3A_181 = arith.constant 0 : i32
      %dma_wait3A_182 = arith.constant 0 : i32
      %dma_wait3A_183 = tpu.memref_slice %arg2[%dma_wait3A_181, %dma_wait3A_182] : memref<10000x128xf32, #tpu.memory_space<hbm>> -> memref<10000x128xf32, #tpu.memory_space<hbm>>
      tpu.wait_indirect_dma semaphore(%arg23 : memref<!tpu.dma_semaphore, #tpu.memory_space<semaphore_mem>>) src(%dma_wait3A_183 : memref<10000x128xf32, #tpu.memory_space<hbm>>) dst(%arg19 : memref<64x128xf32, #tpu.memory_space<vmem>>)
      %scan3A_184 = arith.constant 0 : i32
      %scan3A_185 = arith.constant 4 : i32
      %scan3A_186 = arith.addi %scan3A_184, %scan3A_185 : i32
      %scan3A_187 = arith.constant 1 : i32
      scf.for %scan3A_319 = %scan3A_184 to %scan3A_186 step %scan3A_187  : i32 {
        %mul3A_320 = arith.constant 16 : i32
        %mul3A_321 = arith.muli %scan3A_319, %mul3A_320 : i32
        %add3A_322 = arith.constant 0 : i32
        %add3A_323 = arith.addi %add3A_322, %mul3A_321 : i32
        %add3A_324 = arith.constant 64 : i32
        %add3A_325 = arith.addi %add3A_324, %add3A_323 : i32
        %get3A = arith.index_cast %add3A_325 : i32 to index
        %get3A_326 = tpu.vector_load %arg9[%get3A] {strides = array<i32>} : memref<128xi32, #tpu.memory_space<vmem>>, vector<16xi32>,
        %get3A_327 = arith.index_cast %add3A_323 : i32 to index
        %get3A_328 = tpu.vector_load %arg12[%get3A_327] {strides = array<i32>} : memref<64xi32, #tpu.memory_space<vmem>>, vector<16xi32>,
        %gather3A = tpu.vector_load_idx %arg15[%get3A_326] : memref<10000xf32, #tpu.memory_space<vmem>>[vector<16xi32>], vector<16xf32>,
        %gather3A_329 = tpu.vector_load_idx %arg16[%get3A_328] : memref<10000xf32, #tpu.memory_space<vmem>>[vector<16xi32>], vector<16xf32>,
        %add3A_330 = arith.addf %gather3A, %gather3A_329 : vector<16xf32>
        %gt3A = arith.constant 0.000000e+00 : f32
        %gt3A_331 = vector.broadcast %gt3A : f32 to vector<16xf32>
        %gt3A_332 = arith.cmpf ogt, %add3A_330, %gt3A_331 : vector<16xf32>
        %mul3A_333 = arith.constant 2.000000e-01 : f32
        %mul3A_334 = vector.broadcast %mul3A_333 : f32 to vector<16xf32>
        %mul3A_335 = arith.mulf %add3A_330, %mul3A_334 : vector<16xf32>
        %select_n3A_336 = arith.select %gt3A_332, %add3A_330, %mul3A_335 : vector<16xi1>, vector<16xf32>
        %sub3A_337 = arith.subf %select_n3A_336, %add3A_48 : vector<16xf32>
        %exp3A = math.exp %sub3A_337 : vector<16xf32>
        %add3A_338 = arith.constant 64 : i32
        %add3A_339 = arith.addi %add3A_338, %add3A_323 : i32
        %swap3A = arith.index_cast %add3A_339 : i32 to index
        %swap3A_340 = tpu.vector_load %arg17[%swap3A] {strides = array<i32>} : memref<128xf32, #tpu.memory_space<vmem>>, vector<16xf32>,
        tpu.vector_store %arg17[%swap3A], %exp3A {strides = array<i32>} : memref<128xf32, #tpu.memory_space<vmem>>, vector<16xf32>,
        %shift_right_logical3A = arith.constant 7 : i32
        %shift_right_logical3A_341 = vector.broadcast %shift_right_logical3A : i32 to vector<16xi32>
        %shift_right_logical3A_342 = arith.shrui %get3A_328, %shift_right_logical3A_341 : vector<16xi32>
        %and3A = arith.constant 127 : i32
        %and3A_343 = vector.broadcast %and3A : i32 to vector<16xi32>
        %and3A_344 = arith.andi %get3A_328, %and3A_343 : vector<16xi32>
        tpu.vector_store_idx %arg20[%shift_right_logical3A_342, %and3A_344], %exp3A {add = true} : memref<80x128xf32, #tpu.memory_space<vmem>>[vector<16xi32>, vector<16xi32>], vector<16xf32>,
      }
      %scan3A_188 = arith.constant 4 : i32
      %parallel_loop3A_189 = arith.constant 0 : i32
      %parallel_loop3A_190 = arith.constant 64 : i32
      %parallel_loop3A_191 = arith.constant 1 : i32
      scf.for %parallel_loop3A_319 = %parallel_loop3A_189 to %parallel_loop3A_190 step %parallel_loop3A_191  : i32 {
        %parallel_loop3A_320 = arith.constant 0 : i32
        %parallel_loop3A_321 = vector.broadcast %parallel_loop3A_320 : i32 to vector<16xi32>
        %parallel_loop3A_322 = arith.constant 64 : i32
        %parallel_loop3A_323 = arith.addi %parallel_loop3A_322, %parallel_loop3A_319 : i32
        %parallel_loop3A_324 = vector.broadcast %parallel_loop3A_323 : i32 to vector<16xi32>
        %parallel_loop3A_325 = arith.addi %parallel_loop3A_321, %parallel_loop3A_324 : vector<16xi32>
        %parallel_loop3A_326 = tpu.vector_load_idx %arg17[%parallel_loop3A_325] : memref<128xf32, #tpu.memory_space<vmem>>[vector<16xi32>], vector<16xf32>,
        %parallel_loop3A_327 = arith.index_cast %parallel_loop3A_319 : i32 to index
        %parallel_loop3A_328 = arith.constant 0 : index
        %parallel_loop3A_329 = tpu.vector_load %arg19[%parallel_loop3A_327, %parallel_loop3A_328] {strides = array<i32>} : memref<64x128xf32, #tpu.memory_space<vmem>>, vector<16xf32>,
        %parallel_loop3A_330 = arith.mulf %parallel_loop3A_329, %parallel_loop3A_326 : vector<16xf32>
        %parallel_loop3A_331 = arith.index_cast %parallel_loop3A_319 : i32 to index
        %parallel_loop3A_332 = arith.constant 0 : index
        %parallel_loop3A_333 = tpu.vector_load %arg19[%parallel_loop3A_331, %parallel_loop3A_332] {strides = array<i32>} : memref<64x128xf32, #tpu.memory_space<vmem>>, vector<16xf32>,
        tpu.vector_store %arg19[%parallel_loop3A_331, %parallel_loop3A_332], %parallel_loop3A_330 {strides = array<i32>} : memref<64x128xf32, #tpu.memory_space<vmem>>, vector<16xf32>,
        %parallel_loop3A_334 = arith.index_cast %parallel_loop3A_319 : i32 to index
        %parallel_loop3A_335 = arith.constant 16 : index
        %parallel_loop3A_336 = tpu.vector_load %arg19[%parallel_loop3A_334, %parallel_loop3A_335] {strides = array<i32>} : memref<64x128xf32, #tpu.memory_space<vmem>>, vector<16xf32>,
        %parallel_loop3A_337 = arith.mulf %parallel_loop3A_336, %parallel_loop3A_326 : vector<16xf32>
        %parallel_loop3A_338 = arith.index_cast %parallel_loop3A_319 : i32 to index
        %parallel_loop3A_339 = arith.constant 16 : index
        %parallel_loop3A_340 = tpu.vector_load %arg19[%parallel_loop3A_338, %parallel_loop3A_339] {strides = array<i32>} : memref<64x128xf32, #tpu.memory_space<vmem>>, vector<16xf32>,
        tpu.vector_store %arg19[%parallel_loop3A_338, %parallel_loop3A_339], %parallel_loop3A_337 {strides = array<i32>} : memref<64x128xf32, #tpu.memory_space<vmem>>, vector<16xf32>,
        %parallel_loop3A_341 = arith.index_cast %parallel_loop3A_319 : i32 to index
        %parallel_loop3A_342 = arith.constant 32 : index
        %parallel_loop3A_343 = tpu.vector_load %arg19[%parallel_loop3A_341, %parallel_loop3A_342] {strides = array<i32>} : memref<64x128xf32, #tpu.memory_space<vmem>>, vector<16xf32>,
        %parallel_loop3A_344 = arith.mulf %parallel_loop3A_343, %parallel_loop3A_326 : vector<16xf32>
        %parallel_loop3A_345 = arith.index_cast %parallel_loop3A_319 : i32 to index
        %parallel_loop3A_346 = arith.constant 32 : index
        %parallel_loop3A_347 = tpu.vector_load %arg19[%parallel_loop3A_345, %parallel_loop3A_346] {strides = array<i32>} : memref<64x128xf32, #tpu.memory_space<vmem>>, vector<16xf32>,
        tpu.vector_store %arg19[%parallel_loop3A_345, %parallel_loop3A_346], %parallel_loop3A_344 {strides = array<i32>} : memref<64x128xf32, #tpu.memory_space<vmem>>, vector<16xf32>,
        %parallel_loop3A_348 = arith.index_cast %parallel_loop3A_319 : i32 to index
        %parallel_loop3A_349 = arith.constant 48 : index
        %parallel_loop3A_350 = tpu.vector_load %arg19[%parallel_loop3A_348, %parallel_loop3A_349] {strides = array<i32>} : memref<64x128xf32, #tpu.memory_space<vmem>>, vector<16xf32>,
        %parallel_loop3A_351 = arith.mulf %parallel_loop3A_350, %parallel_loop3A_326 : vector<16xf32>
        %parallel_loop3A_352 = arith.index_cast %parallel_loop3A_319 : i32 to index
        %parallel_loop3A_353 = arith.constant 48 : index
        %parallel_loop3A_354 = tpu.vector_load %arg19[%parallel_loop3A_352, %parallel_loop3A_353] {strides = array<i32>} : memref<64x128xf32, #tpu.memory_space<vmem>>, vector<16xf32>,
        tpu.vector_store %arg19[%parallel_loop3A_352, %parallel_loop3A_353], %parallel_loop3A_351 {strides = array<i32>} : memref<64x128xf32, #tpu.memory_space<vmem>>, vector<16xf32>,
        %parallel_loop3A_355 = arith.index_cast %parallel_loop3A_319 : i32 to index
        %parallel_loop3A_356 = arith.constant 64 : index
        %parallel_loop3A_357 = tpu.vector_load %arg19[%parallel_loop3A_355, %parallel_loop3A_356] {strides = array<i32>} : memref<64x128xf32, #tpu.memory_space<vmem>>, vector<16xf32>,
        %parallel_loop3A_358 = arith.mulf %parallel_loop3A_357, %parallel_loop3A_326 : vector<16xf32>
        %parallel_loop3A_359 = arith.index_cast %parallel_loop3A_319 : i32 to index
        %parallel_loop3A_360 = arith.constant 64 : index
        %parallel_loop3A_361 = tpu.vector_load %arg19[%parallel_loop3A_359, %parallel_loop3A_360] {strides = array<i32>} : memref<64x128xf32, #tpu.memory_space<vmem>>, vector<16xf32>,
        tpu.vector_store %arg19[%parallel_loop3A_359, %parallel_loop3A_360], %parallel_loop3A_358 {strides = array<i32>} : memref<64x128xf32, #tpu.memory_space<vmem>>, vector<16xf32>,
        %parallel_loop3A_362 = arith.index_cast %parallel_loop3A_319 : i32 to index
        %parallel_loop3A_363 = arith.constant 80 : index
        %parallel_loop3A_364 = tpu.vector_load %arg19[%parallel_loop3A_362, %parallel_loop3A_363] {strides = array<i32>} : memref<64x128xf32, #tpu.memory_space<vmem>>, vector<16xf32>,
        %parallel_loop3A_365 = arith.mulf %parallel_loop3A_364, %parallel_loop3A_326 : vector<16xf32>
        %parallel_loop3A_366 = arith.index_cast %parallel_loop3A_319 : i32 to index
        %parallel_loop3A_367 = arith.constant 80 : index
        %parallel_loop3A_368 = tpu.vector_load %arg19[%parallel_loop3A_366, %parallel_loop3A_367] {strides = array<i32>} : memref<64x128xf32, #tpu.memory_space<vmem>>, vector<16xf32>,
        tpu.vector_store %arg19[%parallel_loop3A_366, %parallel_loop3A_367], %parallel_loop3A_365 {strides = array<i32>} : memref<64x128xf32, #tpu.memory_space<vmem>>, vector<16xf32>,
        %parallel_loop3A_369 = arith.index_cast %parallel_loop3A_319 : i32 to index
        %parallel_loop3A_370 = arith.constant 96 : index
        %parallel_loop3A_371 = tpu.vector_load %arg19[%parallel_loop3A_369, %parallel_loop3A_370] {strides = array<i32>} : memref<64x128xf32, #tpu.memory_space<vmem>>, vector<16xf32>,
        %parallel_loop3A_372 = arith.mulf %parallel_loop3A_371, %parallel_loop3A_326 : vector<16xf32>
        %parallel_loop3A_373 = arith.index_cast %parallel_loop3A_319 : i32 to index
        %parallel_loop3A_374 = arith.constant 96 : index
        %parallel_loop3A_375 = tpu.vector_load %arg19[%parallel_loop3A_373, %parallel_loop3A_374] {strides = array<i32>} : memref<64x128xf32, #tpu.memory_space<vmem>>, vector<16xf32>,
        tpu.vector_store %arg19[%parallel_loop3A_373, %parallel_loop3A_374], %parallel_loop3A_372 {strides = array<i32>} : memref<64x128xf32, #tpu.memory_space<vmem>>, vector<16xf32>,
        %parallel_loop3A_376 = arith.index_cast %parallel_loop3A_319 : i32 to index
        %parallel_loop3A_377 = arith.constant 112 : index
        %parallel_loop3A_378 = tpu.vector_load %arg19[%parallel_loop3A_376, %parallel_loop3A_377] {strides = array<i32>} : memref<64x128xf32, #tpu.memory_space<vmem>>, vector<16xf32>,
        %parallel_loop3A_379 = arith.mulf %parallel_loop3A_378, %parallel_loop3A_326 : vector<16xf32>
        %parallel_loop3A_380 = arith.index_cast %parallel_loop3A_319 : i32 to index
        %parallel_loop3A_381 = arith.constant 112 : index
        %parallel_loop3A_382 = tpu.vector_load %arg19[%parallel_loop3A_380, %parallel_loop3A_381] {strides = array<i32>} : memref<64x128xf32, #tpu.memory_space<vmem>>, vector<16xf32>,
        tpu.vector_store %arg19[%parallel_loop3A_380, %parallel_loop3A_381], %parallel_loop3A_379 {strides = array<i32>} : memref<64x128xf32, #tpu.memory_space<vmem>>, vector<16xf32>,
      } {sc.loop_unroll_factor = 4 : i64, sc.parallel_access}
      %dma_start3A_192 = arith.constant 0 : i32
      %dma_start3A_193 = arith.constant 0 : i32
      %dma_start3A_194 = tpu.memref_slice %arg28[%dma_start3A_192, %dma_start3A_193] : memref<10240x128xf32, #tpu.memory_space<vmem_shared>> -> memref<10240x128xf32, #tpu.memory_space<vmem_shared>>
      tpu.enqueue_indirect_dma source(%arg19 : memref<64x128xf32, #tpu.memory_space<vmem>>) target(%dma_start3A_194 : memref<10240x128xf32, #tpu.memory_space<vmem_shared>>) offsets(%arg12 : memref<64xi32, #tpu.memory_space<vmem>>) semaphore(%arg25 : memref<!tpu.dma_semaphore, #tpu.memory_space<semaphore_mem>>) {add = true}
      %dma_wait3A_195 = arith.constant 0 : i32
      %dma_wait3A_196 = arith.constant 0 : i32
      %dma_wait3A_197 = tpu.memref_slice %arg28[%dma_wait3A_195, %dma_wait3A_196] : memref<10240x128xf32, #tpu.memory_space<vmem_shared>> -> memref<10240x128xf32, #tpu.memory_space<vmem_shared>>
      tpu.wait_indirect_dma semaphore(%arg24 : memref<!tpu.dma_semaphore, #tpu.memory_space<semaphore_mem>>) src(%arg18 : memref<64x128xf32, #tpu.memory_space<vmem>>) dst(%dma_wait3A_197 : memref<10240x128xf32, #tpu.memory_space<vmem_shared>>)
      %add3A_198 = arith.constant 2 : i32
      %add3A_199 = arith.addi %add3A_163, %add3A_198 : i32
      %mul3A_200 = arith.constant 64 : i32
      %mul3A_201 = arith.muli %add3A_199, %mul3A_200 : i32
      %add3A_202 = arith.addi %add3A_64, %mul3A_201 : i32
      %min3A_203 = arith.constant 319872 : i32
      %min3A_204 = arith.minsi %add3A_202, %min3A_203 : i32
      %add3A_205 = arith.constant 64 : i32
      %add3A_206 = arith.addi %min3A_204, %add3A_205 : i32
      %dma_wait3A_207 = tpu.memref_slice %arg5[%min3A_204] : memref<320000xi32, #tpu.memory_space<hbm>> -> memref<128xi32, #tpu.memory_space<hbm>>
      %dma_wait3A_208 = tpu.memref_slice %arg5[%min3A_204] : memref<320000xi32, #tpu.memory_space<hbm>> -> memref<128xi32, #tpu.memory_space<hbm>>
      tpu.wait_dma2 semaphore(%arg27 : memref<!tpu.dma_semaphore, #tpu.memory_space<semaphore_mem>>) src(%dma_wait3A_208 : memref<128xi32, #tpu.memory_space<hbm>>) dst(%arg10 : memref<128xi32, #tpu.memory_space<vmem>>)
      %dma_wait3A_209 = tpu.memref_slice %arg6[%min3A_204] : memref<320000xi32, #tpu.memory_space<hbm>> -> memref<64xi32, #tpu.memory_space<hbm>>
      %dma_wait3A_210 = tpu.memref_slice %arg6[%min3A_204] : memref<320000xi32, #tpu.memory_space<hbm>> -> memref<64xi32, #tpu.memory_space<hbm>>
      tpu.wait_dma2 semaphore(%arg27 : memref<!tpu.dma_semaphore, #tpu.memory_space<semaphore_mem>>) src(%dma_wait3A_210 : memref<64xi32, #tpu.memory_space<hbm>>) dst(%arg13 : memref<64xi32, #tpu.memory_space<vmem>>)
      %dma_wait3A_211 = tpu.memref_slice %arg6[%add3A_206] : memref<320000xi32, #tpu.memory_space<hbm>> -> memref<64xi32, #tpu.memory_space<hbm>>
      %dma_wait3A_212 = tpu.memref_slice %arg6[%add3A_206] : memref<320000xi32, #tpu.memory_space<hbm>> -> memref<64xi32, #tpu.memory_space<hbm>>
      tpu.wait_dma2 semaphore(%arg27 : memref<!tpu.dma_semaphore, #tpu.memory_space<semaphore_mem>>) src(%dma_wait3A_212 : memref<64xi32, #tpu.memory_space<hbm>>) dst(%arg14 : memref<64xi32, #tpu.memory_space<vmem>>)
      %dma_start3A_213 = arith.constant 0 : i32
      %dma_start3A_214 = tpu.memref_slice %arg10[%dma_start3A_213] : memref<128xi32, #tpu.memory_space<vmem>> -> memref<64xi32, #tpu.memory_space<vmem>>
      %dma_start3A_215 = arith.constant 0 : i32
      %dma_start3A_216 = arith.constant 0 : i32
      %dma_start3A_217 = tpu.memref_slice %arg2[%dma_start3A_215, %dma_start3A_216] : memref<10000x128xf32, #tpu.memory_space<hbm>> -> memref<10000x128xf32, #tpu.memory_space<hbm>>
      tpu.enqueue_indirect_dma source(%dma_start3A_217 : memref<10000x128xf32, #tpu.memory_space<hbm>>) target(%arg18 : memref<64x128xf32, #tpu.memory_space<vmem>>) offsets(%dma_start3A_214 : memref<64xi32, #tpu.memory_space<vmem>>) semaphore(%arg22 : memref<!tpu.dma_semaphore, #tpu.memory_space<semaphore_mem>>)
      %dma_wait3A_218 = arith.constant 0 : i32
      %dma_wait3A_219 = arith.constant 0 : i32
      %dma_wait3A_220 = tpu.memref_slice %arg28[%dma_wait3A_218, %dma_wait3A_219] : memref<10240x128xf32, #tpu.memory_space<vmem_shared>> -> memref<10240x128xf32, #tpu.memory_space<vmem_shared>>
      tpu.wait_indirect_dma semaphore(%arg25 : memref<!tpu.dma_semaphore, #tpu.memory_space<semaphore_mem>>) src(%arg19 : memref<64x128xf32, #tpu.memory_space<vmem>>) dst(%dma_wait3A_220 : memref<10240x128xf32, #tpu.memory_space<vmem_shared>>)
      %dma_start3A_221 = arith.constant 64 : i32
      %dma_start3A_222 = tpu.memref_slice %arg10[%dma_start3A_221] : memref<128xi32, #tpu.memory_space<vmem>> -> memref<64xi32, #tpu.memory_space<vmem>>
      %dma_start3A_223 = arith.constant 0 : i32
      %dma_start3A_224 = arith.constant 0 : i32
      %dma_start3A_225 = tpu.memref_slice %arg2[%dma_start3A_223, %dma_start3A_224] : memref<10000x128xf32, #tpu.memory_space<hbm>> -> memref<10000x128xf32, #tpu.memory_space<hbm>>
      tpu.enqueue_indirect_dma source(%dma_start3A_225 : memref<10000x128xf32, #tpu.memory_space<hbm>>) target(%arg19 : memref<64x128xf32, #tpu.memory_space<vmem>>) offsets(%dma_start3A_222 : memref<64xi32, #tpu.memory_space<vmem>>) semaphore(%arg23 : memref<!tpu.dma_semaphore, #tpu.memory_space<semaphore_mem>>)
      %add3A_226 = arith.constant 4 : i32
      %add3A_227 = arith.addi %add3A_163, %add3A_226 : i32
      %mul3A_228 = arith.constant 64 : i32
      %mul3A_229 = arith.muli %add3A_227, %mul3A_228 : i32
      %add3A_230 = arith.addi %add3A_64, %mul3A_229 : i32
      %min3A_231 = arith.constant 319872 : i32
      %min3A_232 = arith.minsi %add3A_230, %min3A_231 : i32
      %add3A_233 = arith.constant 64 : i32
      %add3A_234 = arith.addi %min3A_232, %add3A_233 : i32
      %dma_start3A_235 = tpu.memref_slice %arg5[%min3A_232] : memref<320000xi32, #tpu.memory_space<hbm>> -> memref<128xi32, #tpu.memory_space<hbm>>
      %dma_start3A_236 = tpu.memref_slice %arg5[%min3A_232] : memref<320000xi32, #tpu.memory_space<hbm>> -> memref<128xi32, #tpu.memory_space<hbm>>
      tpu.enqueue_dma source(%dma_start3A_236 : memref<128xi32, #tpu.memory_space<hbm>>) target(%arg9 : memref<128xi32, #tpu.memory_space<vmem>>) target_semaphore(%arg26 : memref<!tpu.dma_semaphore, #tpu.memory_space<semaphore_mem>>)
      %dma_start3A_237 = tpu.memref_slice %arg6[%min3A_232] : memref<320000xi32, #tpu.memory_space<hbm>> -> memref<64xi32, #tpu.memory_space<hbm>>
      %dma_start3A_238 = tpu.memref_slice %arg6[%min3A_232] : memref<320000xi32, #tpu.memory_space<hbm>> -> memref<64xi32, #tpu.memory_space<hbm>>
      tpu.enqueue_dma source(%dma_start3A_238 : memref<64xi32, #tpu.memory_space<hbm>>) target(%arg11 : memref<64xi32, #tpu.memory_space<vmem>>) target_semaphore(%arg26 : memref<!tpu.dma_semaphore, #tpu.memory_space<semaphore_mem>>)
      %dma_start3A_239 = tpu.memref_slice %arg6[%add3A_234] : memref<320000xi32, #tpu.memory_space<hbm>> -> memref<64xi32, #tpu.memory_space<hbm>>
      %dma_start3A_240 = tpu.memref_slice %arg6[%add3A_234] : memref<320000xi32, #tpu.memory_space<hbm>> -> memref<64xi32, #tpu.memory_space<hbm>>
      tpu.enqueue_dma source(%dma_start3A_240 : memref<64xi32, #tpu.memory_space<hbm>>) target(%arg12 : memref<64xi32, #tpu.memory_space<vmem>>) target_semaphore(%arg26 : memref<!tpu.dma_semaphore, #tpu.memory_space<semaphore_mem>>)
      %dma_wait3A_241 = arith.constant 0 : i32
      %dma_wait3A_242 = tpu.memref_slice %arg10[%dma_wait3A_241] : memref<128xi32, #tpu.memory_space<vmem>> -> memref<64xi32, #tpu.memory_space<vmem>>
      %dma_wait3A_243 = arith.constant 0 : i32
      %dma_wait3A_244 = arith.constant 0 : i32
      %dma_wait3A_245 = tpu.memref_slice %arg2[%dma_wait3A_243, %dma_wait3A_244] : memref<10000x128xf32, #tpu.memory_space<hbm>> -> memref<10000x128xf32, #tpu.memory_space<hbm>>
      tpu.wait_indirect_dma semaphore(%arg22 : memref<!tpu.dma_semaphore, #tpu.memory_space<semaphore_mem>>) src(%dma_wait3A_245 : memref<10000x128xf32, #tpu.memory_space<hbm>>) dst(%arg18 : memref<64x128xf32, #tpu.memory_space<vmem>>)
      %scan3A_246 = arith.constant 0 : i32
      %scan3A_247 = arith.constant 4 : i32
      %scan3A_248 = arith.addi %scan3A_246, %scan3A_247 : i32
      %scan3A_249 = arith.constant 1 : i32
      scf.for %scan3A_319 = %scan3A_246 to %scan3A_248 step %scan3A_249  : i32 {
        %mul3A_320 = arith.constant 16 : i32
        %mul3A_321 = arith.muli %scan3A_319, %mul3A_320 : i32
        %add3A_322 = arith.constant 0 : i32
        %add3A_323 = arith.addi %add3A_322, %mul3A_321 : i32
        %add3A_324 = arith.constant 0 : i32
        %add3A_325 = arith.addi %add3A_324, %add3A_323 : i32
        %get3A = arith.index_cast %add3A_325 : i32 to index
        %get3A_326 = tpu.vector_load %arg10[%get3A] {strides = array<i32>} : memref<128xi32, #tpu.memory_space<vmem>>, vector<16xi32>,
        %get3A_327 = arith.index_cast %add3A_323 : i32 to index
        %get3A_328 = tpu.vector_load %arg13[%get3A_327] {strides = array<i32>} : memref<64xi32, #tpu.memory_space<vmem>>, vector<16xi32>,
        %gather3A = tpu.vector_load_idx %arg15[%get3A_326] : memref<10000xf32, #tpu.memory_space<vmem>>[vector<16xi32>], vector<16xf32>,
        %gather3A_329 = tpu.vector_load_idx %arg16[%get3A_328] : memref<10000xf32, #tpu.memory_space<vmem>>[vector<16xi32>], vector<16xf32>,
        %add3A_330 = arith.addf %gather3A, %gather3A_329 : vector<16xf32>
        %gt3A = arith.constant 0.000000e+00 : f32
        %gt3A_331 = vector.broadcast %gt3A : f32 to vector<16xf32>
        %gt3A_332 = arith.cmpf ogt, %add3A_330, %gt3A_331 : vector<16xf32>
        %mul3A_333 = arith.constant 2.000000e-01 : f32
        %mul3A_334 = vector.broadcast %mul3A_333 : f32 to vector<16xf32>
        %mul3A_335 = arith.mulf %add3A_330, %mul3A_334 : vector<16xf32>
        %select_n3A_336 = arith.select %gt3A_332, %add3A_330, %mul3A_335 : vector<16xi1>, vector<16xf32>
        %sub3A_337 = arith.subf %select_n3A_336, %add3A_48 : vector<16xf32>
        %exp3A = math.exp %sub3A_337 : vector<16xf32>
        %add3A_338 = arith.constant 0 : i32
        %add3A_339 = arith.addi %add3A_338, %add3A_323 : i32
        %swap3A = arith.index_cast %add3A_339 : i32 to index
        %swap3A_340 = tpu.vector_load %arg17[%swap3A] {strides = array<i32>} : memref<128xf32, #tpu.memory_space<vmem>>, vector<16xf32>,
        tpu.vector_store %arg17[%swap3A], %exp3A {strides = array<i32>} : memref<128xf32, #tpu.memory_space<vmem>>, vector<16xf32>,
        %shift_right_logical3A = arith.constant 7 : i32
        %shift_right_logical3A_341 = vector.broadcast %shift_right_logical3A : i32 to vector<16xi32>
        %shift_right_logical3A_342 = arith.shrui %get3A_328, %shift_right_logical3A_341 : vector<16xi32>
        %and3A = arith.constant 127 : i32
        %and3A_343 = vector.broadcast %and3A : i32 to vector<16xi32>
        %and3A_344 = arith.andi %get3A_328, %and3A_343 : vector<16xi32>
        tpu.vector_store_idx %arg20[%shift_right_logical3A_342, %and3A_344], %exp3A {add = true} : memref<80x128xf32, #tpu.memory_space<vmem>>[vector<16xi32>, vector<16xi32>], vector<16xf32>,
      }
      %scan3A_250 = arith.constant 4 : i32
      %parallel_loop3A_251 = arith.constant 0 : i32
      %parallel_loop3A_252 = arith.constant 64 : i32
      %parallel_loop3A_253 = arith.constant 1 : i32
      scf.for %parallel_loop3A_319 = %parallel_loop3A_251 to %parallel_loop3A_252 step %parallel_loop3A_253  : i32 {
        %parallel_loop3A_320 = arith.constant 0 : i32
        %parallel_loop3A_321 = vector.broadcast %parallel_loop3A_320 : i32 to vector<16xi32>
        %parallel_loop3A_322 = arith.constant 0 : i32
        %parallel_loop3A_323 = arith.addi %parallel_loop3A_322, %parallel_loop3A_319 : i32
        %parallel_loop3A_324 = vector.broadcast %parallel_loop3A_323 : i32 to vector<16xi32>
        %parallel_loop3A_325 = arith.addi %parallel_loop3A_321, %parallel_loop3A_324 : vector<16xi32>
        %parallel_loop3A_326 = tpu.vector_load_idx %arg17[%parallel_loop3A_325] : memref<128xf32, #tpu.memory_space<vmem>>[vector<16xi32>], vector<16xf32>,
        %parallel_loop3A_327 = arith.index_cast %parallel_loop3A_319 : i32 to index
        %parallel_loop3A_328 = arith.constant 0 : index
        %parallel_loop3A_329 = tpu.vector_load %arg18[%parallel_loop3A_327, %parallel_loop3A_328] {strides = array<i32>} : memref<64x128xf32, #tpu.memory_space<vmem>>, vector<16xf32>,
        %parallel_loop3A_330 = arith.mulf %parallel_loop3A_329, %parallel_loop3A_326 : vector<16xf32>
        %parallel_loop3A_331 = arith.index_cast %parallel_loop3A_319 : i32 to index
        %parallel_loop3A_332 = arith.constant 0 : index
        %parallel_loop3A_333 = tpu.vector_load %arg18[%parallel_loop3A_331, %parallel_loop3A_332] {strides = array<i32>} : memref<64x128xf32, #tpu.memory_space<vmem>>, vector<16xf32>,
        tpu.vector_store %arg18[%parallel_loop3A_331, %parallel_loop3A_332], %parallel_loop3A_330 {strides = array<i32>} : memref<64x128xf32, #tpu.memory_space<vmem>>, vector<16xf32>,
        %parallel_loop3A_334 = arith.index_cast %parallel_loop3A_319 : i32 to index
        %parallel_loop3A_335 = arith.constant 16 : index
        %parallel_loop3A_336 = tpu.vector_load %arg18[%parallel_loop3A_334, %parallel_loop3A_335] {strides = array<i32>} : memref<64x128xf32, #tpu.memory_space<vmem>>, vector<16xf32>,
        %parallel_loop3A_337 = arith.mulf %parallel_loop3A_336, %parallel_loop3A_326 : vector<16xf32>
        %parallel_loop3A_338 = arith.index_cast %parallel_loop3A_319 : i32 to index
        %parallel_loop3A_339 = arith.constant 16 : index
        %parallel_loop3A_340 = tpu.vector_load %arg18[%parallel_loop3A_338, %parallel_loop3A_339] {strides = array<i32>} : memref<64x128xf32, #tpu.memory_space<vmem>>, vector<16xf32>,
        tpu.vector_store %arg18[%parallel_loop3A_338, %parallel_loop3A_339], %parallel_loop3A_337 {strides = array<i32>} : memref<64x128xf32, #tpu.memory_space<vmem>>, vector<16xf32>,
        %parallel_loop3A_341 = arith.index_cast %parallel_loop3A_319 : i32 to index
        %parallel_loop3A_342 = arith.constant 32 : index
        %parallel_loop3A_343 = tpu.vector_load %arg18[%parallel_loop3A_341, %parallel_loop3A_342] {strides = array<i32>} : memref<64x128xf32, #tpu.memory_space<vmem>>, vector<16xf32>,
        %parallel_loop3A_344 = arith.mulf %parallel_loop3A_343, %parallel_loop3A_326 : vector<16xf32>
        %parallel_loop3A_345 = arith.index_cast %parallel_loop3A_319 : i32 to index
        %parallel_loop3A_346 = arith.constant 32 : index
        %parallel_loop3A_347 = tpu.vector_load %arg18[%parallel_loop3A_345, %parallel_loop3A_346] {strides = array<i32>} : memref<64x128xf32, #tpu.memory_space<vmem>>, vector<16xf32>,
        tpu.vector_store %arg18[%parallel_loop3A_345, %parallel_loop3A_346], %parallel_loop3A_344 {strides = array<i32>} : memref<64x128xf32, #tpu.memory_space<vmem>>, vector<16xf32>,
        %parallel_loop3A_348 = arith.index_cast %parallel_loop3A_319 : i32 to index
        %parallel_loop3A_349 = arith.constant 48 : index
        %parallel_loop3A_350 = tpu.vector_load %arg18[%parallel_loop3A_348, %parallel_loop3A_349] {strides = array<i32>} : memref<64x128xf32, #tpu.memory_space<vmem>>, vector<16xf32>,
        %parallel_loop3A_351 = arith.mulf %parallel_loop3A_350, %parallel_loop3A_326 : vector<16xf32>
        %parallel_loop3A_352 = arith.index_cast %parallel_loop3A_319 : i32 to index
        %parallel_loop3A_353 = arith.constant 48 : index
        %parallel_loop3A_354 = tpu.vector_load %arg18[%parallel_loop3A_352, %parallel_loop3A_353] {strides = array<i32>} : memref<64x128xf32, #tpu.memory_space<vmem>>, vector<16xf32>,
        tpu.vector_store %arg18[%parallel_loop3A_352, %parallel_loop3A_353], %parallel_loop3A_351 {strides = array<i32>} : memref<64x128xf32, #tpu.memory_space<vmem>>, vector<16xf32>,
        %parallel_loop3A_355 = arith.index_cast %parallel_loop3A_319 : i32 to index
        %parallel_loop3A_356 = arith.constant 64 : index
        %parallel_loop3A_357 = tpu.vector_load %arg18[%parallel_loop3A_355, %parallel_loop3A_356] {strides = array<i32>} : memref<64x128xf32, #tpu.memory_space<vmem>>, vector<16xf32>,
        %parallel_loop3A_358 = arith.mulf %parallel_loop3A_357, %parallel_loop3A_326 : vector<16xf32>
        %parallel_loop3A_359 = arith.index_cast %parallel_loop3A_319 : i32 to index
        %parallel_loop3A_360 = arith.constant 64 : index
        %parallel_loop3A_361 = tpu.vector_load %arg18[%parallel_loop3A_359, %parallel_loop3A_360] {strides = array<i32>} : memref<64x128xf32, #tpu.memory_space<vmem>>, vector<16xf32>,
        tpu.vector_store %arg18[%parallel_loop3A_359, %parallel_loop3A_360], %parallel_loop3A_358 {strides = array<i32>} : memref<64x128xf32, #tpu.memory_space<vmem>>, vector<16xf32>,
        %parallel_loop3A_362 = arith.index_cast %parallel_loop3A_319 : i32 to index
        %parallel_loop3A_363 = arith.constant 80 : index
        %parallel_loop3A_364 = tpu.vector_load %arg18[%parallel_loop3A_362, %parallel_loop3A_363] {strides = array<i32>} : memref<64x128xf32, #tpu.memory_space<vmem>>, vector<16xf32>,
        %parallel_loop3A_365 = arith.mulf %parallel_loop3A_364, %parallel_loop3A_326 : vector<16xf32>
        %parallel_loop3A_366 = arith.index_cast %parallel_loop3A_319 : i32 to index
        %parallel_loop3A_367 = arith.constant 80 : index
        %parallel_loop3A_368 = tpu.vector_load %arg18[%parallel_loop3A_366, %parallel_loop3A_367] {strides = array<i32>} : memref<64x128xf32, #tpu.memory_space<vmem>>, vector<16xf32>,
        tpu.vector_store %arg18[%parallel_loop3A_366, %parallel_loop3A_367], %parallel_loop3A_365 {strides = array<i32>} : memref<64x128xf32, #tpu.memory_space<vmem>>, vector<16xf32>,
        %parallel_loop3A_369 = arith.index_cast %parallel_loop3A_319 : i32 to index
        %parallel_loop3A_370 = arith.constant 96 : index
        %parallel_loop3A_371 = tpu.vector_load %arg18[%parallel_loop3A_369, %parallel_loop3A_370] {strides = array<i32>} : memref<64x128xf32, #tpu.memory_space<vmem>>, vector<16xf32>,
        %parallel_loop3A_372 = arith.mulf %parallel_loop3A_371, %parallel_loop3A_326 : vector<16xf32>
        %parallel_loop3A_373 = arith.index_cast %parallel_loop3A_319 : i32 to index
        %parallel_loop3A_374 = arith.constant 96 : index
        %parallel_loop3A_375 = tpu.vector_load %arg18[%parallel_loop3A_373, %parallel_loop3A_374] {strides = array<i32>} : memref<64x128xf32, #tpu.memory_space<vmem>>, vector<16xf32>,
        tpu.vector_store %arg18[%parallel_loop3A_373, %parallel_loop3A_374], %parallel_loop3A_372 {strides = array<i32>} : memref<64x128xf32, #tpu.memory_space<vmem>>, vector<16xf32>,
        %parallel_loop3A_376 = arith.index_cast %parallel_loop3A_319 : i32 to index
        %parallel_loop3A_377 = arith.constant 112 : index
        %parallel_loop3A_378 = tpu.vector_load %arg18[%parallel_loop3A_376, %parallel_loop3A_377] {strides = array<i32>} : memref<64x128xf32, #tpu.memory_space<vmem>>, vector<16xf32>,
        %parallel_loop3A_379 = arith.mulf %parallel_loop3A_378, %parallel_loop3A_326 : vector<16xf32>
        %parallel_loop3A_380 = arith.index_cast %parallel_loop3A_319 : i32 to index
        %parallel_loop3A_381 = arith.constant 112 : index
        %parallel_loop3A_382 = tpu.vector_load %arg18[%parallel_loop3A_380, %parallel_loop3A_381] {strides = array<i32>} : memref<64x128xf32, #tpu.memory_space<vmem>>, vector<16xf32>,
        tpu.vector_store %arg18[%parallel_loop3A_380, %parallel_loop3A_381], %parallel_loop3A_379 {strides = array<i32>} : memref<64x128xf32, #tpu.memory_space<vmem>>, vector<16xf32>,
      } {sc.loop_unroll_factor = 4 : i64, sc.parallel_access}
      %dma_start3A_254 = arith.constant 0 : i32
      %dma_start3A_255 = arith.constant 0 : i32
      %dma_start3A_256 = tpu.memref_slice %arg28[%dma_start3A_254, %dma_start3A_255] : memref<10240x128xf32, #tpu.memory_space<vmem_shared>> -> memref<10240x128xf32, #tpu.memory_space<vmem_shared>>
      tpu.enqueue_indirect_dma source(%arg18 : memref<64x128xf32, #tpu.memory_space<vmem>>) target(%dma_start3A_256 : memref<10240x128xf32, #tpu.memory_space<vmem_shared>>) offsets(%arg13 : memref<64xi32, #tpu.memory_space<vmem>>) semaphore(%arg24 : memref<!tpu.dma_semaphore, #tpu.memory_space<semaphore_mem>>) {add = true}
      %dma_wait3A_257 = arith.constant 64 : i32
      %dma_wait3A_258 = tpu.memref_slice %arg10[%dma_wait3A_257] : memref<128xi32, #tpu.memory_space<vmem>> -> memref<64xi32, #tpu.memory_space<vmem>>
      %dma_wait3A_259 = arith.constant 0 : i32
      %dma_wait3A_260 = arith.constant 0 : i32
      %dma_wait3A_261 = tpu.memref_slice %arg2[%dma_wait3A_259, %dma_wait3A_260] : memref<10000x128xf32, #tpu.memory_space<hbm>> -> memref<10000x128xf32, #tpu.memory_space<hbm>>
      tpu.wait_indirect_dma semaphore(%arg23 : memref<!tpu.dma_semaphore, #tpu.memory_space<semaphore_mem>>) src(%dma_wait3A_261 : memref<10000x128xf32, #tpu.memory_space<hbm>>) dst(%arg19 : memref<64x128xf32, #tpu.memory_space<vmem>>)
      %scan3A_262 = arith.constant 0 : i32
      %scan3A_263 = arith.constant 4 : i32
      %scan3A_264 = arith.addi %scan3A_262, %scan3A_263 : i32
      %scan3A_265 = arith.constant 1 : i32
      scf.for %scan3A_319 = %scan3A_262 to %scan3A_264 step %scan3A_265  : i32 {
        %mul3A_320 = arith.constant 16 : i32
        %mul3A_321 = arith.muli %scan3A_319, %mul3A_320 : i32
        %add3A_322 = arith.constant 0 : i32
        %add3A_323 = arith.addi %add3A_322, %mul3A_321 : i32
        %add3A_324 = arith.constant 64 : i32
        %add3A_325 = arith.addi %add3A_324, %add3A_323 : i32
        %get3A = arith.index_cast %add3A_325 : i32 to index
        %get3A_326 = tpu.vector_load %arg10[%get3A] {strides = array<i32>} : memref<128xi32, #tpu.memory_space<vmem>>, vector<16xi32>,
        %get3A_327 = arith.index_cast %add3A_323 : i32 to index
        %get3A_328 = tpu.vector_load %arg14[%get3A_327] {strides = array<i32>} : memref<64xi32, #tpu.memory_space<vmem>>, vector<16xi32>,
        %gather3A = tpu.vector_load_idx %arg15[%get3A_326] : memref<10000xf32, #tpu.memory_space<vmem>>[vector<16xi32>], vector<16xf32>,
        %gather3A_329 = tpu.vector_load_idx %arg16[%get3A_328] : memref<10000xf32, #tpu.memory_space<vmem>>[vector<16xi32>], vector<16xf32>,
        %add3A_330 = arith.addf %gather3A, %gather3A_329 : vector<16xf32>
        %gt3A = arith.constant 0.000000e+00 : f32
        %gt3A_331 = vector.broadcast %gt3A : f32 to vector<16xf32>
        %gt3A_332 = arith.cmpf ogt, %add3A_330, %gt3A_331 : vector<16xf32>
        %mul3A_333 = arith.constant 2.000000e-01 : f32
        %mul3A_334 = vector.broadcast %mul3A_333 : f32 to vector<16xf32>
        %mul3A_335 = arith.mulf %add3A_330, %mul3A_334 : vector<16xf32>
        %select_n3A_336 = arith.select %gt3A_332, %add3A_330, %mul3A_335 : vector<16xi1>, vector<16xf32>
        %sub3A_337 = arith.subf %select_n3A_336, %add3A_48 : vector<16xf32>
        %exp3A = math.exp %sub3A_337 : vector<16xf32>
        %add3A_338 = arith.constant 64 : i32
        %add3A_339 = arith.addi %add3A_338, %add3A_323 : i32
        %swap3A = arith.index_cast %add3A_339 : i32 to index
        %swap3A_340 = tpu.vector_load %arg17[%swap3A] {strides = array<i32>} : memref<128xf32, #tpu.memory_space<vmem>>, vector<16xf32>,
        tpu.vector_store %arg17[%swap3A], %exp3A {strides = array<i32>} : memref<128xf32, #tpu.memory_space<vmem>>, vector<16xf32>,
        %shift_right_logical3A = arith.constant 7 : i32
        %shift_right_logical3A_341 = vector.broadcast %shift_right_logical3A : i32 to vector<16xi32>
        %shift_right_logical3A_342 = arith.shrui %get3A_328, %shift_right_logical3A_341 : vector<16xi32>
        %and3A = arith.constant 127 : i32
        %and3A_343 = vector.broadcast %and3A : i32 to vector<16xi32>
        %and3A_344 = arith.andi %get3A_328, %and3A_343 : vector<16xi32>
        tpu.vector_store_idx %arg20[%shift_right_logical3A_342, %and3A_344], %exp3A {add = true} : memref<80x128xf32, #tpu.memory_space<vmem>>[vector<16xi32>, vector<16xi32>], vector<16xf32>,
      }
      %scan3A_266 = arith.constant 4 : i32
      %parallel_loop3A_267 = arith.constant 0 : i32
      %parallel_loop3A_268 = arith.constant 64 : i32
      %parallel_loop3A_269 = arith.constant 1 : i32
      scf.for %parallel_loop3A_319 = %parallel_loop3A_267 to %parallel_loop3A_268 step %parallel_loop3A_269  : i32 {
        %parallel_loop3A_320 = arith.constant 0 : i32
        %parallel_loop3A_321 = vector.broadcast %parallel_loop3A_320 : i32 to vector<16xi32>
        %parallel_loop3A_322 = arith.constant 64 : i32
        %parallel_loop3A_323 = arith.addi %parallel_loop3A_322, %parallel_loop3A_319 : i32
        %parallel_loop3A_324 = vector.broadcast %parallel_loop3A_323 : i32 to vector<16xi32>
        %parallel_loop3A_325 = arith.addi %parallel_loop3A_321, %parallel_loop3A_324 : vector<16xi32>
        %parallel_loop3A_326 = tpu.vector_load_idx %arg17[%parallel_loop3A_325] : memref<128xf32, #tpu.memory_space<vmem>>[vector<16xi32>], vector<16xf32>,
        %parallel_loop3A_327 = arith.index_cast %parallel_loop3A_319 : i32 to index
        %parallel_loop3A_328 = arith.constant 0 : index
        %parallel_loop3A_329 = tpu.vector_load %arg19[%parallel_loop3A_327, %parallel_loop3A_328] {strides = array<i32>} : memref<64x128xf32, #tpu.memory_space<vmem>>, vector<16xf32>,
        %parallel_loop3A_330 = arith.mulf %parallel_loop3A_329, %parallel_loop3A_326 : vector<16xf32>
        %parallel_loop3A_331 = arith.index_cast %parallel_loop3A_319 : i32 to index
        %parallel_loop3A_332 = arith.constant 0 : index
        %parallel_loop3A_333 = tpu.vector_load %arg19[%parallel_loop3A_331, %parallel_loop3A_332] {strides = array<i32>} : memref<64x128xf32, #tpu.memory_space<vmem>>, vector<16xf32>,
        tpu.vector_store %arg19[%parallel_loop3A_331, %parallel_loop3A_332], %parallel_loop3A_330 {strides = array<i32>} : memref<64x128xf32, #tpu.memory_space<vmem>>, vector<16xf32>,
        %parallel_loop3A_334 = arith.index_cast %parallel_loop3A_319 : i32 to index
        %parallel_loop3A_335 = arith.constant 16 : index
        %parallel_loop3A_336 = tpu.vector_load %arg19[%parallel_loop3A_334, %parallel_loop3A_335] {strides = array<i32>} : memref<64x128xf32, #tpu.memory_space<vmem>>, vector<16xf32>,
        %parallel_loop3A_337 = arith.mulf %parallel_loop3A_336, %parallel_loop3A_326 : vector<16xf32>
        %parallel_loop3A_338 = arith.index_cast %parallel_loop3A_319 : i32 to index
        %parallel_loop3A_339 = arith.constant 16 : index
        %parallel_loop3A_340 = tpu.vector_load %arg19[%parallel_loop3A_338, %parallel_loop3A_339] {strides = array<i32>} : memref<64x128xf32, #tpu.memory_space<vmem>>, vector<16xf32>,
        tpu.vector_store %arg19[%parallel_loop3A_338, %parallel_loop3A_339], %parallel_loop3A_337 {strides = array<i32>} : memref<64x128xf32, #tpu.memory_space<vmem>>, vector<16xf32>,
        %parallel_loop3A_341 = arith.index_cast %parallel_loop3A_319 : i32 to index
        %parallel_loop3A_342 = arith.constant 32 : index
        %parallel_loop3A_343 = tpu.vector_load %arg19[%parallel_loop3A_341, %parallel_loop3A_342] {strides = array<i32>} : memref<64x128xf32, #tpu.memory_space<vmem>>, vector<16xf32>,
        %parallel_loop3A_344 = arith.mulf %parallel_loop3A_343, %parallel_loop3A_326 : vector<16xf32>
        %parallel_loop3A_345 = arith.index_cast %parallel_loop3A_319 : i32 to index
        %parallel_loop3A_346 = arith.constant 32 : index
        %parallel_loop3A_347 = tpu.vector_load %arg19[%parallel_loop3A_345, %parallel_loop3A_346] {strides = array<i32>} : memref<64x128xf32, #tpu.memory_space<vmem>>, vector<16xf32>,
        tpu.vector_store %arg19[%parallel_loop3A_345, %parallel_loop3A_346], %parallel_loop3A_344 {strides = array<i32>} : memref<64x128xf32, #tpu.memory_space<vmem>>, vector<16xf32>,
        %parallel_loop3A_348 = arith.index_cast %parallel_loop3A_319 : i32 to index
        %parallel_loop3A_349 = arith.constant 48 : index
        %parallel_loop3A_350 = tpu.vector_load %arg19[%parallel_loop3A_348, %parallel_loop3A_349] {strides = array<i32>} : memref<64x128xf32, #tpu.memory_space<vmem>>, vector<16xf32>,
        %parallel_loop3A_351 = arith.mulf %parallel_loop3A_350, %parallel_loop3A_326 : vector<16xf32>
        %parallel_loop3A_352 = arith.index_cast %parallel_loop3A_319 : i32 to index
        %parallel_loop3A_353 = arith.constant 48 : index
        %parallel_loop3A_354 = tpu.vector_load %arg19[%parallel_loop3A_352, %parallel_loop3A_353] {strides = array<i32>} : memref<64x128xf32, #tpu.memory_space<vmem>>, vector<16xf32>,
        tpu.vector_store %arg19[%parallel_loop3A_352, %parallel_loop3A_353], %parallel_loop3A_351 {strides = array<i32>} : memref<64x128xf32, #tpu.memory_space<vmem>>, vector<16xf32>,
        %parallel_loop3A_355 = arith.index_cast %parallel_loop3A_319 : i32 to index
        %parallel_loop3A_356 = arith.constant 64 : index
        %parallel_loop3A_357 = tpu.vector_load %arg19[%parallel_loop3A_355, %parallel_loop3A_356] {strides = array<i32>} : memref<64x128xf32, #tpu.memory_space<vmem>>, vector<16xf32>,
        %parallel_loop3A_358 = arith.mulf %parallel_loop3A_357, %parallel_loop3A_326 : vector<16xf32>
        %parallel_loop3A_359 = arith.index_cast %parallel_loop3A_319 : i32 to index
        %parallel_loop3A_360 = arith.constant 64 : index
        %parallel_loop3A_361 = tpu.vector_load %arg19[%parallel_loop3A_359, %parallel_loop3A_360] {strides = array<i32>} : memref<64x128xf32, #tpu.memory_space<vmem>>, vector<16xf32>,
        tpu.vector_store %arg19[%parallel_loop3A_359, %parallel_loop3A_360], %parallel_loop3A_358 {strides = array<i32>} : memref<64x128xf32, #tpu.memory_space<vmem>>, vector<16xf32>,
        %parallel_loop3A_362 = arith.index_cast %parallel_loop3A_319 : i32 to index
        %parallel_loop3A_363 = arith.constant 80 : index
        %parallel_loop3A_364 = tpu.vector_load %arg19[%parallel_loop3A_362, %parallel_loop3A_363] {strides = array<i32>} : memref<64x128xf32, #tpu.memory_space<vmem>>, vector<16xf32>,
        %parallel_loop3A_365 = arith.mulf %parallel_loop3A_364, %parallel_loop3A_326 : vector<16xf32>
        %parallel_loop3A_366 = arith.index_cast %parallel_loop3A_319 : i32 to index
        %parallel_loop3A_367 = arith.constant 80 : index
        %parallel_loop3A_368 = tpu.vector_load %arg19[%parallel_loop3A_366, %parallel_loop3A_367] {strides = array<i32>} : memref<64x128xf32, #tpu.memory_space<vmem>>, vector<16xf32>,
        tpu.vector_store %arg19[%parallel_loop3A_366, %parallel_loop3A_367], %parallel_loop3A_365 {strides = array<i32>} : memref<64x128xf32, #tpu.memory_space<vmem>>, vector<16xf32>,
        %parallel_loop3A_369 = arith.index_cast %parallel_loop3A_319 : i32 to index
        %parallel_loop3A_370 = arith.constant 96 : index
        %parallel_loop3A_371 = tpu.vector_load %arg19[%parallel_loop3A_369, %parallel_loop3A_370] {strides = array<i32>} : memref<64x128xf32, #tpu.memory_space<vmem>>, vector<16xf32>,
        %parallel_loop3A_372 = arith.mulf %parallel_loop3A_371, %parallel_loop3A_326 : vector<16xf32>
        %parallel_loop3A_373 = arith.index_cast %parallel_loop3A_319 : i32 to index
        %parallel_loop3A_374 = arith.constant 96 : index
        %parallel_loop3A_375 = tpu.vector_load %arg19[%parallel_loop3A_373, %parallel_loop3A_374] {strides = array<i32>} : memref<64x128xf32, #tpu.memory_space<vmem>>, vector<16xf32>,
        tpu.vector_store %arg19[%parallel_loop3A_373, %parallel_loop3A_374], %parallel_loop3A_372 {strides = array<i32>} : memref<64x128xf32, #tpu.memory_space<vmem>>, vector<16xf32>,
        %parallel_loop3A_376 = arith.index_cast %parallel_loop3A_319 : i32 to index
        %parallel_loop3A_377 = arith.constant 112 : index
        %parallel_loop3A_378 = tpu.vector_load %arg19[%parallel_loop3A_376, %parallel_loop3A_377] {strides = array<i32>} : memref<64x128xf32, #tpu.memory_space<vmem>>, vector<16xf32>,
        %parallel_loop3A_379 = arith.mulf %parallel_loop3A_378, %parallel_loop3A_326 : vector<16xf32>
        %parallel_loop3A_380 = arith.index_cast %parallel_loop3A_319 : i32 to index
        %parallel_loop3A_381 = arith.constant 112 : index
        %parallel_loop3A_382 = tpu.vector_load %arg19[%parallel_loop3A_380, %parallel_loop3A_381] {strides = array<i32>} : memref<64x128xf32, #tpu.memory_space<vmem>>, vector<16xf32>,
        tpu.vector_store %arg19[%parallel_loop3A_380, %parallel_loop3A_381], %parallel_loop3A_379 {strides = array<i32>} : memref<64x128xf32, #tpu.memory_space<vmem>>, vector<16xf32>,
      } {sc.loop_unroll_factor = 4 : i64, sc.parallel_access}
      %dma_start3A_270 = arith.constant 0 : i32
      %dma_start3A_271 = arith.constant 0 : i32
      %dma_start3A_272 = tpu.memref_slice %arg28[%dma_start3A_270, %dma_start3A_271] : memref<10240x128xf32, #tpu.memory_space<vmem_shared>> -> memref<10240x128xf32, #tpu.memory_space<vmem_shared>>
      tpu.enqueue_indirect_dma source(%arg19 : memref<64x128xf32, #tpu.memory_space<vmem>>) target(%dma_start3A_272 : memref<10240x128xf32, #tpu.memory_space<vmem_shared>>) offsets(%arg14 : memref<64xi32, #tpu.memory_space<vmem>>) semaphore(%arg25 : memref<!tpu.dma_semaphore, #tpu.memory_space<semaphore_mem>>) {add = true}
      %dma_wait3A_273 = arith.constant 0 : i32
      %dma_wait3A_274 = arith.constant 0 : i32
      %dma_wait3A_275 = tpu.memref_slice %arg28[%dma_wait3A_273, %dma_wait3A_274] : memref<10240x128xf32, #tpu.memory_space<vmem_shared>> -> memref<10240x128xf32, #tpu.memory_space<vmem_shared>>
      tpu.wait_indirect_dma semaphore(%arg24 : memref<!tpu.dma_semaphore, #tpu.memory_space<semaphore_mem>>) src(%arg18 : memref<64x128xf32, #tpu.memory_space<vmem>>) dst(%dma_wait3A_275 : memref<10240x128xf32, #tpu.memory_space<vmem_shared>>)
      %add3A_276 = arith.constant 4 : i32
      %add3A_277 = arith.addi %add3A_163, %add3A_276 : i32
      %mul3A_278 = arith.constant 64 : i32
      %mul3A_279 = arith.muli %add3A_277, %mul3A_278 : i32
      %add3A_280 = arith.addi %add3A_64, %mul3A_279 : i32
      %min3A_281 = arith.constant 319872 : i32
      %min3A_282 = arith.minsi %add3A_280, %min3A_281 : i32
      %add3A_283 = arith.constant 64 : i32
      %add3A_284 = arith.addi %min3A_282, %add3A_283 : i32
      %dma_wait3A_285 = tpu.memref_slice %arg5[%min3A_282] : memref<320000xi32, #tpu.memory_space<hbm>> -> memref<128xi32, #tpu.memory_space<hbm>>
      %dma_wait3A_286 = tpu.memref_slice %arg5[%min3A_282] : memref<320000xi32, #tpu.memory_space<hbm>> -> memref<128xi32, #tpu.memory_space<hbm>>
      tpu.wait_dma2 semaphore(%arg26 : memref<!tpu.dma_semaphore, #tpu.memory_space<semaphore_mem>>) src(%dma_wait3A_286 : memref<128xi32, #tpu.memory_space<hbm>>) dst(%arg9 : memref<128xi32, #tpu.memory_space<vmem>>)
      %dma_wait3A_287 = tpu.memref_slice %arg6[%min3A_282] : memref<320000xi32, #tpu.memory_space<hbm>> -> memref<64xi32, #tpu.memory_space<hbm>>
      %dma_wait3A_288 = tpu.memref_slice %arg6[%min3A_282] : memref<320000xi32, #tpu.memory_space<hbm>> -> memref<64xi32, #tpu.memory_space<hbm>>
      tpu.wait_dma2 semaphore(%arg26 : memref<!tpu.dma_semaphore, #tpu.memory_space<semaphore_mem>>) src(%dma_wait3A_288 : memref<64xi32, #tpu.memory_space<hbm>>) dst(%arg11 : memref<64xi32, #tpu.memory_space<vmem>>)
      %dma_wait3A_289 = tpu.memref_slice %arg6[%add3A_284] : memref<320000xi32, #tpu.memory_space<hbm>> -> memref<64xi32, #tpu.memory_space<hbm>>
      %dma_wait3A_290 = tpu.memref_slice %arg6[%add3A_284] : memref<320000xi32, #tpu.memory_space<hbm>> -> memref<64xi32, #tpu.memory_space<hbm>>
      tpu.wait_dma2 semaphore(%arg26 : memref<!tpu.dma_semaphore, #tpu.memory_space<semaphore_mem>>) src(%dma_wait3A_290 : memref<64xi32, #tpu.memory_space<hbm>>) dst(%arg12 : memref<64xi32, #tpu.memory_space<vmem>>)
      %dma_start3A_291 = arith.constant 0 : i32
      %dma_start3A_292 = tpu.memref_slice %arg9[%dma_start3A_291] : memref<128xi32, #tpu.memory_space<vmem>> -> memref<64xi32, #tpu.memory_space<vmem>>
      %dma_start3A_293 = arith.constant 0 : i32
      %dma_start3A_294 = arith.constant 0 : i32
      %dma_start3A_295 = tpu.memref_slice %arg2[%dma_start3A_293, %dma_start3A_294] : memref<10000x128xf32, #tpu.memory_space<hbm>> -> memref<10000x128xf32, #tpu.memory_space<hbm>>
      tpu.enqueue_indirect_dma source(%dma_start3A_295 : memref<10000x128xf32, #tpu.memory_space<hbm>>) target(%arg18 : memref<64x128xf32, #tpu.memory_space<vmem>>) offsets(%dma_start3A_292 : memref<64xi32, #tpu.memory_space<vmem>>) semaphore(%arg22 : memref<!tpu.dma_semaphore, #tpu.memory_space<semaphore_mem>>)
      %dma_wait3A_296 = arith.constant 0 : i32
      %dma_wait3A_297 = arith.constant 0 : i32
      %dma_wait3A_298 = tpu.memref_slice %arg28[%dma_wait3A_296, %dma_wait3A_297] : memref<10240x128xf32, #tpu.memory_space<vmem_shared>> -> memref<10240x128xf32, #tpu.memory_space<vmem_shared>>
      tpu.wait_indirect_dma semaphore(%arg25 : memref<!tpu.dma_semaphore, #tpu.memory_space<semaphore_mem>>) src(%arg19 : memref<64x128xf32, #tpu.memory_space<vmem>>) dst(%dma_wait3A_298 : memref<10240x128xf32, #tpu.memory_space<vmem_shared>>)
      %dma_start3A_299 = arith.constant 64 : i32
      %dma_start3A_300 = tpu.memref_slice %arg9[%dma_start3A_299] : memref<128xi32, #tpu.memory_space<vmem>> -> memref<64xi32, #tpu.memory_space<vmem>>
      %dma_start3A_301 = arith.constant 0 : i32
      %dma_start3A_302 = arith.constant 0 : i32
      %dma_start3A_303 = tpu.memref_slice %arg2[%dma_start3A_301, %dma_start3A_302] : memref<10000x128xf32, #tpu.memory_space<hbm>> -> memref<10000x128xf32, #tpu.memory_space<hbm>>
      tpu.enqueue_indirect_dma source(%dma_start3A_303 : memref<10000x128xf32, #tpu.memory_space<hbm>>) target(%arg19 : memref<64x128xf32, #tpu.memory_space<vmem>>) offsets(%dma_start3A_300 : memref<64xi32, #tpu.memory_space<vmem>>) semaphore(%arg23 : memref<!tpu.dma_semaphore, #tpu.memory_space<semaphore_mem>>)
      %add3A_304 = arith.constant 6 : i32
      %add3A_305 = arith.addi %add3A_163, %add3A_304 : i32
      %mul3A_306 = arith.constant 64 : i32
      %mul3A_307 = arith.muli %add3A_305, %mul3A_306 : i32
      %add3A_308 = arith.addi %add3A_64, %mul3A_307 : i32
      %min3A_309 = arith.constant 319872 : i32
      %min3A_310 = arith.minsi %add3A_308, %min3A_309 : i32
      %add3A_311 = arith.constant 64 : i32
      %add3A_312 = arith.addi %min3A_310, %add3A_311 : i32
      %dma_start3A_313 = tpu.memref_slice %arg5[%min3A_310] : memref<320000xi32, #tpu.memory_space<hbm>> -> memref<128xi32, #tpu.memory_space<hbm>>
      %dma_start3A_314 = tpu.memref_slice %arg5[%min3A_310] : memref<320000xi32, #tpu.memory_space<hbm>> -> memref<128xi32, #tpu.memory_space<hbm>>
      tpu.enqueue_dma source(%dma_start3A_314 : memref<128xi32, #tpu.memory_space<hbm>>) target(%arg10 : memref<128xi32, #tpu.memory_space<vmem>>) target_semaphore(%arg27 : memref<!tpu.dma_semaphore, #tpu.memory_space<semaphore_mem>>)
      %dma_start3A_315 = tpu.memref_slice %arg6[%min3A_310] : memref<320000xi32, #tpu.memory_space<hbm>> -> memref<64xi32, #tpu.memory_space<hbm>>
      %dma_start3A_316 = tpu.memref_slice %arg6[%min3A_310] : memref<320000xi32, #tpu.memory_space<hbm>> -> memref<64xi32, #tpu.memory_space<hbm>>
      tpu.enqueue_dma source(%dma_start3A_316 : memref<64xi32, #tpu.memory_space<hbm>>) target(%arg13 : memref<64xi32, #tpu.memory_space<vmem>>) target_semaphore(%arg27 : memref<!tpu.dma_semaphore, #tpu.memory_space<semaphore_mem>>)
      %dma_start3A_317 = tpu.memref_slice %arg6[%add3A_312] : memref<320000xi32, #tpu.memory_space<hbm>> -> memref<64xi32, #tpu.memory_space<hbm>>
      %dma_start3A_318 = tpu.memref_slice %arg6[%add3A_312] : memref<320000xi32, #tpu.memory_space<hbm>> -> memref<64xi32, #tpu.memory_space<hbm>>
      tpu.enqueue_dma source(%dma_start3A_318 : memref<64xi32, #tpu.memory_space<hbm>>) target(%arg14 : memref<64xi32, #tpu.memory_space<vmem>>) target_semaphore(%arg27 : memref<!tpu.dma_semaphore, #tpu.memory_space<semaphore_mem>>)
    }
    %while3A_124 = arith.constant 1 : i32
    scf.for %while3A_161 = %while3A_122 to %while3A_118 step %while3A_124  : i32 {
      %mul3A_162 = arith.muli %while3A_161, %while3A : i32
      %add3A_163 = arith.addi %while3A_115, %mul3A_162 : i32
      %dma_wait3A_164 = arith.constant 0 : i32
      %dma_wait3A_165 = tpu.memref_slice %arg9[%dma_wait3A_164] : memref<128xi32, #tpu.memory_space<vmem>> -> memref<64xi32, #tpu.memory_space<vmem>>
      %dma_wait3A_166 = arith.constant 0 : i32
      %dma_wait3A_167 = arith.constant 0 : i32
      %dma_wait3A_168 = tpu.memref_slice %arg2[%dma_wait3A_166, %dma_wait3A_167] : memref<10000x128xf32, #tpu.memory_space<hbm>> -> memref<10000x128xf32, #tpu.memory_space<hbm>>
      tpu.wait_indirect_dma semaphore(%arg22 : memref<!tpu.dma_semaphore, #tpu.memory_space<semaphore_mem>>) src(%dma_wait3A_168 : memref<10000x128xf32, #tpu.memory_space<hbm>>) dst(%arg18 : memref<64x128xf32, #tpu.memory_space<vmem>>)
      %scan3A_169 = arith.constant 0 : i32
      %scan3A_170 = arith.constant 4 : i32
      %scan3A_171 = arith.addi %scan3A_169, %scan3A_170 : i32
      %scan3A_172 = arith.constant 1 : i32
      scf.for %scan3A_319 = %scan3A_169 to %scan3A_171 step %scan3A_172  : i32 {
        %mul3A_320 = arith.constant 16 : i32
        %mul3A_321 = arith.muli %scan3A_319, %mul3A_320 : i32
        %add3A_322 = arith.constant 0 : i32
        %add3A_323 = arith.addi %add3A_322, %mul3A_321 : i32
        %add3A_324 = arith.constant 0 : i32
        %add3A_325 = arith.addi %add3A_324, %add3A_323 : i32
        %get3A = arith.index_cast %add3A_325 : i32 to index
        %get3A_326 = tpu.vector_load %arg9[%get3A] {strides = array<i32>} : memref<128xi32, #tpu.memory_space<vmem>>, vector<16xi32>,
        %get3A_327 = arith.index_cast %add3A_323 : i32 to index
        %get3A_328 = tpu.vector_load %arg11[%get3A_327] {strides = array<i32>} : memref<64xi32, #tpu.memory_space<vmem>>, vector<16xi32>,
        %gather3A = tpu.vector_load_idx %arg15[%get3A_326] : memref<10000xf32, #tpu.memory_space<vmem>>[vector<16xi32>], vector<16xf32>,
        %gather3A_329 = tpu.vector_load_idx %arg16[%get3A_328] : memref<10000xf32, #tpu.memory_space<vmem>>[vector<16xi32>], vector<16xf32>,
        %add3A_330 = arith.addf %gather3A, %gather3A_329 : vector<16xf32>
        %gt3A = arith.constant 0.000000e+00 : f32
        %gt3A_331 = vector.broadcast %gt3A : f32 to vector<16xf32>
        %gt3A_332 = arith.cmpf ogt, %add3A_330, %gt3A_331 : vector<16xf32>
        %mul3A_333 = arith.constant 2.000000e-01 : f32
        %mul3A_334 = vector.broadcast %mul3A_333 : f32 to vector<16xf32>
        %mul3A_335 = arith.mulf %add3A_330, %mul3A_334 : vector<16xf32>
        %select_n3A_336 = arith.select %gt3A_332, %add3A_330, %mul3A_335 : vector<16xi1>, vector<16xf32>
        %sub3A_337 = arith.subf %select_n3A_336, %add3A_48 : vector<16xf32>
        %exp3A = math.exp %sub3A_337 : vector<16xf32>
        %add3A_338 = arith.constant 0 : i32
        %add3A_339 = arith.addi %add3A_338, %add3A_323 : i32
        %swap3A = arith.index_cast %add3A_339 : i32 to index
        %swap3A_340 = tpu.vector_load %arg17[%swap3A] {strides = array<i32>} : memref<128xf32, #tpu.memory_space<vmem>>, vector<16xf32>,
        tpu.vector_store %arg17[%swap3A], %exp3A {strides = array<i32>} : memref<128xf32, #tpu.memory_space<vmem>>, vector<16xf32>,
        %shift_right_logical3A = arith.constant 7 : i32
        %shift_right_logical3A_341 = vector.broadcast %shift_right_logical3A : i32 to vector<16xi32>
        %shift_right_logical3A_342 = arith.shrui %get3A_328, %shift_right_logical3A_341 : vector<16xi32>
        %and3A = arith.constant 127 : i32
        %and3A_343 = vector.broadcast %and3A : i32 to vector<16xi32>
        %and3A_344 = arith.andi %get3A_328, %and3A_343 : vector<16xi32>
        tpu.vector_store_idx %arg20[%shift_right_logical3A_342, %and3A_344], %exp3A {add = true} : memref<80x128xf32, #tpu.memory_space<vmem>>[vector<16xi32>, vector<16xi32>], vector<16xf32>,
      }
      %scan3A_173 = arith.constant 4 : i32
      %parallel_loop3A = arith.constant 0 : i32
      %parallel_loop3A_174 = arith.constant 64 : i32
      %parallel_loop3A_175 = arith.constant 1 : i32
      scf.for %parallel_loop3A_319 = %parallel_loop3A to %parallel_loop3A_174 step %parallel_loop3A_175  : i32 {
        %parallel_loop3A_320 = arith.constant 0 : i32
        %parallel_loop3A_321 = vector.broadcast %parallel_loop3A_320 : i32 to vector<16xi32>
        %parallel_loop3A_322 = arith.constant 0 : i32
        %parallel_loop3A_323 = arith.addi %parallel_loop3A_322, %parallel_loop3A_319 : i32
        %parallel_loop3A_324 = vector.broadcast %parallel_loop3A_323 : i32 to vector<16xi32>
        %parallel_loop3A_325 = arith.addi %parallel_loop3A_321, %parallel_loop3A_324 : vector<16xi32>
        %parallel_loop3A_326 = tpu.vector_load_idx %arg17[%parallel_loop3A_325] : memref<128xf32, #tpu.memory_space<vmem>>[vector<16xi32>], vector<16xf32>,
        %parallel_loop3A_327 = arith.index_cast %parallel_loop3A_319 : i32 to index
        %parallel_loop3A_328 = arith.constant 0 : index
        %parallel_loop3A_329 = tpu.vector_load %arg18[%parallel_loop3A_327, %parallel_loop3A_328] {strides = array<i32>} : memref<64x128xf32, #tpu.memory_space<vmem>>, vector<16xf32>,
        %parallel_loop3A_330 = arith.mulf %parallel_loop3A_329, %parallel_loop3A_326 : vector<16xf32>
        %parallel_loop3A_331 = arith.index_cast %parallel_loop3A_319 : i32 to index
        %parallel_loop3A_332 = arith.constant 0 : index
        %parallel_loop3A_333 = tpu.vector_load %arg18[%parallel_loop3A_331, %parallel_loop3A_332] {strides = array<i32>} : memref<64x128xf32, #tpu.memory_space<vmem>>, vector<16xf32>,
        tpu.vector_store %arg18[%parallel_loop3A_331, %parallel_loop3A_332], %parallel_loop3A_330 {strides = array<i32>} : memref<64x128xf32, #tpu.memory_space<vmem>>, vector<16xf32>,
        %parallel_loop3A_334 = arith.index_cast %parallel_loop3A_319 : i32 to index
        %parallel_loop3A_335 = arith.constant 16 : index
        %parallel_loop3A_336 = tpu.vector_load %arg18[%parallel_loop3A_334, %parallel_loop3A_335] {strides = array<i32>} : memref<64x128xf32, #tpu.memory_space<vmem>>, vector<16xf32>,
        %parallel_loop3A_337 = arith.mulf %parallel_loop3A_336, %parallel_loop3A_326 : vector<16xf32>
        %parallel_loop3A_338 = arith.index_cast %parallel_loop3A_319 : i32 to index
        %parallel_loop3A_339 = arith.constant 16 : index
        %parallel_loop3A_340 = tpu.vector_load %arg18[%parallel_loop3A_338, %parallel_loop3A_339] {strides = array<i32>} : memref<64x128xf32, #tpu.memory_space<vmem>>, vector<16xf32>,
        tpu.vector_store %arg18[%parallel_loop3A_338, %parallel_loop3A_339], %parallel_loop3A_337 {strides = array<i32>} : memref<64x128xf32, #tpu.memory_space<vmem>>, vector<16xf32>,
        %parallel_loop3A_341 = arith.index_cast %parallel_loop3A_319 : i32 to index
        %parallel_loop3A_342 = arith.constant 32 : index
        %parallel_loop3A_343 = tpu.vector_load %arg18[%parallel_loop3A_341, %parallel_loop3A_342] {strides = array<i32>} : memref<64x128xf32, #tpu.memory_space<vmem>>, vector<16xf32>,
        %parallel_loop3A_344 = arith.mulf %parallel_loop3A_343, %parallel_loop3A_326 : vector<16xf32>
        %parallel_loop3A_345 = arith.index_cast %parallel_loop3A_319 : i32 to index
        %parallel_loop3A_346 = arith.constant 32 : index
        %parallel_loop3A_347 = tpu.vector_load %arg18[%parallel_loop3A_345, %parallel_loop3A_346] {strides = array<i32>} : memref<64x128xf32, #tpu.memory_space<vmem>>, vector<16xf32>,
        tpu.vector_store %arg18[%parallel_loop3A_345, %parallel_loop3A_346], %parallel_loop3A_344 {strides = array<i32>} : memref<64x128xf32, #tpu.memory_space<vmem>>, vector<16xf32>,
        %parallel_loop3A_348 = arith.index_cast %parallel_loop3A_319 : i32 to index
        %parallel_loop3A_349 = arith.constant 48 : index
        %parallel_loop3A_350 = tpu.vector_load %arg18[%parallel_loop3A_348, %parallel_loop3A_349] {strides = array<i32>} : memref<64x128xf32, #tpu.memory_space<vmem>>, vector<16xf32>,
        %parallel_loop3A_351 = arith.mulf %parallel_loop3A_350, %parallel_loop3A_326 : vector<16xf32>
        %parallel_loop3A_352 = arith.index_cast %parallel_loop3A_319 : i32 to index
        %parallel_loop3A_353 = arith.constant 48 : index
        %parallel_loop3A_354 = tpu.vector_load %arg18[%parallel_loop3A_352, %parallel_loop3A_353] {strides = array<i32>} : memref<64x128xf32, #tpu.memory_space<vmem>>, vector<16xf32>,
        tpu.vector_store %arg18[%parallel_loop3A_352, %parallel_loop3A_353], %parallel_loop3A_351 {strides = array<i32>} : memref<64x128xf32, #tpu.memory_space<vmem>>, vector<16xf32>,
        %parallel_loop3A_355 = arith.index_cast %parallel_loop3A_319 : i32 to index
        %parallel_loop3A_356 = arith.constant 64 : index
        %parallel_loop3A_357 = tpu.vector_load %arg18[%parallel_loop3A_355, %parallel_loop3A_356] {strides = array<i32>} : memref<64x128xf32, #tpu.memory_space<vmem>>, vector<16xf32>,
        %parallel_loop3A_358 = arith.mulf %parallel_loop3A_357, %parallel_loop3A_326 : vector<16xf32>
        %parallel_loop3A_359 = arith.index_cast %parallel_loop3A_319 : i32 to index
        %parallel_loop3A_360 = arith.constant 64 : index
        %parallel_loop3A_361 = tpu.vector_load %arg18[%parallel_loop3A_359, %parallel_loop3A_360] {strides = array<i32>} : memref<64x128xf32, #tpu.memory_space<vmem>>, vector<16xf32>,
        tpu.vector_store %arg18[%parallel_loop3A_359, %parallel_loop3A_360], %parallel_loop3A_358 {strides = array<i32>} : memref<64x128xf32, #tpu.memory_space<vmem>>, vector<16xf32>,
        %parallel_loop3A_362 = arith.index_cast %parallel_loop3A_319 : i32 to index
        %parallel_loop3A_363 = arith.constant 80 : index
        %parallel_loop3A_364 = tpu.vector_load %arg18[%parallel_loop3A_362, %parallel_loop3A_363] {strides = array<i32>} : memref<64x128xf32, #tpu.memory_space<vmem>>, vector<16xf32>,
        %parallel_loop3A_365 = arith.mulf %parallel_loop3A_364, %parallel_loop3A_326 : vector<16xf32>
        %parallel_loop3A_366 = arith.index_cast %parallel_loop3A_319 : i32 to index
        %parallel_loop3A_367 = arith.constant 80 : index
        %parallel_loop3A_368 = tpu.vector_load %arg18[%parallel_loop3A_366, %parallel_loop3A_367] {strides = array<i32>} : memref<64x128xf32, #tpu.memory_space<vmem>>, vector<16xf32>,
        tpu.vector_store %arg18[%parallel_loop3A_366, %parallel_loop3A_367], %parallel_loop3A_365 {strides = array<i32>} : memref<64x128xf32, #tpu.memory_space<vmem>>, vector<16xf32>,
        %parallel_loop3A_369 = arith.index_cast %parallel_loop3A_319 : i32 to index
        %parallel_loop3A_370 = arith.constant 96 : index
        %parallel_loop3A_371 = tpu.vector_load %arg18[%parallel_loop3A_369, %parallel_loop3A_370] {strides = array<i32>} : memref<64x128xf32, #tpu.memory_space<vmem>>, vector<16xf32>,
        %parallel_loop3A_372 = arith.mulf %parallel_loop3A_371, %parallel_loop3A_326 : vector<16xf32>
        %parallel_loop3A_373 = arith.index_cast %parallel_loop3A_319 : i32 to index
        %parallel_loop3A_374 = arith.constant 96 : index
        %parallel_loop3A_375 = tpu.vector_load %arg18[%parallel_loop3A_373, %parallel_loop3A_374] {strides = array<i32>} : memref<64x128xf32, #tpu.memory_space<vmem>>, vector<16xf32>,
        tpu.vector_store %arg18[%parallel_loop3A_373, %parallel_loop3A_374], %parallel_loop3A_372 {strides = array<i32>} : memref<64x128xf32, #tpu.memory_space<vmem>>, vector<16xf32>,
        %parallel_loop3A_376 = arith.index_cast %parallel_loop3A_319 : i32 to index
        %parallel_loop3A_377 = arith.constant 112 : index
        %parallel_loop3A_378 = tpu.vector_load %arg18[%parallel_loop3A_376, %parallel_loop3A_377] {strides = array<i32>} : memref<64x128xf32, #tpu.memory_space<vmem>>, vector<16xf32>,
        %parallel_loop3A_379 = arith.mulf %parallel_loop3A_378, %parallel_loop3A_326 : vector<16xf32>
        %parallel_loop3A_380 = arith.index_cast %parallel_loop3A_319 : i32 to index
        %parallel_loop3A_381 = arith.constant 112 : index
        %parallel_loop3A_382 = tpu.vector_load %arg18[%parallel_loop3A_380, %parallel_loop3A_381] {strides = array<i32>} : memref<64x128xf32, #tpu.memory_space<vmem>>, vector<16xf32>,
        tpu.vector_store %arg18[%parallel_loop3A_380, %parallel_loop3A_381], %parallel_loop3A_379 {strides = array<i32>} : memref<64x128xf32, #tpu.memory_space<vmem>>, vector<16xf32>,
      } {sc.loop_unroll_factor = 4 : i64, sc.parallel_access}
      %dma_start3A_176 = arith.constant 0 : i32
      %dma_start3A_177 = arith.constant 0 : i32
      %dma_start3A_178 = tpu.memref_slice %arg28[%dma_start3A_176, %dma_start3A_177] : memref<10240x128xf32, #tpu.memory_space<vmem_shared>> -> memref<10240x128xf32, #tpu.memory_space<vmem_shared>>
      tpu.enqueue_indirect_dma source(%arg18 : memref<64x128xf32, #tpu.memory_space<vmem>>) target(%dma_start3A_178 : memref<10240x128xf32, #tpu.memory_space<vmem_shared>>) offsets(%arg11 : memref<64xi32, #tpu.memory_space<vmem>>) semaphore(%arg24 : memref<!tpu.dma_semaphore, #tpu.memory_space<semaphore_mem>>) {add = true}
      %dma_wait3A_179 = arith.constant 64 : i32
      %dma_wait3A_180 = tpu.memref_slice %arg9[%dma_wait3A_179] : memref<128xi32, #tpu.memory_space<vmem>> -> memref<64xi32, #tpu.memory_space<vmem>>
      %dma_wait3A_181 = arith.constant 0 : i32
      %dma_wait3A_182 = arith.constant 0 : i32
      %dma_wait3A_183 = tpu.memref_slice %arg2[%dma_wait3A_181, %dma_wait3A_182] : memref<10000x128xf32, #tpu.memory_space<hbm>> -> memref<10000x128xf32, #tpu.memory_space<hbm>>
      tpu.wait_indirect_dma semaphore(%arg23 : memref<!tpu.dma_semaphore, #tpu.memory_space<semaphore_mem>>) src(%dma_wait3A_183 : memref<10000x128xf32, #tpu.memory_space<hbm>>) dst(%arg19 : memref<64x128xf32, #tpu.memory_space<vmem>>)
      %scan3A_184 = arith.constant 0 : i32
      %scan3A_185 = arith.constant 4 : i32
      %scan3A_186 = arith.addi %scan3A_184, %scan3A_185 : i32
      %scan3A_187 = arith.constant 1 : i32
      scf.for %scan3A_319 = %scan3A_184 to %scan3A_186 step %scan3A_187  : i32 {
        %mul3A_320 = arith.constant 16 : i32
        %mul3A_321 = arith.muli %scan3A_319, %mul3A_320 : i32
        %add3A_322 = arith.constant 0 : i32
        %add3A_323 = arith.addi %add3A_322, %mul3A_321 : i32
        %add3A_324 = arith.constant 64 : i32
        %add3A_325 = arith.addi %add3A_324, %add3A_323 : i32
        %get3A = arith.index_cast %add3A_325 : i32 to index
        %get3A_326 = tpu.vector_load %arg9[%get3A] {strides = array<i32>} : memref<128xi32, #tpu.memory_space<vmem>>, vector<16xi32>,
        %get3A_327 = arith.index_cast %add3A_323 : i32 to index
        %get3A_328 = tpu.vector_load %arg12[%get3A_327] {strides = array<i32>} : memref<64xi32, #tpu.memory_space<vmem>>, vector<16xi32>,
        %gather3A = tpu.vector_load_idx %arg15[%get3A_326] : memref<10000xf32, #tpu.memory_space<vmem>>[vector<16xi32>], vector<16xf32>,
        %gather3A_329 = tpu.vector_load_idx %arg16[%get3A_328] : memref<10000xf32, #tpu.memory_space<vmem>>[vector<16xi32>], vector<16xf32>,
        %add3A_330 = arith.addf %gather3A, %gather3A_329 : vector<16xf32>
        %gt3A = arith.constant 0.000000e+00 : f32
        %gt3A_331 = vector.broadcast %gt3A : f32 to vector<16xf32>
        %gt3A_332 = arith.cmpf ogt, %add3A_330, %gt3A_331 : vector<16xf32>
        %mul3A_333 = arith.constant 2.000000e-01 : f32
        %mul3A_334 = vector.broadcast %mul3A_333 : f32 to vector<16xf32>
        %mul3A_335 = arith.mulf %add3A_330, %mul3A_334 : vector<16xf32>
        %select_n3A_336 = arith.select %gt3A_332, %add3A_330, %mul3A_335 : vector<16xi1>, vector<16xf32>
        %sub3A_337 = arith.subf %select_n3A_336, %add3A_48 : vector<16xf32>
        %exp3A = math.exp %sub3A_337 : vector<16xf32>
        %add3A_338 = arith.constant 64 : i32
        %add3A_339 = arith.addi %add3A_338, %add3A_323 : i32
        %swap3A = arith.index_cast %add3A_339 : i32 to index
        %swap3A_340 = tpu.vector_load %arg17[%swap3A] {strides = array<i32>} : memref<128xf32, #tpu.memory_space<vmem>>, vector<16xf32>,
        tpu.vector_store %arg17[%swap3A], %exp3A {strides = array<i32>} : memref<128xf32, #tpu.memory_space<vmem>>, vector<16xf32>,
        %shift_right_logical3A = arith.constant 7 : i32
        %shift_right_logical3A_341 = vector.broadcast %shift_right_logical3A : i32 to vector<16xi32>
        %shift_right_logical3A_342 = arith.shrui %get3A_328, %shift_right_logical3A_341 : vector<16xi32>
        %and3A = arith.constant 127 : i32
        %and3A_343 = vector.broadcast %and3A : i32 to vector<16xi32>
        %and3A_344 = arith.andi %get3A_328, %and3A_343 : vector<16xi32>
        tpu.vector_store_idx %arg20[%shift_right_logical3A_342, %and3A_344], %exp3A {add = true} : memref<80x128xf32, #tpu.memory_space<vmem>>[vector<16xi32>, vector<16xi32>], vector<16xf32>,
      }
      %scan3A_188 = arith.constant 4 : i32
      %parallel_loop3A_189 = arith.constant 0 : i32
      %parallel_loop3A_190 = arith.constant 64 : i32
      %parallel_loop3A_191 = arith.constant 1 : i32
      scf.for %parallel_loop3A_319 = %parallel_loop3A_189 to %parallel_loop3A_190 step %parallel_loop3A_191  : i32 {
        %parallel_loop3A_320 = arith.constant 0 : i32
        %parallel_loop3A_321 = vector.broadcast %parallel_loop3A_320 : i32 to vector<16xi32>
        %parallel_loop3A_322 = arith.constant 64 : i32
        %parallel_loop3A_323 = arith.addi %parallel_loop3A_322, %parallel_loop3A_319 : i32
        %parallel_loop3A_324 = vector.broadcast %parallel_loop3A_323 : i32 to vector<16xi32>
        %parallel_loop3A_325 = arith.addi %parallel_loop3A_321, %parallel_loop3A_324 : vector<16xi32>
        %parallel_loop3A_326 = tpu.vector_load_idx %arg17[%parallel_loop3A_325] : memref<128xf32, #tpu.memory_space<vmem>>[vector<16xi32>], vector<16xf32>,
        %parallel_loop3A_327 = arith.index_cast %parallel_loop3A_319 : i32 to index
        %parallel_loop3A_328 = arith.constant 0 : index
        %parallel_loop3A_329 = tpu.vector_load %arg19[%parallel_loop3A_327, %parallel_loop3A_328] {strides = array<i32>} : memref<64x128xf32, #tpu.memory_space<vmem>>, vector<16xf32>,
        %parallel_loop3A_330 = arith.mulf %parallel_loop3A_329, %parallel_loop3A_326 : vector<16xf32>
        %parallel_loop3A_331 = arith.index_cast %parallel_loop3A_319 : i32 to index
        %parallel_loop3A_332 = arith.constant 0 : index
        %parallel_loop3A_333 = tpu.vector_load %arg19[%parallel_loop3A_331, %parallel_loop3A_332] {strides = array<i32>} : memref<64x128xf32, #tpu.memory_space<vmem>>, vector<16xf32>,
        tpu.vector_store %arg19[%parallel_loop3A_331, %parallel_loop3A_332], %parallel_loop3A_330 {strides = array<i32>} : memref<64x128xf32, #tpu.memory_space<vmem>>, vector<16xf32>,
        %parallel_loop3A_334 = arith.index_cast %parallel_loop3A_319 : i32 to index
        %parallel_loop3A_335 = arith.constant 16 : index
        %parallel_loop3A_336 = tpu.vector_load %arg19[%parallel_loop3A_334, %parallel_loop3A_335] {strides = array<i32>} : memref<64x128xf32, #tpu.memory_space<vmem>>, vector<16xf32>,
        %parallel_loop3A_337 = arith.mulf %parallel_loop3A_336, %parallel_loop3A_326 : vector<16xf32>
        %parallel_loop3A_338 = arith.index_cast %parallel_loop3A_319 : i32 to index
        %parallel_loop3A_339 = arith.constant 16 : index
        %parallel_loop3A_340 = tpu.vector_load %arg19[%parallel_loop3A_338, %parallel_loop3A_339] {strides = array<i32>} : memref<64x128xf32, #tpu.memory_space<vmem>>, vector<16xf32>,
        tpu.vector_store %arg19[%parallel_loop3A_338, %parallel_loop3A_339], %parallel_loop3A_337 {strides = array<i32>} : memref<64x128xf32, #tpu.memory_space<vmem>>, vector<16xf32>,
        %parallel_loop3A_341 = arith.index_cast %parallel_loop3A_319 : i32 to index
        %parallel_loop3A_342 = arith.constant 32 : index
        %parallel_loop3A_343 = tpu.vector_load %arg19[%parallel_loop3A_341, %parallel_loop3A_342] {strides = array<i32>} : memref<64x128xf32, #tpu.memory_space<vmem>>, vector<16xf32>,
        %parallel_loop3A_344 = arith.mulf %parallel_loop3A_343, %parallel_loop3A_326 : vector<16xf32>
        %parallel_loop3A_345 = arith.index_cast %parallel_loop3A_319 : i32 to index
        %parallel_loop3A_346 = arith.constant 32 : index
        %parallel_loop3A_347 = tpu.vector_load %arg19[%parallel_loop3A_345, %parallel_loop3A_346] {strides = array<i32>} : memref<64x128xf32, #tpu.memory_space<vmem>>, vector<16xf32>,
        tpu.vector_store %arg19[%parallel_loop3A_345, %parallel_loop3A_346], %parallel_loop3A_344 {strides = array<i32>} : memref<64x128xf32, #tpu.memory_space<vmem>>, vector<16xf32>,
        %parallel_loop3A_348 = arith.index_cast %parallel_loop3A_319 : i32 to index
        %parallel_loop3A_349 = arith.constant 48 : index
        %parallel_loop3A_350 = tpu.vector_load %arg19[%parallel_loop3A_348, %parallel_loop3A_349] {strides = array<i32>} : memref<64x128xf32, #tpu.memory_space<vmem>>, vector<16xf32>,
        %parallel_loop3A_351 = arith.mulf %parallel_loop3A_350, %parallel_loop3A_326 : vector<16xf32>
        %parallel_loop3A_352 = arith.index_cast %parallel_loop3A_319 : i32 to index
        %parallel_loop3A_353 = arith.constant 48 : index
        %parallel_loop3A_354 = tpu.vector_load %arg19[%parallel_loop3A_352, %parallel_loop3A_353] {strides = array<i32>} : memref<64x128xf32, #tpu.memory_space<vmem>>, vector<16xf32>,
        tpu.vector_store %arg19[%parallel_loop3A_352, %parallel_loop3A_353], %parallel_loop3A_351 {strides = array<i32>} : memref<64x128xf32, #tpu.memory_space<vmem>>, vector<16xf32>,
        %parallel_loop3A_355 = arith.index_cast %parallel_loop3A_319 : i32 to index
        %parallel_loop3A_356 = arith.constant 64 : index
        %parallel_loop3A_357 = tpu.vector_load %arg19[%parallel_loop3A_355, %parallel_loop3A_356] {strides = array<i32>} : memref<64x128xf32, #tpu.memory_space<vmem>>, vector<16xf32>,
        %parallel_loop3A_358 = arith.mulf %parallel_loop3A_357, %parallel_loop3A_326 : vector<16xf32>
        %parallel_loop3A_359 = arith.index_cast %parallel_loop3A_319 : i32 to index
        %parallel_loop3A_360 = arith.constant 64 : index
        %parallel_loop3A_361 = tpu.vector_load %arg19[%parallel_loop3A_359, %parallel_loop3A_360] {strides = array<i32>} : memref<64x128xf32, #tpu.memory_space<vmem>>, vector<16xf32>,
        tpu.vector_store %arg19[%parallel_loop3A_359, %parallel_loop3A_360], %parallel_loop3A_358 {strides = array<i32>} : memref<64x128xf32, #tpu.memory_space<vmem>>, vector<16xf32>,
        %parallel_loop3A_362 = arith.index_cast %parallel_loop3A_319 : i32 to index
        %parallel_loop3A_363 = arith.constant 80 : index
        %parallel_loop3A_364 = tpu.vector_load %arg19[%parallel_loop3A_362, %parallel_loop3A_363] {strides = array<i32>} : memref<64x128xf32, #tpu.memory_space<vmem>>, vector<16xf32>,
        %parallel_loop3A_365 = arith.mulf %parallel_loop3A_364, %parallel_loop3A_326 : vector<16xf32>
        %parallel_loop3A_366 = arith.index_cast %parallel_loop3A_319 : i32 to index
        %parallel_loop3A_367 = arith.constant 80 : index
        %parallel_loop3A_368 = tpu.vector_load %arg19[%parallel_loop3A_366, %parallel_loop3A_367] {strides = array<i32>} : memref<64x128xf32, #tpu.memory_space<vmem>>, vector<16xf32>,
        tpu.vector_store %arg19[%parallel_loop3A_366, %parallel_loop3A_367], %parallel_loop3A_365 {strides = array<i32>} : memref<64x128xf32, #tpu.memory_space<vmem>>, vector<16xf32>,
        %parallel_loop3A_369 = arith.index_cast %parallel_loop3A_319 : i32 to index
        %parallel_loop3A_370 = arith.constant 96 : index
        %parallel_loop3A_371 = tpu.vector_load %arg19[%parallel_loop3A_369, %parallel_loop3A_370] {strides = array<i32>} : memref<64x128xf32, #tpu.memory_space<vmem>>, vector<16xf32>,
        %parallel_loop3A_372 = arith.mulf %parallel_loop3A_371, %parallel_loop3A_326 : vector<16xf32>
        %parallel_loop3A_373 = arith.index_cast %parallel_loop3A_319 : i32 to index
        %parallel_loop3A_374 = arith.constant 96 : index
        %parallel_loop3A_375 = tpu.vector_load %arg19[%parallel_loop3A_373, %parallel_loop3A_374] {strides = array<i32>} : memref<64x128xf32, #tpu.memory_space<vmem>>, vector<16xf32>,
        tpu.vector_store %arg19[%parallel_loop3A_373, %parallel_loop3A_374], %parallel_loop3A_372 {strides = array<i32>} : memref<64x128xf32, #tpu.memory_space<vmem>>, vector<16xf32>,
        %parallel_loop3A_376 = arith.index_cast %parallel_loop3A_319 : i32 to index
        %parallel_loop3A_377 = arith.constant 112 : index
        %parallel_loop3A_378 = tpu.vector_load %arg19[%parallel_loop3A_376, %parallel_loop3A_377] {strides = array<i32>} : memref<64x128xf32, #tpu.memory_space<vmem>>, vector<16xf32>,
        %parallel_loop3A_379 = arith.mulf %parallel_loop3A_378, %parallel_loop3A_326 : vector<16xf32>
        %parallel_loop3A_380 = arith.index_cast %parallel_loop3A_319 : i32 to index
        %parallel_loop3A_381 = arith.constant 112 : index
        %parallel_loop3A_382 = tpu.vector_load %arg19[%parallel_loop3A_380, %parallel_loop3A_381] {strides = array<i32>} : memref<64x128xf32, #tpu.memory_space<vmem>>, vector<16xf32>,
        tpu.vector_store %arg19[%parallel_loop3A_380, %parallel_loop3A_381], %parallel_loop3A_379 {strides = array<i32>} : memref<64x128xf32, #tpu.memory_space<vmem>>, vector<16xf32>,
      } {sc.loop_unroll_factor = 4 : i64, sc.parallel_access}
      %dma_start3A_192 = arith.constant 0 : i32
      %dma_start3A_193 = arith.constant 0 : i32
      %dma_start3A_194 = tpu.memref_slice %arg28[%dma_start3A_192, %dma_start3A_193] : memref<10240x128xf32, #tpu.memory_space<vmem_shared>> -> memref<10240x128xf32, #tpu.memory_space<vmem_shared>>
      tpu.enqueue_indirect_dma source(%arg19 : memref<64x128xf32, #tpu.memory_space<vmem>>) target(%dma_start3A_194 : memref<10240x128xf32, #tpu.memory_space<vmem_shared>>) offsets(%arg12 : memref<64xi32, #tpu.memory_space<vmem>>) semaphore(%arg25 : memref<!tpu.dma_semaphore, #tpu.memory_space<semaphore_mem>>) {add = true}
      %dma_wait3A_195 = arith.constant 0 : i32
      %dma_wait3A_196 = arith.constant 0 : i32
      %dma_wait3A_197 = tpu.memref_slice %arg28[%dma_wait3A_195, %dma_wait3A_196] : memref<10240x128xf32, #tpu.memory_space<vmem_shared>> -> memref<10240x128xf32, #tpu.memory_space<vmem_shared>>
      tpu.wait_indirect_dma semaphore(%arg24 : memref<!tpu.dma_semaphore, #tpu.memory_space<semaphore_mem>>) src(%arg18 : memref<64x128xf32, #tpu.memory_space<vmem>>) dst(%dma_wait3A_197 : memref<10240x128xf32, #tpu.memory_space<vmem_shared>>)
      %add3A_198 = arith.constant 2 : i32
      %add3A_199 = arith.addi %add3A_163, %add3A_198 : i32
      %mul3A_200 = arith.constant 64 : i32
      %mul3A_201 = arith.muli %add3A_199, %mul3A_200 : i32
      %add3A_202 = arith.addi %add3A_64, %mul3A_201 : i32
      %min3A_203 = arith.constant 319872 : i32
      %min3A_204 = arith.minsi %add3A_202, %min3A_203 : i32
      %add3A_205 = arith.constant 64 : i32
      %add3A_206 = arith.addi %min3A_204, %add3A_205 : i32
      %dma_wait3A_207 = tpu.memref_slice %arg5[%min3A_204] : memref<320000xi32, #tpu.memory_space<hbm>> -> memref<128xi32, #tpu.memory_space<hbm>>
      %dma_wait3A_208 = tpu.memref_slice %arg5[%min3A_204] : memref<320000xi32, #tpu.memory_space<hbm>> -> memref<128xi32, #tpu.memory_space<hbm>>
      tpu.wait_dma2 semaphore(%arg27 : memref<!tpu.dma_semaphore, #tpu.memory_space<semaphore_mem>>) src(%dma_wait3A_208 : memref<128xi32, #tpu.memory_space<hbm>>) dst(%arg10 : memref<128xi32, #tpu.memory_space<vmem>>)
      %dma_wait3A_209 = tpu.memref_slice %arg6[%min3A_204] : memref<320000xi32, #tpu.memory_space<hbm>> -> memref<64xi32, #tpu.memory_space<hbm>>
      %dma_wait3A_210 = tpu.memref_slice %arg6[%min3A_204] : memref<320000xi32, #tpu.memory_space<hbm>> -> memref<64xi32, #tpu.memory_space<hbm>>
      tpu.wait_dma2 semaphore(%arg27 : memref<!tpu.dma_semaphore, #tpu.memory_space<semaphore_mem>>) src(%dma_wait3A_210 : memref<64xi32, #tpu.memory_space<hbm>>) dst(%arg13 : memref<64xi32, #tpu.memory_space<vmem>>)
      %dma_wait3A_211 = tpu.memref_slice %arg6[%add3A_206] : memref<320000xi32, #tpu.memory_space<hbm>> -> memref<64xi32, #tpu.memory_space<hbm>>
      %dma_wait3A_212 = tpu.memref_slice %arg6[%add3A_206] : memref<320000xi32, #tpu.memory_space<hbm>> -> memref<64xi32, #tpu.memory_space<hbm>>
      tpu.wait_dma2 semaphore(%arg27 : memref<!tpu.dma_semaphore, #tpu.memory_space<semaphore_mem>>) src(%dma_wait3A_212 : memref<64xi32, #tpu.memory_space<hbm>>) dst(%arg14 : memref<64xi32, #tpu.memory_space<vmem>>)
      %dma_start3A_213 = arith.constant 0 : i32
      %dma_start3A_214 = tpu.memref_slice %arg10[%dma_start3A_213] : memref<128xi32, #tpu.memory_space<vmem>> -> memref<64xi32, #tpu.memory_space<vmem>>
      %dma_start3A_215 = arith.constant 0 : i32
      %dma_start3A_216 = arith.constant 0 : i32
      %dma_start3A_217 = tpu.memref_slice %arg2[%dma_start3A_215, %dma_start3A_216] : memref<10000x128xf32, #tpu.memory_space<hbm>> -> memref<10000x128xf32, #tpu.memory_space<hbm>>
      tpu.enqueue_indirect_dma source(%dma_start3A_217 : memref<10000x128xf32, #tpu.memory_space<hbm>>) target(%arg18 : memref<64x128xf32, #tpu.memory_space<vmem>>) offsets(%dma_start3A_214 : memref<64xi32, #tpu.memory_space<vmem>>) semaphore(%arg22 : memref<!tpu.dma_semaphore, #tpu.memory_space<semaphore_mem>>)
      %dma_wait3A_218 = arith.constant 0 : i32
      %dma_wait3A_219 = arith.constant 0 : i32
      %dma_wait3A_220 = tpu.memref_slice %arg28[%dma_wait3A_218, %dma_wait3A_219] : memref<10240x128xf32, #tpu.memory_space<vmem_shared>> -> memref<10240x128xf32, #tpu.memory_space<vmem_shared>>
      tpu.wait_indirect_dma semaphore(%arg25 : memref<!tpu.dma_semaphore, #tpu.memory_space<semaphore_mem>>) src(%arg19 : memref<64x128xf32, #tpu.memory_space<vmem>>) dst(%dma_wait3A_220 : memref<10240x128xf32, #tpu.memory_space<vmem_shared>>)
      %dma_start3A_221 = arith.constant 64 : i32
      %dma_start3A_222 = tpu.memref_slice %arg10[%dma_start3A_221] : memref<128xi32, #tpu.memory_space<vmem>> -> memref<64xi32, #tpu.memory_space<vmem>>
      %dma_start3A_223 = arith.constant 0 : i32
      %dma_start3A_224 = arith.constant 0 : i32
      %dma_start3A_225 = tpu.memref_slice %arg2[%dma_start3A_223, %dma_start3A_224] : memref<10000x128xf32, #tpu.memory_space<hbm>> -> memref<10000x128xf32, #tpu.memory_space<hbm>>
      tpu.enqueue_indirect_dma source(%dma_start3A_225 : memref<10000x128xf32, #tpu.memory_space<hbm>>) target(%arg19 : memref<64x128xf32, #tpu.memory_space<vmem>>) offsets(%dma_start3A_222 : memref<64xi32, #tpu.memory_space<vmem>>) semaphore(%arg23 : memref<!tpu.dma_semaphore, #tpu.memory_space<semaphore_mem>>)
      %add3A_226 = arith.constant 4 : i32
      %add3A_227 = arith.addi %add3A_163, %add3A_226 : i32
      %mul3A_228 = arith.constant 64 : i32
      %mul3A_229 = arith.muli %add3A_227, %mul3A_228 : i32
      %add3A_230 = arith.addi %add3A_64, %mul3A_229 : i32
      %min3A_231 = arith.constant 319872 : i32
      %min3A_232 = arith.minsi %add3A_230, %min3A_231 : i32
      %add3A_233 = arith.constant 64 : i32
      %add3A_234 = arith.addi %min3A_232, %add3A_233 : i32
      %dma_start3A_235 = tpu.memref_slice %arg5[%min3A_232] : memref<320000xi32, #tpu.memory_space<hbm>> -> memref<128xi32, #tpu.memory_space<hbm>>
      %dma_start3A_236 = tpu.memref_slice %arg5[%min3A_232] : memref<320000xi32, #tpu.memory_space<hbm>> -> memref<128xi32, #tpu.memory_space<hbm>>
      tpu.enqueue_dma source(%dma_start3A_236 : memref<128xi32, #tpu.memory_space<hbm>>) target(%arg9 : memref<128xi32, #tpu.memory_space<vmem>>) target_semaphore(%arg26 : memref<!tpu.dma_semaphore, #tpu.memory_space<semaphore_mem>>)
      %dma_start3A_237 = tpu.memref_slice %arg6[%min3A_232] : memref<320000xi32, #tpu.memory_space<hbm>> -> memref<64xi32, #tpu.memory_space<hbm>>
      %dma_start3A_238 = tpu.memref_slice %arg6[%min3A_232] : memref<320000xi32, #tpu.memory_space<hbm>> -> memref<64xi32, #tpu.memory_space<hbm>>
      tpu.enqueue_dma source(%dma_start3A_238 : memref<64xi32, #tpu.memory_space<hbm>>) target(%arg11 : memref<64xi32, #tpu.memory_space<vmem>>) target_semaphore(%arg26 : memref<!tpu.dma_semaphore, #tpu.memory_space<semaphore_mem>>)
      %dma_start3A_239 = tpu.memref_slice %arg6[%add3A_234] : memref<320000xi32, #tpu.memory_space<hbm>> -> memref<64xi32, #tpu.memory_space<hbm>>
      %dma_start3A_240 = tpu.memref_slice %arg6[%add3A_234] : memref<320000xi32, #tpu.memory_space<hbm>> -> memref<64xi32, #tpu.memory_space<hbm>>
      tpu.enqueue_dma source(%dma_start3A_240 : memref<64xi32, #tpu.memory_space<hbm>>) target(%arg12 : memref<64xi32, #tpu.memory_space<vmem>>) target_semaphore(%arg26 : memref<!tpu.dma_semaphore, #tpu.memory_space<semaphore_mem>>)
      %dma_wait3A_241 = arith.constant 0 : i32
      %dma_wait3A_242 = tpu.memref_slice %arg10[%dma_wait3A_241] : memref<128xi32, #tpu.memory_space<vmem>> -> memref<64xi32, #tpu.memory_space<vmem>>
      %dma_wait3A_243 = arith.constant 0 : i32
      %dma_wait3A_244 = arith.constant 0 : i32
      %dma_wait3A_245 = tpu.memref_slice %arg2[%dma_wait3A_243, %dma_wait3A_244] : memref<10000x128xf32, #tpu.memory_space<hbm>> -> memref<10000x128xf32, #tpu.memory_space<hbm>>
      tpu.wait_indirect_dma semaphore(%arg22 : memref<!tpu.dma_semaphore, #tpu.memory_space<semaphore_mem>>) src(%dma_wait3A_245 : memref<10000x128xf32, #tpu.memory_space<hbm>>) dst(%arg18 : memref<64x128xf32, #tpu.memory_space<vmem>>)
      %scan3A_246 = arith.constant 0 : i32
      %scan3A_247 = arith.constant 4 : i32
      %scan3A_248 = arith.addi %scan3A_246, %scan3A_247 : i32
      %scan3A_249 = arith.constant 1 : i32
      scf.for %scan3A_319 = %scan3A_246 to %scan3A_248 step %scan3A_249  : i32 {
        %mul3A_320 = arith.constant 16 : i32
        %mul3A_321 = arith.muli %scan3A_319, %mul3A_320 : i32
        %add3A_322 = arith.constant 0 : i32
        %add3A_323 = arith.addi %add3A_322, %mul3A_321 : i32
        %add3A_324 = arith.constant 0 : i32
        %add3A_325 = arith.addi %add3A_324, %add3A_323 : i32
        %get3A = arith.index_cast %add3A_325 : i32 to index
        %get3A_326 = tpu.vector_load %arg10[%get3A] {strides = array<i32>} : memref<128xi32, #tpu.memory_space<vmem>>, vector<16xi32>,
        %get3A_327 = arith.index_cast %add3A_323 : i32 to index
        %get3A_328 = tpu.vector_load %arg13[%get3A_327] {strides = array<i32>} : memref<64xi32, #tpu.memory_space<vmem>>, vector<16xi32>,
        %gather3A = tpu.vector_load_idx %arg15[%get3A_326] : memref<10000xf32, #tpu.memory_space<vmem>>[vector<16xi32>], vector<16xf32>,
        %gather3A_329 = tpu.vector_load_idx %arg16[%get3A_328] : memref<10000xf32, #tpu.memory_space<vmem>>[vector<16xi32>], vector<16xf32>,
        %add3A_330 = arith.addf %gather3A, %gather3A_329 : vector<16xf32>
        %gt3A = arith.constant 0.000000e+00 : f32
        %gt3A_331 = vector.broadcast %gt3A : f32 to vector<16xf32>
        %gt3A_332 = arith.cmpf ogt, %add3A_330, %gt3A_331 : vector<16xf32>
        %mul3A_333 = arith.constant 2.000000e-01 : f32
        %mul3A_334 = vector.broadcast %mul3A_333 : f32 to vector<16xf32>
        %mul3A_335 = arith.mulf %add3A_330, %mul3A_334 : vector<16xf32>
        %select_n3A_336 = arith.select %gt3A_332, %add3A_330, %mul3A_335 : vector<16xi1>, vector<16xf32>
        %sub3A_337 = arith.subf %select_n3A_336, %add3A_48 : vector<16xf32>
        %exp3A = math.exp %sub3A_337 : vector<16xf32>
        %add3A_338 = arith.constant 0 : i32
        %add3A_339 = arith.addi %add3A_338, %add3A_323 : i32
        %swap3A = arith.index_cast %add3A_339 : i32 to index
        %swap3A_340 = tpu.vector_load %arg17[%swap3A] {strides = array<i32>} : memref<128xf32, #tpu.memory_space<vmem>>, vector<16xf32>,
        tpu.vector_store %arg17[%swap3A], %exp3A {strides = array<i32>} : memref<128xf32, #tpu.memory_space<vmem>>, vector<16xf32>,
        %shift_right_logical3A = arith.constant 7 : i32
        %shift_right_logical3A_341 = vector.broadcast %shift_right_logical3A : i32 to vector<16xi32>
        %shift_right_logical3A_342 = arith.shrui %get3A_328, %shift_right_logical3A_341 : vector<16xi32>
        %and3A = arith.constant 127 : i32
        %and3A_343 = vector.broadcast %and3A : i32 to vector<16xi32>
        %and3A_344 = arith.andi %get3A_328, %and3A_343 : vector<16xi32>
        tpu.vector_store_idx %arg20[%shift_right_logical3A_342, %and3A_344], %exp3A {add = true} : memref<80x128xf32, #tpu.memory_space<vmem>>[vector<16xi32>, vector<16xi32>], vector<16xf32>,
      }
      %scan3A_250 = arith.constant 4 : i32
      %parallel_loop3A_251 = arith.constant 0 : i32
      %parallel_loop3A_252 = arith.constant 64 : i32
      %parallel_loop3A_253 = arith.constant 1 : i32
      scf.for %parallel_loop3A_319 = %parallel_loop3A_251 to %parallel_loop3A_252 step %parallel_loop3A_253  : i32 {
        %parallel_loop3A_320 = arith.constant 0 : i32
        %parallel_loop3A_321 = vector.broadcast %parallel_loop3A_320 : i32 to vector<16xi32>
        %parallel_loop3A_322 = arith.constant 0 : i32
        %parallel_loop3A_323 = arith.addi %parallel_loop3A_322, %parallel_loop3A_319 : i32
        %parallel_loop3A_324 = vector.broadcast %parallel_loop3A_323 : i32 to vector<16xi32>
        %parallel_loop3A_325 = arith.addi %parallel_loop3A_321, %parallel_loop3A_324 : vector<16xi32>
        %parallel_loop3A_326 = tpu.vector_load_idx %arg17[%parallel_loop3A_325] : memref<128xf32, #tpu.memory_space<vmem>>[vector<16xi32>], vector<16xf32>,
        %parallel_loop3A_327 = arith.index_cast %parallel_loop3A_319 : i32 to index
        %parallel_loop3A_328 = arith.constant 0 : index
        %parallel_loop3A_329 = tpu.vector_load %arg18[%parallel_loop3A_327, %parallel_loop3A_328] {strides = array<i32>} : memref<64x128xf32, #tpu.memory_space<vmem>>, vector<16xf32>,
        %parallel_loop3A_330 = arith.mulf %parallel_loop3A_329, %parallel_loop3A_326 : vector<16xf32>
        %parallel_loop3A_331 = arith.index_cast %parallel_loop3A_319 : i32 to index
        %parallel_loop3A_332 = arith.constant 0 : index
        %parallel_loop3A_333 = tpu.vector_load %arg18[%parallel_loop3A_331, %parallel_loop3A_332] {strides = array<i32>} : memref<64x128xf32, #tpu.memory_space<vmem>>, vector<16xf32>,
        tpu.vector_store %arg18[%parallel_loop3A_331, %parallel_loop3A_332], %parallel_loop3A_330 {strides = array<i32>} : memref<64x128xf32, #tpu.memory_space<vmem>>, vector<16xf32>,
        %parallel_loop3A_334 = arith.index_cast %parallel_loop3A_319 : i32 to index
        %parallel_loop3A_335 = arith.constant 16 : index
        %parallel_loop3A_336 = tpu.vector_load %arg18[%parallel_loop3A_334, %parallel_loop3A_335] {strides = array<i32>} : memref<64x128xf32, #tpu.memory_space<vmem>>, vector<16xf32>,
        %parallel_loop3A_337 = arith.mulf %parallel_loop3A_336, %parallel_loop3A_326 : vector<16xf32>
        %parallel_loop3A_338 = arith.index_cast %parallel_loop3A_319 : i32 to index
        %parallel_loop3A_339 = arith.constant 16 : index
        %parallel_loop3A_340 = tpu.vector_load %arg18[%parallel_loop3A_338, %parallel_loop3A_339] {strides = array<i32>} : memref<64x128xf32, #tpu.memory_space<vmem>>, vector<16xf32>,
        tpu.vector_store %arg18[%parallel_loop3A_338, %parallel_loop3A_339], %parallel_loop3A_337 {strides = array<i32>} : memref<64x128xf32, #tpu.memory_space<vmem>>, vector<16xf32>,
        %parallel_loop3A_341 = arith.index_cast %parallel_loop3A_319 : i32 to index
        %parallel_loop3A_342 = arith.constant 32 : index
        %parallel_loop3A_343 = tpu.vector_load %arg18[%parallel_loop3A_341, %parallel_loop3A_342] {strides = array<i32>} : memref<64x128xf32, #tpu.memory_space<vmem>>, vector<16xf32>,
        %parallel_loop3A_344 = arith.mulf %parallel_loop3A_343, %parallel_loop3A_326 : vector<16xf32>
        %parallel_loop3A_345 = arith.index_cast %parallel_loop3A_319 : i32 to index
        %parallel_loop3A_346 = arith.constant 32 : index
        %parallel_loop3A_347 = tpu.vector_load %arg18[%parallel_loop3A_345, %parallel_loop3A_346] {strides = array<i32>} : memref<64x128xf32, #tpu.memory_space<vmem>>, vector<16xf32>,
        tpu.vector_store %arg18[%parallel_loop3A_345, %parallel_loop3A_346], %parallel_loop3A_344 {strides = array<i32>} : memref<64x128xf32, #tpu.memory_space<vmem>>, vector<16xf32>,
        %parallel_loop3A_348 = arith.index_cast %parallel_loop3A_319 : i32 to index
        %parallel_loop3A_349 = arith.constant 48 : index
        %parallel_loop3A_350 = tpu.vector_load %arg18[%parallel_loop3A_348, %parallel_loop3A_349] {strides = array<i32>} : memref<64x128xf32, #tpu.memory_space<vmem>>, vector<16xf32>,
        %parallel_loop3A_351 = arith.mulf %parallel_loop3A_350, %parallel_loop3A_326 : vector<16xf32>
        %parallel_loop3A_352 = arith.index_cast %parallel_loop3A_319 : i32 to index
        %parallel_loop3A_353 = arith.constant 48 : index
        %parallel_loop3A_354 = tpu.vector_load %arg18[%parallel_loop3A_352, %parallel_loop3A_353] {strides = array<i32>} : memref<64x128xf32, #tpu.memory_space<vmem>>, vector<16xf32>,
        tpu.vector_store %arg18[%parallel_loop3A_352, %parallel_loop3A_353], %parallel_loop3A_351 {strides = array<i32>} : memref<64x128xf32, #tpu.memory_space<vmem>>, vector<16xf32>,
        %parallel_loop3A_355 = arith.index_cast %parallel_loop3A_319 : i32 to index
        %parallel_loop3A_356 = arith.constant 64 : index
        %parallel_loop3A_357 = tpu.vector_load %arg18[%parallel_loop3A_355, %parallel_loop3A_356] {strides = array<i32>} : memref<64x128xf32, #tpu.memory_space<vmem>>, vector<16xf32>,
        %parallel_loop3A_358 = arith.mulf %parallel_loop3A_357, %parallel_loop3A_326 : vector<16xf32>
        %parallel_loop3A_359 = arith.index_cast %parallel_loop3A_319 : i32 to index
        %parallel_loop3A_360 = arith.constant 64 : index
        %parallel_loop3A_361 = tpu.vector_load %arg18[%parallel_loop3A_359, %parallel_loop3A_360] {strides = array<i32>} : memref<64x128xf32, #tpu.memory_space<vmem>>, vector<16xf32>,
        tpu.vector_store %arg18[%parallel_loop3A_359, %parallel_loop3A_360], %parallel_loop3A_358 {strides = array<i32>} : memref<64x128xf32, #tpu.memory_space<vmem>>, vector<16xf32>,
        %parallel_loop3A_362 = arith.index_cast %parallel_loop3A_319 : i32 to index
        %parallel_loop3A_363 = arith.constant 80 : index
        %parallel_loop3A_364 = tpu.vector_load %arg18[%parallel_loop3A_362, %parallel_loop3A_363] {strides = array<i32>} : memref<64x128xf32, #tpu.memory_space<vmem>>, vector<16xf32>,
        %parallel_loop3A_365 = arith.mulf %parallel_loop3A_364, %parallel_loop3A_326 : vector<16xf32>
        %parallel_loop3A_366 = arith.index_cast %parallel_loop3A_319 : i32 to index
        %parallel_loop3A_367 = arith.constant 80 : index
        %parallel_loop3A_368 = tpu.vector_load %arg18[%parallel_loop3A_366, %parallel_loop3A_367] {strides = array<i32>} : memref<64x128xf32, #tpu.memory_space<vmem>>, vector<16xf32>,
        tpu.vector_store %arg18[%parallel_loop3A_366, %parallel_loop3A_367], %parallel_loop3A_365 {strides = array<i32>} : memref<64x128xf32, #tpu.memory_space<vmem>>, vector<16xf32>,
        %parallel_loop3A_369 = arith.index_cast %parallel_loop3A_319 : i32 to index
        %parallel_loop3A_370 = arith.constant 96 : index
        %parallel_loop3A_371 = tpu.vector_load %arg18[%parallel_loop3A_369, %parallel_loop3A_370] {strides = array<i32>} : memref<64x128xf32, #tpu.memory_space<vmem>>, vector<16xf32>,
        %parallel_loop3A_372 = arith.mulf %parallel_loop3A_371, %parallel_loop3A_326 : vector<16xf32>
        %parallel_loop3A_373 = arith.index_cast %parallel_loop3A_319 : i32 to index
        %parallel_loop3A_374 = arith.constant 96 : index
        %parallel_loop3A_375 = tpu.vector_load %arg18[%parallel_loop3A_373, %parallel_loop3A_374] {strides = array<i32>} : memref<64x128xf32, #tpu.memory_space<vmem>>, vector<16xf32>,
        tpu.vector_store %arg18[%parallel_loop3A_373, %parallel_loop3A_374], %parallel_loop3A_372 {strides = array<i32>} : memref<64x128xf32, #tpu.memory_space<vmem>>, vector<16xf32>,
        %parallel_loop3A_376 = arith.index_cast %parallel_loop3A_319 : i32 to index
        %parallel_loop3A_377 = arith.constant 112 : index
        %parallel_loop3A_378 = tpu.vector_load %arg18[%parallel_loop3A_376, %parallel_loop3A_377] {strides = array<i32>} : memref<64x128xf32, #tpu.memory_space<vmem>>, vector<16xf32>,
        %parallel_loop3A_379 = arith.mulf %parallel_loop3A_378, %parallel_loop3A_326 : vector<16xf32>
        %parallel_loop3A_380 = arith.index_cast %parallel_loop3A_319 : i32 to index
        %parallel_loop3A_381 = arith.constant 112 : index
        %parallel_loop3A_382 = tpu.vector_load %arg18[%parallel_loop3A_380, %parallel_loop3A_381] {strides = array<i32>} : memref<64x128xf32, #tpu.memory_space<vmem>>, vector<16xf32>,
        tpu.vector_store %arg18[%parallel_loop3A_380, %parallel_loop3A_381], %parallel_loop3A_379 {strides = array<i32>} : memref<64x128xf32, #tpu.memory_space<vmem>>, vector<16xf32>,
      } {sc.loop_unroll_factor = 4 : i64, sc.parallel_access}
      %dma_start3A_254 = arith.constant 0 : i32
      %dma_start3A_255 = arith.constant 0 : i32
      %dma_start3A_256 = tpu.memref_slice %arg28[%dma_start3A_254, %dma_start3A_255] : memref<10240x128xf32, #tpu.memory_space<vmem_shared>> -> memref<10240x128xf32, #tpu.memory_space<vmem_shared>>
      tpu.enqueue_indirect_dma source(%arg18 : memref<64x128xf32, #tpu.memory_space<vmem>>) target(%dma_start3A_256 : memref<10240x128xf32, #tpu.memory_space<vmem_shared>>) offsets(%arg13 : memref<64xi32, #tpu.memory_space<vmem>>) semaphore(%arg24 : memref<!tpu.dma_semaphore, #tpu.memory_space<semaphore_mem>>) {add = true}
      %dma_wait3A_257 = arith.constant 64 : i32
      %dma_wait3A_258 = tpu.memref_slice %arg10[%dma_wait3A_257] : memref<128xi32, #tpu.memory_space<vmem>> -> memref<64xi32, #tpu.memory_space<vmem>>
      %dma_wait3A_259 = arith.constant 0 : i32
      %dma_wait3A_260 = arith.constant 0 : i32
      %dma_wait3A_261 = tpu.memref_slice %arg2[%dma_wait3A_259, %dma_wait3A_260] : memref<10000x128xf32, #tpu.memory_space<hbm>> -> memref<10000x128xf32, #tpu.memory_space<hbm>>
      tpu.wait_indirect_dma semaphore(%arg23 : memref<!tpu.dma_semaphore, #tpu.memory_space<semaphore_mem>>) src(%dma_wait3A_261 : memref<10000x128xf32, #tpu.memory_space<hbm>>) dst(%arg19 : memref<64x128xf32, #tpu.memory_space<vmem>>)
      %scan3A_262 = arith.constant 0 : i32
      %scan3A_263 = arith.constant 4 : i32
      %scan3A_264 = arith.addi %scan3A_262, %scan3A_263 : i32
      %scan3A_265 = arith.constant 1 : i32
      scf.for %scan3A_319 = %scan3A_262 to %scan3A_264 step %scan3A_265  : i32 {
        %mul3A_320 = arith.constant 16 : i32
        %mul3A_321 = arith.muli %scan3A_319, %mul3A_320 : i32
        %add3A_322 = arith.constant 0 : i32
        %add3A_323 = arith.addi %add3A_322, %mul3A_321 : i32
        %add3A_324 = arith.constant 64 : i32
        %add3A_325 = arith.addi %add3A_324, %add3A_323 : i32
        %get3A = arith.index_cast %add3A_325 : i32 to index
        %get3A_326 = tpu.vector_load %arg10[%get3A] {strides = array<i32>} : memref<128xi32, #tpu.memory_space<vmem>>, vector<16xi32>,
        %get3A_327 = arith.index_cast %add3A_323 : i32 to index
        %get3A_328 = tpu.vector_load %arg14[%get3A_327] {strides = array<i32>} : memref<64xi32, #tpu.memory_space<vmem>>, vector<16xi32>,
        %gather3A = tpu.vector_load_idx %arg15[%get3A_326] : memref<10000xf32, #tpu.memory_space<vmem>>[vector<16xi32>], vector<16xf32>,
        %gather3A_329 = tpu.vector_load_idx %arg16[%get3A_328] : memref<10000xf32, #tpu.memory_space<vmem>>[vector<16xi32>], vector<16xf32>,
        %add3A_330 = arith.addf %gather3A, %gather3A_329 : vector<16xf32>
        %gt3A = arith.constant 0.000000e+00 : f32
        %gt3A_331 = vector.broadcast %gt3A : f32 to vector<16xf32>
        %gt3A_332 = arith.cmpf ogt, %add3A_330, %gt3A_331 : vector<16xf32>
        %mul3A_333 = arith.constant 2.000000e-01 : f32
        %mul3A_334 = vector.broadcast %mul3A_333 : f32 to vector<16xf32>
        %mul3A_335 = arith.mulf %add3A_330, %mul3A_334 : vector<16xf32>
        %select_n3A_336 = arith.select %gt3A_332, %add3A_330, %mul3A_335 : vector<16xi1>, vector<16xf32>
        %sub3A_337 = arith.subf %select_n3A_336, %add3A_48 : vector<16xf32>
        %exp3A = math.exp %sub3A_337 : vector<16xf32>
        %add3A_338 = arith.constant 64 : i32
        %add3A_339 = arith.addi %add3A_338, %add3A_323 : i32
        %swap3A = arith.index_cast %add3A_339 : i32 to index
        %swap3A_340 = tpu.vector_load %arg17[%swap3A] {strides = array<i32>} : memref<128xf32, #tpu.memory_space<vmem>>, vector<16xf32>,
        tpu.vector_store %arg17[%swap3A], %exp3A {strides = array<i32>} : memref<128xf32, #tpu.memory_space<vmem>>, vector<16xf32>,
        %shift_right_logical3A = arith.constant 7 : i32
        %shift_right_logical3A_341 = vector.broadcast %shift_right_logical3A : i32 to vector<16xi32>
        %shift_right_logical3A_342 = arith.shrui %get3A_328, %shift_right_logical3A_341 : vector<16xi32>
        %and3A = arith.constant 127 : i32
        %and3A_343 = vector.broadcast %and3A : i32 to vector<16xi32>
        %and3A_344 = arith.andi %get3A_328, %and3A_343 : vector<16xi32>
        tpu.vector_store_idx %arg20[%shift_right_logical3A_342, %and3A_344], %exp3A {add = true} : memref<80x128xf32, #tpu.memory_space<vmem>>[vector<16xi32>, vector<16xi32>], vector<16xf32>,
      }
      %scan3A_266 = arith.constant 4 : i32
      %parallel_loop3A_267 = arith.constant 0 : i32
      %parallel_loop3A_268 = arith.constant 64 : i32
      %parallel_loop3A_269 = arith.constant 1 : i32
      scf.for %parallel_loop3A_319 = %parallel_loop3A_267 to %parallel_loop3A_268 step %parallel_loop3A_269  : i32 {
        %parallel_loop3A_320 = arith.constant 0 : i32
        %parallel_loop3A_321 = vector.broadcast %parallel_loop3A_320 : i32 to vector<16xi32>
        %parallel_loop3A_322 = arith.constant 64 : i32
        %parallel_loop3A_323 = arith.addi %parallel_loop3A_322, %parallel_loop3A_319 : i32
        %parallel_loop3A_324 = vector.broadcast %parallel_loop3A_323 : i32 to vector<16xi32>
        %parallel_loop3A_325 = arith.addi %parallel_loop3A_321, %parallel_loop3A_324 : vector<16xi32>
        %parallel_loop3A_326 = tpu.vector_load_idx %arg17[%parallel_loop3A_325] : memref<128xf32, #tpu.memory_space<vmem>>[vector<16xi32>], vector<16xf32>,
        %parallel_loop3A_327 = arith.index_cast %parallel_loop3A_319 : i32 to index
        %parallel_loop3A_328 = arith.constant 0 : index
        %parallel_loop3A_329 = tpu.vector_load %arg19[%parallel_loop3A_327, %parallel_loop3A_328] {strides = array<i32>} : memref<64x128xf32, #tpu.memory_space<vmem>>, vector<16xf32>,
        %parallel_loop3A_330 = arith.mulf %parallel_loop3A_329, %parallel_loop3A_326 : vector<16xf32>
        %parallel_loop3A_331 = arith.index_cast %parallel_loop3A_319 : i32 to index
        %parallel_loop3A_332 = arith.constant 0 : index
        %parallel_loop3A_333 = tpu.vector_load %arg19[%parallel_loop3A_331, %parallel_loop3A_332] {strides = array<i32>} : memref<64x128xf32, #tpu.memory_space<vmem>>, vector<16xf32>,
        tpu.vector_store %arg19[%parallel_loop3A_331, %parallel_loop3A_332], %parallel_loop3A_330 {strides = array<i32>} : memref<64x128xf32, #tpu.memory_space<vmem>>, vector<16xf32>,
        %parallel_loop3A_334 = arith.index_cast %parallel_loop3A_319 : i32 to index
        %parallel_loop3A_335 = arith.constant 16 : index
        %parallel_loop3A_336 = tpu.vector_load %arg19[%parallel_loop3A_334, %parallel_loop3A_335] {strides = array<i32>} : memref<64x128xf32, #tpu.memory_space<vmem>>, vector<16xf32>,
        %parallel_loop3A_337 = arith.mulf %parallel_loop3A_336, %parallel_loop3A_326 : vector<16xf32>
        %parallel_loop3A_338 = arith.index_cast %parallel_loop3A_319 : i32 to index
        %parallel_loop3A_339 = arith.constant 16 : index
        %parallel_loop3A_340 = tpu.vector_load %arg19[%parallel_loop3A_338, %parallel_loop3A_339] {strides = array<i32>} : memref<64x128xf32, #tpu.memory_space<vmem>>, vector<16xf32>,
        tpu.vector_store %arg19[%parallel_loop3A_338, %parallel_loop3A_339], %parallel_loop3A_337 {strides = array<i32>} : memref<64x128xf32, #tpu.memory_space<vmem>>, vector<16xf32>,
        %parallel_loop3A_341 = arith.index_cast %parallel_loop3A_319 : i32 to index
        %parallel_loop3A_342 = arith.constant 32 : index
        %parallel_loop3A_343 = tpu.vector_load %arg19[%parallel_loop3A_341, %parallel_loop3A_342] {strides = array<i32>} : memref<64x128xf32, #tpu.memory_space<vmem>>, vector<16xf32>,
        %parallel_loop3A_344 = arith.mulf %parallel_loop3A_343, %parallel_loop3A_326 : vector<16xf32>
        %parallel_loop3A_345 = arith.index_cast %parallel_loop3A_319 : i32 to index
        %parallel_loop3A_346 = arith.constant 32 : index
        %parallel_loop3A_347 = tpu.vector_load %arg19[%parallel_loop3A_345, %parallel_loop3A_346] {strides = array<i32>} : memref<64x128xf32, #tpu.memory_space<vmem>>, vector<16xf32>,
        tpu.vector_store %arg19[%parallel_loop3A_345, %parallel_loop3A_346], %parallel_loop3A_344 {strides = array<i32>} : memref<64x128xf32, #tpu.memory_space<vmem>>, vector<16xf32>,
        %parallel_loop3A_348 = arith.index_cast %parallel_loop3A_319 : i32 to index
        %parallel_loop3A_349 = arith.constant 48 : index
        %parallel_loop3A_350 = tpu.vector_load %arg19[%parallel_loop3A_348, %parallel_loop3A_349] {strides = array<i32>} : memref<64x128xf32, #tpu.memory_space<vmem>>, vector<16xf32>,
        %parallel_loop3A_351 = arith.mulf %parallel_loop3A_350, %parallel_loop3A_326 : vector<16xf32>
        %parallel_loop3A_352 = arith.index_cast %parallel_loop3A_319 : i32 to index
        %parallel_loop3A_353 = arith.constant 48 : index
        %parallel_loop3A_354 = tpu.vector_load %arg19[%parallel_loop3A_352, %parallel_loop3A_353] {strides = array<i32>} : memref<64x128xf32, #tpu.memory_space<vmem>>, vector<16xf32>,
        tpu.vector_store %arg19[%parallel_loop3A_352, %parallel_loop3A_353], %parallel_loop3A_351 {strides = array<i32>} : memref<64x128xf32, #tpu.memory_space<vmem>>, vector<16xf32>,
        %parallel_loop3A_355 = arith.index_cast %parallel_loop3A_319 : i32 to index
        %parallel_loop3A_356 = arith.constant 64 : index
        %parallel_loop3A_357 = tpu.vector_load %arg19[%parallel_loop3A_355, %parallel_loop3A_356] {strides = array<i32>} : memref<64x128xf32, #tpu.memory_space<vmem>>, vector<16xf32>,
        %parallel_loop3A_358 = arith.mulf %parallel_loop3A_357, %parallel_loop3A_326 : vector<16xf32>
        %parallel_loop3A_359 = arith.index_cast %parallel_loop3A_319 : i32 to index
        %parallel_loop3A_360 = arith.constant 64 : index
        %parallel_loop3A_361 = tpu.vector_load %arg19[%parallel_loop3A_359, %parallel_loop3A_360] {strides = array<i32>} : memref<64x128xf32, #tpu.memory_space<vmem>>, vector<16xf32>,
        tpu.vector_store %arg19[%parallel_loop3A_359, %parallel_loop3A_360], %parallel_loop3A_358 {strides = array<i32>} : memref<64x128xf32, #tpu.memory_space<vmem>>, vector<16xf32>,
        %parallel_loop3A_362 = arith.index_cast %parallel_loop3A_319 : i32 to index
        %parallel_loop3A_363 = arith.constant 80 : index
        %parallel_loop3A_364 = tpu.vector_load %arg19[%parallel_loop3A_362, %parallel_loop3A_363] {strides = array<i32>} : memref<64x128xf32, #tpu.memory_space<vmem>>, vector<16xf32>,
        %parallel_loop3A_365 = arith.mulf %parallel_loop3A_364, %parallel_loop3A_326 : vector<16xf32>
        %parallel_loop3A_366 = arith.index_cast %parallel_loop3A_319 : i32 to index
        %parallel_loop3A_367 = arith.constant 80 : index
        %parallel_loop3A_368 = tpu.vector_load %arg19[%parallel_loop3A_366, %parallel_loop3A_367] {strides = array<i32>} : memref<64x128xf32, #tpu.memory_space<vmem>>, vector<16xf32>,
        tpu.vector_store %arg19[%parallel_loop3A_366, %parallel_loop3A_367], %parallel_loop3A_365 {strides = array<i32>} : memref<64x128xf32, #tpu.memory_space<vmem>>, vector<16xf32>,
        %parallel_loop3A_369 = arith.index_cast %parallel_loop3A_319 : i32 to index
        %parallel_loop3A_370 = arith.constant 96 : index
        %parallel_loop3A_371 = tpu.vector_load %arg19[%parallel_loop3A_369, %parallel_loop3A_370] {strides = array<i32>} : memref<64x128xf32, #tpu.memory_space<vmem>>, vector<16xf32>,
        %parallel_loop3A_372 = arith.mulf %parallel_loop3A_371, %parallel_loop3A_326 : vector<16xf32>
        %parallel_loop3A_373 = arith.index_cast %parallel_loop3A_319 : i32 to index
        %parallel_loop3A_374 = arith.constant 96 : index
        %parallel_loop3A_375 = tpu.vector_load %arg19[%parallel_loop3A_373, %parallel_loop3A_374] {strides = array<i32>} : memref<64x128xf32, #tpu.memory_space<vmem>>, vector<16xf32>,
        tpu.vector_store %arg19[%parallel_loop3A_373, %parallel_loop3A_374], %parallel_loop3A_372 {strides = array<i32>} : memref<64x128xf32, #tpu.memory_space<vmem>>, vector<16xf32>,
        %parallel_loop3A_376 = arith.index_cast %parallel_loop3A_319 : i32 to index
        %parallel_loop3A_377 = arith.constant 112 : index
        %parallel_loop3A_378 = tpu.vector_load %arg19[%parallel_loop3A_376, %parallel_loop3A_377] {strides = array<i32>} : memref<64x128xf32, #tpu.memory_space<vmem>>, vector<16xf32>,
        %parallel_loop3A_379 = arith.mulf %parallel_loop3A_378, %parallel_loop3A_326 : vector<16xf32>
        %parallel_loop3A_380 = arith.index_cast %parallel_loop3A_319 : i32 to index
        %parallel_loop3A_381 = arith.constant 112 : index
        %parallel_loop3A_382 = tpu.vector_load %arg19[%parallel_loop3A_380, %parallel_loop3A_381] {strides = array<i32>} : memref<64x128xf32, #tpu.memory_space<vmem>>, vector<16xf32>,
        tpu.vector_store %arg19[%parallel_loop3A_380, %parallel_loop3A_381], %parallel_loop3A_379 {strides = array<i32>} : memref<64x128xf32, #tpu.memory_space<vmem>>, vector<16xf32>,
      } {sc.loop_unroll_factor = 4 : i64, sc.parallel_access}
      %dma_start3A_270 = arith.constant 0 : i32
      %dma_start3A_271 = arith.constant 0 : i32
      %dma_start3A_272 = tpu.memref_slice %arg28[%dma_start3A_270, %dma_start3A_271] : memref<10240x128xf32, #tpu.memory_space<vmem_shared>> -> memref<10240x128xf32, #tpu.memory_space<vmem_shared>>
      tpu.enqueue_indirect_dma source(%arg19 : memref<64x128xf32, #tpu.memory_space<vmem>>) target(%dma_start3A_272 : memref<10240x128xf32, #tpu.memory_space<vmem_shared>>) offsets(%arg14 : memref<64xi32, #tpu.memory_space<vmem>>) semaphore(%arg25 : memref<!tpu.dma_semaphore, #tpu.memory_space<semaphore_mem>>) {add = true}
      %dma_wait3A_273 = arith.constant 0 : i32
      %dma_wait3A_274 = arith.constant 0 : i32
      %dma_wait3A_275 = tpu.memref_slice %arg28[%dma_wait3A_273, %dma_wait3A_274] : memref<10240x128xf32, #tpu.memory_space<vmem_shared>> -> memref<10240x128xf32, #tpu.memory_space<vmem_shared>>
      tpu.wait_indirect_dma semaphore(%arg24 : memref<!tpu.dma_semaphore, #tpu.memory_space<semaphore_mem>>) src(%arg18 : memref<64x128xf32, #tpu.memory_space<vmem>>) dst(%dma_wait3A_275 : memref<10240x128xf32, #tpu.memory_space<vmem_shared>>)
      %add3A_276 = arith.constant 4 : i32
      %add3A_277 = arith.addi %add3A_163, %add3A_276 : i32
      %mul3A_278 = arith.constant 64 : i32
      %mul3A_279 = arith.muli %add3A_277, %mul3A_278 : i32
      %add3A_280 = arith.addi %add3A_64, %mul3A_279 : i32
      %min3A_281 = arith.constant 319872 : i32
      %min3A_282 = arith.minsi %add3A_280, %min3A_281 : i32
      %add3A_283 = arith.constant 64 : i32
      %add3A_284 = arith.addi %min3A_282, %add3A_283 : i32
      %dma_wait3A_285 = tpu.memref_slice %arg5[%min3A_282] : memref<320000xi32, #tpu.memory_space<hbm>> -> memref<128xi32, #tpu.memory_space<hbm>>
      %dma_wait3A_286 = tpu.memref_slice %arg5[%min3A_282] : memref<320000xi32, #tpu.memory_space<hbm>> -> memref<128xi32, #tpu.memory_space<hbm>>
      tpu.wait_dma2 semaphore(%arg26 : memref<!tpu.dma_semaphore, #tpu.memory_space<semaphore_mem>>) src(%dma_wait3A_286 : memref<128xi32, #tpu.memory_space<hbm>>) dst(%arg9 : memref<128xi32, #tpu.memory_space<vmem>>)
      %dma_wait3A_287 = tpu.memref_slice %arg6[%min3A_282] : memref<320000xi32, #tpu.memory_space<hbm>> -> memref<64xi32, #tpu.memory_space<hbm>>
      %dma_wait3A_288 = tpu.memref_slice %arg6[%min3A_282] : memref<320000xi32, #tpu.memory_space<hbm>> -> memref<64xi32, #tpu.memory_space<hbm>>
      tpu.wait_dma2 semaphore(%arg26 : memref<!tpu.dma_semaphore, #tpu.memory_space<semaphore_mem>>) src(%dma_wait3A_288 : memref<64xi32, #tpu.memory_space<hbm>>) dst(%arg11 : memref<64xi32, #tpu.memory_space<vmem>>)
      %dma_wait3A_289 = tpu.memref_slice %arg6[%add3A_284] : memref<320000xi32, #tpu.memory_space<hbm>> -> memref<64xi32, #tpu.memory_space<hbm>>
      %dma_wait3A_290 = tpu.memref_slice %arg6[%add3A_284] : memref<320000xi32, #tpu.memory_space<hbm>> -> memref<64xi32, #tpu.memory_space<hbm>>
      tpu.wait_dma2 semaphore(%arg26 : memref<!tpu.dma_semaphore, #tpu.memory_space<semaphore_mem>>) src(%dma_wait3A_290 : memref<64xi32, #tpu.memory_space<hbm>>) dst(%arg12 : memref<64xi32, #tpu.memory_space<vmem>>)
      %dma_start3A_291 = arith.constant 0 : i32
      %dma_start3A_292 = tpu.memref_slice %arg9[%dma_start3A_291] : memref<128xi32, #tpu.memory_space<vmem>> -> memref<64xi32, #tpu.memory_space<vmem>>
      %dma_start3A_293 = arith.constant 0 : i32
      %dma_start3A_294 = arith.constant 0 : i32
      %dma_start3A_295 = tpu.memref_slice %arg2[%dma_start3A_293, %dma_start3A_294] : memref<10000x128xf32, #tpu.memory_space<hbm>> -> memref<10000x128xf32, #tpu.memory_space<hbm>>
      tpu.enqueue_indirect_dma source(%dma_start3A_295 : memref<10000x128xf32, #tpu.memory_space<hbm>>) target(%arg18 : memref<64x128xf32, #tpu.memory_space<vmem>>) offsets(%dma_start3A_292 : memref<64xi32, #tpu.memory_space<vmem>>) semaphore(%arg22 : memref<!tpu.dma_semaphore, #tpu.memory_space<semaphore_mem>>)
      %dma_wait3A_296 = arith.constant 0 : i32
      %dma_wait3A_297 = arith.constant 0 : i32
      %dma_wait3A_298 = tpu.memref_slice %arg28[%dma_wait3A_296, %dma_wait3A_297] : memref<10240x128xf32, #tpu.memory_space<vmem_shared>> -> memref<10240x128xf32, #tpu.memory_space<vmem_shared>>
      tpu.wait_indirect_dma semaphore(%arg25 : memref<!tpu.dma_semaphore, #tpu.memory_space<semaphore_mem>>) src(%arg19 : memref<64x128xf32, #tpu.memory_space<vmem>>) dst(%dma_wait3A_298 : memref<10240x128xf32, #tpu.memory_space<vmem_shared>>)
      %dma_start3A_299 = arith.constant 64 : i32
      %dma_start3A_300 = tpu.memref_slice %arg9[%dma_start3A_299] : memref<128xi32, #tpu.memory_space<vmem>> -> memref<64xi32, #tpu.memory_space<vmem>>
      %dma_start3A_301 = arith.constant 0 : i32
      %dma_start3A_302 = arith.constant 0 : i32
      %dma_start3A_303 = tpu.memref_slice %arg2[%dma_start3A_301, %dma_start3A_302] : memref<10000x128xf32, #tpu.memory_space<hbm>> -> memref<10000x128xf32, #tpu.memory_space<hbm>>
      tpu.enqueue_indirect_dma source(%dma_start3A_303 : memref<10000x128xf32, #tpu.memory_space<hbm>>) target(%arg19 : memref<64x128xf32, #tpu.memory_space<vmem>>) offsets(%dma_start3A_300 : memref<64xi32, #tpu.memory_space<vmem>>) semaphore(%arg23 : memref<!tpu.dma_semaphore, #tpu.memory_space<semaphore_mem>>)
      %add3A_304 = arith.constant 6 : i32
      %add3A_305 = arith.addi %add3A_163, %add3A_304 : i32
      %mul3A_306 = arith.constant 64 : i32
      %mul3A_307 = arith.muli %add3A_305, %mul3A_306 : i32
      %add3A_308 = arith.addi %add3A_64, %mul3A_307 : i32
      %min3A_309 = arith.constant 319872 : i32
      %min3A_310 = arith.minsi %add3A_308, %min3A_309 : i32
      %add3A_311 = arith.constant 64 : i32
      %add3A_312 = arith.addi %min3A_310, %add3A_311 : i32
      %dma_start3A_313 = tpu.memref_slice %arg5[%min3A_310] : memref<320000xi32, #tpu.memory_space<hbm>> -> memref<128xi32, #tpu.memory_space<hbm>>
      %dma_start3A_314 = tpu.memref_slice %arg5[%min3A_310] : memref<320000xi32, #tpu.memory_space<hbm>> -> memref<128xi32, #tpu.memory_space<hbm>>
      tpu.enqueue_dma source(%dma_start3A_314 : memref<128xi32, #tpu.memory_space<hbm>>) target(%arg10 : memref<128xi32, #tpu.memory_space<vmem>>) target_semaphore(%arg27 : memref<!tpu.dma_semaphore, #tpu.memory_space<semaphore_mem>>)
      %dma_start3A_315 = tpu.memref_slice %arg6[%min3A_310] : memref<320000xi32, #tpu.memory_space<hbm>> -> memref<64xi32, #tpu.memory_space<hbm>>
      %dma_start3A_316 = tpu.memref_slice %arg6[%min3A_310] : memref<320000xi32, #tpu.memory_space<hbm>> -> memref<64xi32, #tpu.memory_space<hbm>>
      tpu.enqueue_dma source(%dma_start3A_316 : memref<64xi32, #tpu.memory_space<hbm>>) target(%arg13 : memref<64xi32, #tpu.memory_space<vmem>>) target_semaphore(%arg27 : memref<!tpu.dma_semaphore, #tpu.memory_space<semaphore_mem>>)
      %dma_start3A_317 = tpu.memref_slice %arg6[%add3A_312] : memref<320000xi32, #tpu.memory_space<hbm>> -> memref<64xi32, #tpu.memory_space<hbm>>
      %dma_start3A_318 = tpu.memref_slice %arg6[%add3A_312] : memref<320000xi32, #tpu.memory_space<hbm>> -> memref<64xi32, #tpu.memory_space<hbm>>
      tpu.enqueue_dma source(%dma_start3A_318 : memref<64xi32, #tpu.memory_space<hbm>>) target(%arg14 : memref<64xi32, #tpu.memory_space<vmem>>) target_semaphore(%arg27 : memref<!tpu.dma_semaphore, #tpu.memory_space<semaphore_mem>>)
    }
    %dma_wait3A_125 = arith.constant 0 : i32
    %dma_wait3A_126 = tpu.memref_slice %arg9[%dma_wait3A_125] : memref<128xi32, #tpu.memory_space<vmem>> -> memref<64xi32, #tpu.memory_space<vmem>>
    %dma_wait3A_127 = arith.constant 0 : i32
    %dma_wait3A_128 = arith.constant 0 : i32
    %dma_wait3A_129 = tpu.memref_slice %arg2[%dma_wait3A_127, %dma_wait3A_128] : memref<10000x128xf32, #tpu.memory_space<hbm>> -> memref<10000x128xf32, #tpu.memory_space<hbm>>
    tpu.wait_indirect_dma semaphore(%arg22 : memref<!tpu.dma_semaphore, #tpu.memory_space<semaphore_mem>>) src(%dma_wait3A_129 : memref<10000x128xf32, #tpu.memory_space<hbm>>) dst(%arg18 : memref<64x128xf32, #tpu.memory_space<vmem>>)
    %dma_wait3A_130 = arith.constant 64 : i32
    %dma_wait3A_131 = tpu.memref_slice %arg9[%dma_wait3A_130] : memref<128xi32, #tpu.memory_space<vmem>> -> memref<64xi32, #tpu.memory_space<vmem>>
    %dma_wait3A_132 = arith.constant 0 : i32
    %dma_wait3A_133 = arith.constant 0 : i32
    %dma_wait3A_134 = tpu.memref_slice %arg2[%dma_wait3A_132, %dma_wait3A_133] : memref<10000x128xf32, #tpu.memory_space<hbm>> -> memref<10000x128xf32, #tpu.memory_space<hbm>>
    tpu.wait_indirect_dma semaphore(%arg23 : memref<!tpu.dma_semaphore, #tpu.memory_space<semaphore_mem>>) src(%dma_wait3A_134 : memref<10000x128xf32, #tpu.memory_space<hbm>>) dst(%arg19 : memref<64x128xf32, #tpu.memory_space<vmem>>)
    %add3A_135 = arith.constant 2 : i32
    %add3A_136 = arith.addi %add3A_58, %add3A_135 : i32
    %mul3A_137 = arith.constant 64 : i32
    %mul3A_138 = arith.muli %add3A_136, %mul3A_137 : i32
    %add3A_139 = arith.addi %add3A_64, %mul3A_138 : i32
    %min3A_140 = arith.constant 319872 : i32
    %min3A_141 = arith.minsi %add3A_139, %min3A_140 : i32
    %add3A_142 = arith.constant 64 : i32
    %add3A_143 = arith.addi %min3A_141, %add3A_142 : i32
    %dma_wait3A_144 = tpu.memref_slice %arg5[%min3A_141] : memref<320000xi32, #tpu.memory_space<hbm>> -> memref<128xi32, #tpu.memory_space<hbm>>
    %dma_wait3A_145 = tpu.memref_slice %arg5[%min3A_141] : memref<320000xi32, #tpu.memory_space<hbm>> -> memref<128xi32, #tpu.memory_space<hbm>>
    tpu.wait_dma2 semaphore(%arg27 : memref<!tpu.dma_semaphore, #tpu.memory_space<semaphore_mem>>) src(%dma_wait3A_145 : memref<128xi32, #tpu.memory_space<hbm>>) dst(%arg10 : memref<128xi32, #tpu.memory_space<vmem>>)
    %dma_wait3A_146 = tpu.memref_slice %arg6[%min3A_141] : memref<320000xi32, #tpu.memory_space<hbm>> -> memref<64xi32, #tpu.memory_space<hbm>>
    %dma_wait3A_147 = tpu.memref_slice %arg6[%min3A_141] : memref<320000xi32, #tpu.memory_space<hbm>> -> memref<64xi32, #tpu.memory_space<hbm>>
    tpu.wait_dma2 semaphore(%arg27 : memref<!tpu.dma_semaphore, #tpu.memory_space<semaphore_mem>>) src(%dma_wait3A_147 : memref<64xi32, #tpu.memory_space<hbm>>) dst(%arg13 : memref<64xi32, #tpu.memory_space<vmem>>)
    %dma_wait3A_148 = tpu.memref_slice %arg6[%add3A_143] : memref<320000xi32, #tpu.memory_space<hbm>> -> memref<64xi32, #tpu.memory_space<hbm>>
    %dma_wait3A_149 = tpu.memref_slice %arg6[%add3A_143] : memref<320000xi32, #tpu.memory_space<hbm>> -> memref<64xi32, #tpu.memory_space<hbm>>
    tpu.wait_dma2 semaphore(%arg27 : memref<!tpu.dma_semaphore, #tpu.memory_space<semaphore_mem>>) src(%dma_wait3A_149 : memref<64xi32, #tpu.memory_space<hbm>>) dst(%arg14 : memref<64xi32, #tpu.memory_space<vmem>>)
    "tpu.region"() ({
      %run_scoped3A = tpu.sem_alloc : memref<!tpu.dma_semaphore, #tpu.memory_space<semaphore_mem>>
      %dma_start3A_161 = arith.constant 0 : i32
      %dma_start3A_162 = arith.constant 0 : i32
      %dma_start3A_163 = tpu.memref_slice %arg29[%dma_start3A_161, %dma_start3A_162] : memref<80x128xf32, #tpu.memory_space<vmem_shared>> -> memref<80x128xf32, #tpu.memory_space<vmem_shared>>
      tpu.enqueue_indirect_dma source(%arg20 : memref<80x128xf32, #tpu.memory_space<vmem>>) target(%dma_start3A_163 : memref<80x128xf32, #tpu.memory_space<vmem_shared>>) offsets(%arg21 : memref<80xi32, #tpu.memory_space<vmem>>) semaphore(%run_scoped3A : memref<!tpu.dma_semaphore, #tpu.memory_space<semaphore_mem>>) {add = true}
      %dma_wait3A_164 = arith.constant 0 : i32
      %dma_wait3A_165 = arith.constant 0 : i32
      %dma_wait3A_166 = tpu.memref_slice %arg29[%dma_wait3A_164, %dma_wait3A_165] : memref<80x128xf32, #tpu.memory_space<vmem_shared>> -> memref<80x128xf32, #tpu.memory_space<vmem_shared>>
      tpu.wait_indirect_dma semaphore(%run_scoped3A : memref<!tpu.dma_semaphore, #tpu.memory_space<semaphore_mem>>) src(%arg20 : memref<80x128xf32, #tpu.memory_space<vmem>>) dst(%dma_wait3A_166 : memref<80x128xf32, #tpu.memory_space<vmem_shared>>)
      tpu.yield
    }) : () -> ()
    %barrier3A_150 = arith.constant 0 : index
    tpu.barrier barrier_id(%barrier3A_150)
    %scan3A_151 = arith.constant 0 : i32
    %scan3A_152 = arith.constant 5 : i32
    %scan3A_153 = arith.addi %scan3A_151, %scan3A_152 : i32
    %scan3A_154 = arith.constant 1 : i32
    scf.for %scan3A_161 = %scan3A_151 to %scan3A_153 step %scan3A_154  : i32 {
      %mul3A_162 = arith.constant 128 : i32
      %mul3A_163 = arith.muli %scan3A_161, %mul3A_162 : i32
      %add3A_164 = arith.constant 0 : i32
      %add3A_165 = arith.addi %add3A_164, %mul3A_163 : i32
      %add3A_166 = arith.addi %mul3A_14, %add3A_165 : i32
      %add3A_167 = arith.addi %mul3A_14, %add3A_165 : i32
      "tpu.region"() ({
        %run_scoped3A = tpu.sem_alloc : memref<!tpu.dma_semaphore, #tpu.memory_space<semaphore_mem>>
        %dma_start3A_168 = arith.constant 0 : i32
        %dma_start3A_169 = arith.constant 0 : i32
        %dma_start3A_170 = tpu.memref_slice %arg7[%arg0, %dma_start3A_168, %dma_start3A_169] : memref<2x10240x128xf32, #tpu.memory_space<hbm>> -> memref<1x10240x128xf32, #tpu.memory_space<hbm>>
        %dma_start3A_171 = tpu.memref_squeeze %dma_start3A_170 : memref<1x10240x128xf32, #tpu.memory_space<hbm>> -> memref<10240x128xf32, #tpu.memory_space<hbm>>
        %dma_start3A_172 = arith.constant 0 : i32
        %dma_start3A_173 = tpu.memref_slice %dma_start3A_171[%add3A_167, %dma_start3A_172] : memref<10240x128xf32, #tpu.memory_space<hbm>> -> memref<128x128xf32, #tpu.memory_space<hbm>>
        %dma_start3A_174 = arith.constant 0 : i32
        %dma_start3A_175 = tpu.memref_slice %arg28[%add3A_166, %dma_start3A_174] : memref<10240x128xf32, #tpu.memory_space<vmem_shared>> -> memref<128x128xf32, #tpu.memory_space<vmem_shared>>
        tpu.enqueue_dma source(%dma_start3A_175 : memref<128x128xf32, #tpu.memory_space<vmem_shared>>) target(%dma_start3A_173 : memref<128x128xf32, #tpu.memory_space<hbm>>) target_semaphore(%run_scoped3A : memref<!tpu.dma_semaphore, #tpu.memory_space<semaphore_mem>>)
        %dma_wait3A_176 = arith.constant 0 : i32
        %dma_wait3A_177 = arith.constant 0 : i32
        %dma_wait3A_178 = tpu.memref_slice %arg7[%arg0, %dma_wait3A_176, %dma_wait3A_177] : memref<2x10240x128xf32, #tpu.memory_space<hbm>> -> memref<1x10240x128xf32, #tpu.memory_space<hbm>>
        %dma_wait3A_179 = tpu.memref_squeeze %dma_wait3A_178 : memref<1x10240x128xf32, #tpu.memory_space<hbm>> -> memref<10240x128xf32, #tpu.memory_space<hbm>>
        %dma_wait3A_180 = arith.constant 0 : i32
        %dma_wait3A_181 = tpu.memref_slice %dma_wait3A_179[%add3A_167, %dma_wait3A_180] : memref<10240x128xf32, #tpu.memory_space<hbm>> -> memref<128x128xf32, #tpu.memory_space<hbm>>
        %dma_wait3A_182 = arith.constant 0 : i32
        %dma_wait3A_183 = tpu.memref_slice %arg28[%add3A_166, %dma_wait3A_182] : memref<10240x128xf32, #tpu.memory_space<vmem_shared>> -> memref<128x128xf32, #tpu.memory_space<vmem_shared>>
        tpu.wait_dma2 semaphore(%run_scoped3A : memref<!tpu.dma_semaphore, #tpu.memory_space<semaphore_mem>>) src(%dma_wait3A_183 : memref<128x128xf32, #tpu.memory_space<vmem_shared>>) dst(%dma_wait3A_181 : memref<128x128xf32, #tpu.memory_space<hbm>>)
        tpu.yield
      }) : () -> ()
    }
    %scan3A_155 = arith.constant 5 : i32
    %lt3A_156 = arith.constant 10 : i32
    %lt3A_157 = arith.cmpi slt, %arg1, %lt3A_156 : i32
    %convert_element_type3A_158 = arith.extui %lt3A_157 : i1 to i32
    %cond3A_159 = arith.constant 0 : i32
    %cond3A_160 = arith.cmpi ne, %convert_element_type3A_158, %cond3A_159 : i32
    scf.if %cond3A_160 {
      %mul3A_161 = arith.constant 8 : i32
      %mul3A_162 = arith.muli %arg1, %mul3A_161 : i32
      %mul3A_163 = arith.constant 8 : i32
      %mul3A_164 = arith.muli %arg1, %mul3A_163 : i32
      "tpu.region"() ({
        %run_scoped3A = tpu.sem_alloc : memref<!tpu.dma_semaphore, #tpu.memory_space<semaphore_mem>>
        %dma_start3A_165 = arith.constant 0 : i32
        %dma_start3A_166 = arith.constant 0 : i32
        %dma_start3A_167 = tpu.memref_slice %arg8[%arg0, %dma_start3A_165, %dma_start3A_166] : memref<2x80x128xf32, #tpu.memory_space<hbm>> -> memref<1x80x128xf32, #tpu.memory_space<hbm>>
        %dma_start3A_168 = tpu.memref_squeeze %dma_start3A_167 : memref<1x80x128xf32, #tpu.memory_space<hbm>> -> memref<80x128xf32, #tpu.memory_space<hbm>>
        %dma_start3A_169 = arith.constant 0 : i32
        %dma_start3A_170 = tpu.memref_slice %dma_start3A_168[%mul3A_164, %dma_start3A_169] : memref<80x128xf32, #tpu.memory_space<hbm>> -> memref<8x128xf32, #tpu.memory_space<hbm>>
        %dma_start3A_171 = arith.constant 0 : i32
        %dma_start3A_172 = tpu.memref_slice %arg29[%mul3A_162, %dma_start3A_171] : memref<80x128xf32, #tpu.memory_space<vmem_shared>> -> memref<8x128xf32, #tpu.memory_space<vmem_shared>>
        tpu.enqueue_dma source(%dma_start3A_172 : memref<8x128xf32, #tpu.memory_space<vmem_shared>>) target(%dma_start3A_170 : memref<8x128xf32, #tpu.memory_space<hbm>>) target_semaphore(%run_scoped3A : memref<!tpu.dma_semaphore, #tpu.memory_space<semaphore_mem>>)
        %dma_wait3A_173 = arith.constant 0 : i32
        %dma_wait3A_174 = arith.constant 0 : i32
        %dma_wait3A_175 = tpu.memref_slice %arg8[%arg0, %dma_wait3A_173, %dma_wait3A_174] : memref<2x80x128xf32, #tpu.memory_space<hbm>> -> memref<1x80x128xf32, #tpu.memory_space<hbm>>
        %dma_wait3A_176 = tpu.memref_squeeze %dma_wait3A_175 : memref<1x80x128xf32, #tpu.memory_space<hbm>> -> memref<80x128xf32, #tpu.memory_space<hbm>>
        %dma_wait3A_177 = arith.constant 0 : i32
        %dma_wait3A_178 = tpu.memref_slice %dma_wait3A_176[%mul3A_164, %dma_wait3A_177] : memref<80x128xf32, #tpu.memory_space<hbm>> -> memref<8x128xf32, #tpu.memory_space<hbm>>
        %dma_wait3A_179 = arith.constant 0 : i32
        %dma_wait3A_180 = tpu.memref_slice %arg29[%mul3A_162, %dma_wait3A_179] : memref<80x128xf32, #tpu.memory_space<vmem_shared>> -> memref<8x128xf32, #tpu.memory_space<vmem_shared>>
        tpu.wait_dma2 semaphore(%run_scoped3A : memref<!tpu.dma_semaphore, #tpu.memory_space<semaphore_mem>>) src(%dma_wait3A_180 : memref<8x128xf32, #tpu.memory_space<vmem_shared>>) dst(%dma_wait3A_178 : memref<8x128xf32, #tpu.memory_space<hbm>>)
        tpu.yield
      }) : () -> ()
    } else {
    }
    return
  }
}

module attributes {stable_mosaic.version = 14 : i64} {
  func.func @_proj_body(%arg0: i32, %arg1: memref<1000x128xf32, #tpu.memory_space<vmem>>, %arg2: memref<128x128xf32, #tpu.memory_space<vmem>>, %arg3: memref<128x128xf32, #tpu.memory_space<vmem>>, %arg4: memref<128x1xf32, #tpu.memory_space<vmem>>, %arg5: memref<128x1xf32, #tpu.memory_space<vmem>>, %arg6: memref<1000x128xf32, #tpu.memory_space<vmem>>, %arg7: memref<1000x1xf32, #tpu.memory_space<vmem>>, %arg8: memref<1000x1xf32, #tpu.memory_space<vmem>>) attributes {dimension_semantics = [#tpu.dimension_semantics<arbitrary>], iteration_bounds = array<i64: 10>, scalar_prefetch = 0 : i64, scratch_operands = 0 : i64, tpu.core_type = #tpu.core_type<tc>, window_params = [{transform_indices = @transform_0, window_bounds = array<i64: 1000, 128>}, {pipeline_mode = #tpu.pipeline_mode<synchronous>, transform_indices = @transform_1, window_bounds = array<i64: 128, 128>}, {pipeline_mode = #tpu.pipeline_mode<synchronous>, transform_indices = @transform_2, window_bounds = array<i64: 128, 128>}, {pipeline_mode = #tpu.pipeline_mode<synchronous>, transform_indices = @transform_3, window_bounds = array<i64: 128, 1>}, {pipeline_mode = #tpu.pipeline_mode<synchronous>, transform_indices = @transform_4, window_bounds = array<i64: 128, 1>}, {transform_indices = @transform_5, window_bounds = array<i64: 1000, 128>}, {transform_indices = @transform_6, window_bounds = array<i64: 1000, 1>}, {transform_indices = @transform_7, window_bounds = array<i64: 1000, 1>}]} {
    %get3A = arith.constant 0 : index
    %get3A_0 = arith.constant 0 : index
    %get3A_1 = vector.load %arg1[%get3A, %get3A_0] : memref<1000x128xf32, #tpu.memory_space<vmem>>, vector<1000x128xf32>
    %get3A_2 = arith.constant 0 : index
    %get3A_3 = arith.constant 0 : index
    %get3A_4 = vector.load %arg2[%get3A_2, %get3A_3] : memref<128x128xf32, #tpu.memory_space<vmem>>, vector<128x128xf32>
    %dot_general3A = arith.constant dense<0.000000e+00> : vector<1000x128xf32>
    %dot_general3A_5 = tpu.matmul %get3A_1, %get3A_4, %dot_general3A {dimension_numbers = #tpu.dot_dimension_numbers<[1], [0], [0], [1], [0, 0, 1, 1], [], []>, transpose_lhs_hint = false} : vector<1000x128xf32>, vector<128x128xf32>, vector<1000x128xf32> -> vector<1000x128xf32>
    %swap3A = arith.constant 0 : index
    %swap3A_6 = arith.constant 0 : index
    %swap3A_7 = vector.load %arg6[%swap3A, %swap3A_6] : memref<1000x128xf32, #tpu.memory_space<vmem>>, vector<1000x128xf32>
    tpu.vector_store %arg6[%swap3A, %swap3A_6], %dot_general3A_5 {strides = array<i32>} : memref<1000x128xf32, #tpu.memory_space<vmem>>, vector<1000x128xf32>,
    %get3A_8 = arith.constant 0 : index
    %get3A_9 = arith.constant 0 : index
    %get3A_10 = vector.load %arg4[%get3A_8, %get3A_9] : memref<128x1xf32, #tpu.memory_space<vmem>>, vector<128x1xf32>
    %dot_general3A_11 = arith.constant dense<0.000000e+00> : vector<1000x1xf32>
    %dot_general3A_12 = tpu.matmul %dot_general3A_5, %get3A_10, %dot_general3A_11 {dimension_numbers = #tpu.dot_dimension_numbers<[1], [0], [0], [1], [0, 0, 1, 1], [], []>, transpose_lhs_hint = false} : vector<1000x128xf32>, vector<128x1xf32>, vector<1000x1xf32> -> vector<1000x1xf32>
    %swap3A_13 = arith.constant 0 : index
    %swap3A_14 = arith.constant 0 : index
    %swap3A_15 = vector.load %arg7[%swap3A_13, %swap3A_14] : memref<1000x1xf32, #tpu.memory_space<vmem>>, vector<1000x1xf32>
    tpu.vector_store %arg7[%swap3A_13, %swap3A_14], %dot_general3A_12 {strides = array<i32>} : memref<1000x1xf32, #tpu.memory_space<vmem>>, vector<1000x1xf32>,
    %get3A_16 = arith.constant 0 : index
    %get3A_17 = arith.constant 0 : index
    %get3A_18 = vector.load %arg3[%get3A_16, %get3A_17] : memref<128x128xf32, #tpu.memory_space<vmem>>, vector<128x128xf32>
    %dot_general3A_19 = arith.constant dense<0.000000e+00> : vector<1000x128xf32>
    %dot_general3A_20 = tpu.matmul %get3A_1, %get3A_18, %dot_general3A_19 {dimension_numbers = #tpu.dot_dimension_numbers<[1], [0], [0], [1], [0, 0, 1, 1], [], []>, transpose_lhs_hint = false} : vector<1000x128xf32>, vector<128x128xf32>, vector<1000x128xf32> -> vector<1000x128xf32>
    %get3A_21 = arith.constant 0 : index
    %get3A_22 = arith.constant 0 : index
    %get3A_23 = vector.load %arg5[%get3A_21, %get3A_22] : memref<128x1xf32, #tpu.memory_space<vmem>>, vector<128x1xf32>
    %dot_general3A_24 = arith.constant dense<0.000000e+00> : vector<1000x1xf32>
    %dot_general3A_25 = tpu.matmul %dot_general3A_20, %get3A_23, %dot_general3A_24 {dimension_numbers = #tpu.dot_dimension_numbers<[1], [0], [0], [1], [0, 0, 1, 1], [], []>, transpose_lhs_hint = false} : vector<1000x128xf32>, vector<128x1xf32>, vector<1000x1xf32> -> vector<1000x1xf32>
    %swap3A_26 = arith.constant 0 : index
    %swap3A_27 = arith.constant 0 : index
    %swap3A_28 = vector.load %arg8[%swap3A_26, %swap3A_27] : memref<1000x1xf32, #tpu.memory_space<vmem>>, vector<1000x1xf32>
    tpu.vector_store %arg8[%swap3A_26, %swap3A_27], %dot_general3A_25 {strides = array<i32>} : memref<1000x1xf32, #tpu.memory_space<vmem>>, vector<1000x1xf32>,
    return
  }
  func.func @transform_0(%arg0: i32) -> (i32, i32) {
    %c0_i32 = arith.constant 0 : i32
    %c0_i32_0 = arith.constant 0 : i32
    return %arg0, %c0_i32 : i32, i32
  }
  func.func @transform_1(%arg0: i32) -> (i32, i32) {
    %c0_i32 = arith.constant 0 : i32
    %c0_i32_0 = arith.constant 0 : i32
    %c0_i32_1 = arith.constant 0 : i32
    return %c0_i32, %c0_i32_0 : i32, i32
  }
  func.func @transform_2(%arg0: i32) -> (i32, i32) {
    %c0_i32 = arith.constant 0 : i32
    %c0_i32_0 = arith.constant 0 : i32
    %c0_i32_1 = arith.constant 0 : i32
    return %c0_i32, %c0_i32_0 : i32, i32
  }
  func.func @transform_3(%arg0: i32) -> (i32, i32) {
    %c0_i32 = arith.constant 0 : i32
    %c0_i32_0 = arith.constant 0 : i32
    %c0_i32_1 = arith.constant 0 : i32
    return %c0_i32, %c0_i32_0 : i32, i32
  }
  func.func @transform_4(%arg0: i32) -> (i32, i32) {
    %c0_i32 = arith.constant 0 : i32
    %c0_i32_0 = arith.constant 0 : i32
    %c0_i32_1 = arith.constant 0 : i32
    return %c0_i32, %c0_i32_0 : i32, i32
  }
  func.func @transform_5(%arg0: i32) -> (i32, i32) {
    %c0_i32 = arith.constant 0 : i32
    %c0_i32_0 = arith.constant 0 : i32
    return %arg0, %c0_i32 : i32, i32
  }
  func.func @transform_6(%arg0: i32) -> (i32, i32) {
    %c0_i32 = arith.constant 0 : i32
    %c0_i32_0 = arith.constant 0 : i32
    return %arg0, %c0_i32 : i32, i32
  }
  func.func @transform_7(%arg0: i32) -> (i32, i32) {
    %c0_i32 = arith.constant 0 : i32
    %c0_i32_0 = arith.constant 0 : i32
    return %arg0, %c0_i32 : i32, i32
  }
}

module attributes {stable_mosaic.version = 14 : i64} {
  func.func @_final_body(%arg0: i32, %arg1: memref<2x1000x128xf32, #tpu.memory_space<vmem>>, %arg2: memref<2x1000x1xf32, #tpu.memory_space<vmem>>, %arg3: memref<1x128xf32, #tpu.memory_space<vmem>>, %arg4: memref<128x128xf32, #tpu.memory_space<vmem>>, %arg5: memref<1x128xf32, #tpu.memory_space<vmem>>, %arg6: memref<1000x128xf32, #tpu.memory_space<vmem>>) attributes {dimension_semantics = [#tpu.dimension_semantics<arbitrary>], iteration_bounds = array<i64: 10>, scalar_prefetch = 0 : i64, scratch_operands = 0 : i64, tpu.core_type = #tpu.core_type<tc>, window_params = [{transform_indices = @transform_0, window_bounds = array<i64: 2, 1000, 128>}, {transform_indices = @transform_1, window_bounds = array<i64: 2, 1000, 1>}, {pipeline_mode = #tpu.pipeline_mode<synchronous>, transform_indices = @transform_2, window_bounds = array<i64: 1, 128>}, {pipeline_mode = #tpu.pipeline_mode<synchronous>, transform_indices = @transform_3, window_bounds = array<i64: 128, 128>}, {pipeline_mode = #tpu.pipeline_mode<synchronous>, transform_indices = @transform_4, window_bounds = array<i64: 1, 128>}, {transform_indices = @transform_5, window_bounds = array<i64: 1000, 128>}]} {
    %get3A = arith.constant 0 : index
    %get3A_0 = arith.constant 0 : index
    %get3A_1 = arith.constant 0 : index
    %get3A_2 = vector.load %arg1[%get3A, %get3A_0, %get3A_1] : memref<2x1000x128xf32, #tpu.memory_space<vmem>>, vector<1x1000x128xf32>
    %get3A_3 = vector.shape_cast %get3A_2 : vector<1x1000x128xf32> to vector<1000x128xf32>
    %get3A_4 = arith.constant 1 : index
    %get3A_5 = arith.constant 0 : index
    %get3A_6 = arith.constant 0 : index
    %get3A_7 = vector.load %arg1[%get3A_4, %get3A_5, %get3A_6] : memref<2x1000x128xf32, #tpu.memory_space<vmem>>, vector<1x1000x128xf32>
    %get3A_8 = vector.shape_cast %get3A_7 : vector<1x1000x128xf32> to vector<1000x128xf32>
    %add3A = arith.addf %get3A_3, %get3A_8 : vector<1000x128xf32>
    %get3A_9 = arith.constant 0 : index
    %get3A_10 = arith.constant 0 : index
    %get3A_11 = arith.constant 0 : index
    %get3A_12 = vector.load %arg2[%get3A_9, %get3A_10, %get3A_11] : memref<2x1000x1xf32, #tpu.memory_space<vmem>>, vector<1x1000x1xf32>
    %get3A_13 = vector.shape_cast %get3A_12 : vector<1x1000x1xf32> to vector<1000x1xf32>
    %get3A_14 = arith.constant 1 : index
    %get3A_15 = arith.constant 0 : index
    %get3A_16 = arith.constant 0 : index
    %get3A_17 = vector.load %arg2[%get3A_14, %get3A_15, %get3A_16] : memref<2x1000x1xf32, #tpu.memory_space<vmem>>, vector<1x1000x1xf32>
    %get3A_18 = vector.shape_cast %get3A_17 : vector<1x1000x1xf32> to vector<1000x1xf32>
    %add3A_19 = arith.addf %get3A_13, %get3A_18 : vector<1000x1xf32>
    %add3A_20 = arith.constant 1.000000e-16 : f32
    %add3A_21 = vector.broadcast %add3A_20 : f32 to vector<1000x1xf32>
    %add3A_22 = arith.addf %add3A_19, %add3A_21 : vector<1000x1xf32>
    %div3A = vector.broadcast %add3A_22 : vector<1000x1xf32> to vector<1000x128xf32>
    %div3A_23 = arith.divf %add3A, %div3A : vector<1000x128xf32>
    %get3A_24 = arith.constant 0 : index
    %get3A_25 = arith.constant 0 : index
    %get3A_26 = vector.load %arg3[%get3A_24, %get3A_25] : memref<1x128xf32, #tpu.memory_space<vmem>>, vector<1x128xf32>
    %add3A_27 = vector.broadcast %get3A_26 : vector<1x128xf32> to vector<1000x128xf32>
    %add3A_28 = arith.addf %div3A_23, %add3A_27 : vector<1000x128xf32>
    %max3A = arith.constant 0.000000e+00 : f32
    %max3A_29 = vector.broadcast %max3A : f32 to vector<1000x128xf32>
    %max3A_30 = arith.maximumf %add3A_28, %max3A_29 : vector<1000x128xf32>
    %get3A_31 = arith.constant 0 : index
    %get3A_32 = arith.constant 0 : index
    %get3A_33 = vector.load %arg4[%get3A_31, %get3A_32] : memref<128x128xf32, #tpu.memory_space<vmem>>, vector<128x128xf32>
    %dot_general3A = arith.constant dense<0.000000e+00> : vector<1000x128xf32>
    %dot_general3A_34 = tpu.matmul %max3A_30, %get3A_33, %dot_general3A {dimension_numbers = #tpu.dot_dimension_numbers<[1], [0], [0], [1], [0, 0, 1, 1], [], []>, transpose_lhs_hint = false} : vector<1000x128xf32>, vector<128x128xf32>, vector<1000x128xf32> -> vector<1000x128xf32>
    %get3A_35 = arith.constant 0 : index
    %get3A_36 = arith.constant 0 : index
    %get3A_37 = vector.load %arg5[%get3A_35, %get3A_36] : memref<1x128xf32, #tpu.memory_space<vmem>>, vector<1x128xf32>
    %add3A_38 = vector.broadcast %get3A_37 : vector<1x128xf32> to vector<1000x128xf32>
    %add3A_39 = arith.addf %dot_general3A_34, %add3A_38 : vector<1000x128xf32>
    %swap3A = arith.constant 0 : index
    %swap3A_40 = arith.constant 0 : index
    %swap3A_41 = vector.load %arg6[%swap3A, %swap3A_40] : memref<1000x128xf32, #tpu.memory_space<vmem>>, vector<1000x128xf32>
    tpu.vector_store %arg6[%swap3A, %swap3A_40], %add3A_39 {strides = array<i32>} : memref<1000x128xf32, #tpu.memory_space<vmem>>, vector<1000x128xf32>,
    return
  }
  func.func @transform_0(%arg0: i32) -> (i32, i32, i32) {
    %c0_i32 = arith.constant 0 : i32
    %c0_i32_0 = arith.constant 0 : i32
    %c0_i32_1 = arith.constant 0 : i32
    return %c0_i32, %arg0, %c0_i32_0 : i32, i32, i32
  }
  func.func @transform_1(%arg0: i32) -> (i32, i32, i32) {
    %c0_i32 = arith.constant 0 : i32
    %c0_i32_0 = arith.constant 0 : i32
    %c0_i32_1 = arith.constant 0 : i32
    return %c0_i32, %arg0, %c0_i32_0 : i32, i32, i32
  }
  func.func @transform_2(%arg0: i32) -> (i32, i32) {
    %c0_i32 = arith.constant 0 : i32
    %c0_i32_0 = arith.constant 0 : i32
    %c0_i32_1 = arith.constant 0 : i32
    return %c0_i32, %c0_i32_0 : i32, i32
  }
  func.func @transform_3(%arg0: i32) -> (i32, i32) {
    %c0_i32 = arith.constant 0 : i32
    %c0_i32_0 = arith.constant 0 : i32
    %c0_i32_1 = arith.constant 0 : i32
    return %c0_i32, %c0_i32_0 : i32, i32
  }
  func.func @transform_4(%arg0: i32) -> (i32, i32) {
    %c0_i32 = arith.constant 0 : i32
    %c0_i32_0 = arith.constant 0 : i32
    %c0_i32_1 = arith.constant 0 : i32
    return %c0_i32, %c0_i32_0 : i32, i32
  }
  func.func @transform_5(%arg0: i32) -> (i32, i32) {
    %c0_i32 = arith.constant 0 : i32
    %c0_i32_0 = arith.constant 0 : i32
    return %arg0, %c0_i32 : i32, i32
  }
}

</mosaic_0001>

<sc_bundles>
// kernel: kernel.5.cloned.1.call-start
scs
__scs_entry_jumppad:
0x0: {  	(pc) =	sbr.rel $0x88, $3  }
0x1: {  	(tag) =	ssettag $0x0;
	lr =	simm.s32 $0x1  }
0x2: {  	[smem:$0x3F98] =	sst lr;
	_ =	strace $0xD0000000  }
0x3: {  	_ = 	snop  }
0x4: {  	_ = 	snop  }
0x5: {  	_ = 	snop  }
0x6: {  	_ = 	snop  }
0x7: {  	_ = 	snop  }
__scs_overlays_trampoline_lowered:
0x8: {  	[smem:$0x3FA7] =	sst s0  }
0x9: {  	[smem:$0x3FA8] =	sst s1  }
0xa: {  	[smem:$0x3FA9] =	sst s2  }
0xb: {  	[smem:$0x3FAA] =	sst s3  }
0xc: {  	[smem:$0x3FAB] =	sst s4  }
0xd: {  	[smem:$0x3FAC] =	sst s5  }
0xe: {  	[smem:$0x3FAD] =	sst s6  }
0xf: {  	[smem:$0x3FAE] =	sst s7  }
0x10: {  	[smem:$0x3FAF] =	sst s8  }
0x11: {  	[smem:$0x3FB0] =	sst s9;
	s0 =	simm.s32 @!p0 $0x0  }
0x12: {  	s1 =	sld [smem:$0x3F96];
	s0 =	simm.s32 @p0 $0x1  }
0x13: {  	[smem:$0x3FB1] =	sst s0;
	s0 =	simm.s32 @!p1 $0x0  }
0x14: {  	s2 =	sld [smem:$0x3F95];
	s0 =	simm.s32 @p1 $0x1  }
0x15: {  	[smem:$0x3FB2] =	sst s0;
	s0 =	simm.s32 @!p2 $0x0  }
0x16: {  	s3 =	sld [smem:$0x3FDB];
	s0 =	simm.s32 @p2 $0x1  }
0x17: {  	s4 =	simm.s32 $0x1BF5;
	[smem:$0x3FB4] =	sst s0  }
0x18: {  	s0 =	sld [smem:$0x3F97];
	_ =	swait.ge [sflag:s4], $0x0  }
0x19: {  	s7 =	sld [smem:$0x3F98]  }
0x1a: {  	s8 =	sadd.s32 $0xFFFFE003, lr  }
0x1b: {  	s9 =	sadd.s32 $0xFFFFFEF7, lr;
	s5 =	simm.s32 $0xFFFFFFFF;
	p2 =	slt.u32 s8, $0xFFFFF086  }
0x1c: {  	p1 =	slt.u32 s9, $0xF7A;
	s5 =	simm.s32 @!p2 $0x0  }
0x1d: {  	s5 =	simm.s32 @p1 $0x1;
	p0 =	seq.s32 s7, s2  }
0x1e: {  	s7 =	smul.u32 @!p0 $0xF7A, s2;
	p2 =	seq.s32 @!p0 s5, $0x0  }
0x1f: {  	s9 =	smul.u32 $0xF7A, s1;
	s8 =	simm.s32 @!p0 $0x1BF5;
	p2 =	por !p2, p0  }
0x20: {  	[sflag:s8] =	ssyncset.s32 @!p0 $0xFFFFF086;
	s6 =	sadd.s32 @!p0 s3, s7;
	s7 =	simm.s32 @!p0 $0x108  }
0x21: {  	s3 =	sadd.s32 s3, s9;
	s6 =	sadd.s32 @!p0 $0x88, s6;
	s7 =	simm.s32 @p2 $0x1082  }
0x22: {  	[simem:s7], [sflag:s8] =	dma.local @!p0 [hbm:s6], $0xF7A  }
0x23: {  	s9 =	sor.u32 $0xD0000000, s2;
	s6 =	simm.s32 $0x108;
	_ =	swait.ge @!p0 [sflag:s8], $0x0  }
0x24: {  	s3 =	sadd.s32 $0x88, s3;
	s6 =	simm.s32 @!p1 $0x1082;
	[sflag:s4] =	ssyncset.s32 $0xFFFFF086  }
0x25: {  	[simem:s6], [sflag:s4] =	dma.local [hbm:s3], $0xF7A  }
0x26: {  	[smem:$0x3F98] =	sst s1;
	(tag) =	ssettag s2;
	_ =	strace s9  }
0x27: {  	s1 =	sld [smem:$0x3FA8]  }
0x28: {  	s2 =	sld [smem:$0x3FA9]  }
0x29: {  	s4 =	sld [smem:$0x3FAB]  }
0x2a: {  	p0 =	seq.s32 s5, $0x0;
	s5 =	sld [smem:$0x3FAC]  }
0x2b: {  	s6 =	sld [smem:$0x3FAD]  }
0x2c: {  	s7 =	sld [smem:$0x3FAE]  }
0x2d: {  	s3 =	simm.s32 $0x108;
	s8 =	sld [smem:$0x3FAF]  }
0x2e: {  	s3 =	simm.s32 @!p0 $0x1082;
	s9 =	sld [smem:$0x3FB0]  }
0x2f: {  	lr =	sadd.s32 s0, s3;
	s0 =	sld [smem:$0x3FA7]  }
0x30: {  	s3 =	sld [smem:$0x3FAA]  }
0x31: {  	[smem:$0x3FB3] =	sst s10  }
0x32: {  	s10 =	sld [smem:$0x3FB1];
	_ =	sdelay $0x3  }
0x33: {  	p0 =	seq.s32 s10, $0x1;
	s10 =	sld [smem:$0x3FB3];
	_ =	sdelay $0x3  }
0x34: {  	[smem:$0x3FB3] =	sst s10  }
0x35: {  	s10 =	sld [smem:$0x3FB2];
	_ =	sdelay $0x3  }
0x36: {  	p1 =	seq.s32 s10, $0x1;
	s10 =	sld [smem:$0x3FB3];
	_ =	sdelay $0x3  }
0x37: {  	[smem:$0x3FB3] =	sst s10  }
0x38: {  	s10 =	sld [smem:$0x3FB4]  }
0x39: {  	_ = 	snop;
	(pc) =	sbr.ind lr, $3  }
0x3a: {  	_ = 	snop  }
0x3b: {  	_ = 	snop  }
0x3c: {  	p2 =	seq.s32 s10, $0x1;
	s10 =	sld [smem:$0x3FB3]  }
0x3d: {  	_ =	shalt  }
0x3e: {  	_ =	shalt  }
0x3f: {  	_ =	shalt  }
0x40: {  	_ =	shalt  }
0x41: {  	_ =	shalt  }
0x42: {  	_ =	shalt  }
0x43: {  	_ =	shalt  }
0x44: {  	_ =	shalt  }
0x45: {  	_ =	shalt  }
0x46: {  	_ =	shalt  }
0x47: {  	_ =	shalt  }
0x48: {  	_ =	shalt  }
0x49: {  	_ =	shalt  }
0x4a: {  	_ =	shalt  }
0x4b: {  	_ =	shalt  }
0x4c: {  	_ =	shalt  }
0x4d: {  	_ =	shalt  }
0x4e: {  	_ =	shalt  }
0x4f: {  	_ =	shalt  }
0x50: {  	_ =	shalt  }
0x51: {  	_ =	shalt  }
0x52: {  	_ =	shalt  }
0x53: {  	_ =	shalt  }
0x54: {  	_ =	shalt  }
0x55: {  	_ =	shalt  }
0x56: {  	_ =	shalt  }
0x57: {  	_ =	shalt  }
0x58: {  	_ =	shalt  }
0x59: {  	_ =	shalt  }
0x5a: {  	_ =	shalt  }
0x5b: {  	_ =	shalt  }
0x5c: {  	_ =	shalt  }
0x5d: {  	_ =	shalt  }
0x5e: {  	_ =	shalt  }
0x5f: {  	_ =	shalt  }
0x60: {  	_ =	shalt  }
0x61: {  	_ =	shalt  }
0x62: {  	_ =	shalt  }
0x63: {  	_ =	shalt  }
0x64: {  	_ =	shalt  }
0x65: {  	_ =	shalt  }
0x66: {  	_ =	shalt  }
0x67: {  	_ =	shalt  }
0x68: {  	_ =	shalt  }
0x69: {  	_ =	shalt  }
0x6a: {  	_ =	shalt  }
0x6b: {  	_ =	shalt  }
0x6c: {  	_ =	shalt  }
0x6d: {  	_ =	shalt  }
0x6e: {  	_ =	shalt  }
0x6f: {  	_ =	shalt  }
0x70: {  	_ =	shalt  }
0x71: {  	_ =	shalt  }
0x72: {  	_ =	shalt  }
0x73: {  	_ =	shalt  }
0x74: {  	_ =	shalt  }
0x75: {  	_ =	shalt  }
0x76: {  	_ =	shalt  }
0x77: {  	_ =	shalt  }
0x78: {  	_ =	shalt  }
0x79: {  	_ =	shalt  }
0x7a: {  	_ =	shalt  }
0x7b: {  	_ =	shalt  }
0x7c: {  	_ =	shalt  }
0x7d: {  	_ =	shalt  }
0x7e: {  	_ =	shalt  }
0x7f: {  	_ =	shalt  }
0x80: {  	_ =	shalt  }
0x81: {  	_ =	shalt  }
0x82: {  	_ =	shalt  }
0x83: {  	_ =	shalt  }
0x84: {  	_ =	shalt  }
0x85: {  	_ =	shalt  }
0x86: {  	_ =	shalt  }
0x87: {  	_ =	shalt  }
.Lfunc_end0:
.L_simem_size_0:
called_computation_lowered:
.L_overlay_start_0:
0x88: {  	s2 =	sld [smem:$0x3FD9]  }
0x89: {  	s3 =	sld [smem:$0x3FFE];
	_ =	sdelay $0x1  }
0x8a: {  	s1 =	srdreg.scid  }
0x8b: {  	s0 =	sand.u32 $0x1, s1  }
0x8c: {  	s17 =	sshll.u32 s0, $0xA;
	s2 =	sadd.s32 s3, s2  }
0x8d: {  	s2 =	sadd.s32 s2, s17  }
0x8e: {  	[smem:$0x3FBF] =	sst s2  }
0x8f: {  	_ = 	snop  }
0x90: {  	s2 =	sld [smem:$0x3FD0];
	(tm) =	ssettm $0x1  }
0x91: {  	s18 =	sld [smem:$0x3FFB];
	_ =	sdelay $0x3  }
0x92: {  	_ =	strace s18  }
0x93: {  	s3 =	sld [smem:$0x3FFC];
	_ =	sdelay $0x3  }
0x94: {  	_ =	strace s3  }
0x95: {  	s3 =	sld [smem:$0x3FFD];
	_ =	sdelay $0x3  }
0x96: {  	_ =	strace s3  }
0x97: {  	_ =	strace $0x8FFFFFFF  }
0x98: {  	s19 =	sld [smem:$0x3FDB];
	_ =	sdelay $0x1  }
0x99: {  	s4 =	simm.s32 $_scs_section_size  }
0x9a: {  	s5 =	simm.s32 $_size__tile_overlayer_lowered;
	s6 =	simm.s32 $_tile_overlayer_lowered  }
0x9b: {  	s22 =	simm.s32 $0x1BFF;
	s21 =	sshll.u32 s6, $0x1;
	s3 =	sadd.s32 s4, s19  }
0x9c: {  	s7 =	simm.s32 $0x0;
	s20 =	sshll.u32 s5, $0x1;
	s5 =	sadd.s32 s21, s3  }
0x9d: {  	[timem:s7], [sflag:s22] =	dma.local [hbm:s5], s20  }
0x9e: {  	_ =	swait.ge [sflag:s22], s20  }
0x9f: {  	s4 =	ssub.s32 $0x0, s20;
	[sflag:s22] =	ssyncset.done $0x0  }
0xa0: {  	[sflag:s22] =	ssyncadd.s32 s4;
	_ =	sdelay $0x1  }
0xa1: {  	s23 =	simm.s32 $0x1B8B  }
0xa2: {  	_ =	swait.ge [sflag:s23], $0x1  }
0xa3: {  	[sflag:s23] =	ssyncset.done $0x0  }
0xa4: {  	s25 =	simm.s32 $0x1B8E;
	s24 =	sld [smem:$0x3FFE];
	[sflag:s23] =	ssyncadd.s32 $0xFFFFFFFF  }
0xa5: {  	s26 =	simm.s32 $execute0_lowered;
	[smem:$0x3FD2] =	sst s25  }
0xa6: {  	s5 =	sshll.u32 s26, $0x1;
	_ =	strace $0x80000046;
	[dreg:$0x1] =	wrdreg $0xFFFFFFFF  }
0xa7: {  	s28 =	simm.s32 $_size_execute0_lowered;
	s3 =	sadd.s32 s3, s5;
	[dreg:$0x0] =	wrdreg $0x0  }
0xa8: {  	s5 =	sshll.u32 s28, $0x1;
	[dreg:$0x2] =	wrdreg s3  }
0xa9: {  	[dreg:$0x3] =	wrdreg s5  }
0xaa: {  	[dreg:$0x4] =	wrdreg $0xC0  }
0xab: {  	_ =	task [dreg:s7], $0x5FFFF  }
0xac: {  	[dreg:$0x1] =	wrdreg $0xFFFFFFFF  }
0xad: {  	[dreg:$0x0] =	wrdreg $0x60  }
0xae: {  	[dreg:$0x2] =	wrdreg s2  }
0xaf: {  	[dreg:$0x3] =	wrdreg s24  }
0xb0: {  	[dreg:$0x4] =	wrdreg $0xBB000  }
0xb1: {  	[dreg:$0x5] =	wrdreg $0x1FB000  }
0xb2: {  	[dreg:$0x6] =	wrdreg $0x9  }
0xb3: {  	_ =	task.clear_ibuf [dreg:s7], $0x7FFFF;
	_ =	strace $0x90000046  }
0xb4: {  	s29 =	simm.s32 $0x9;
	_ =	strace $0x80000048  }
0xb5: {  	_ =	swait.ge [sflag:s29], $0x1  }
0xb6: {  	[sflag:s29] =	ssyncadd.s32 $0xFFFFFFFF  }
0xb7: {  	_ =	strace $0x90000048  }
0xb8: {  	_ =	sfence  }
0xb9: {  	s30 =	sld [smem:$0x0];
	_ =	sdelay $0x2  }
0xba: {  	s31 =	sshll.u32 s1, $0xD;
	s1 =	sshrl.u32 s1, $0x2  }
0xbb: {  	s3 =	sand.u32 $0x4000, s31;
	s1 =	sadd.s32 s1, s30  }
0xbc: {  	s0 =	sor.u32 s3, s0;
	s1 =	sshll.u32 s1, $0x11  }
0xbd: {  	s0 =	sor.u32 s1, s0  }
0xbe: {  	s0 =	sadd.s32 $0x8F2B, s0  }
0xbf: {  	[sflag:s0] =	ssyncadd.remote.s32 $0x1  }
0xc0: {  	_ =	sfence.sel $0xFFFF  }
0xc1: {  	[dreg:$0x0] =	wrdreg $0xFFFFFFFF;
	(pc) =	sbr.abs _section_cstart, $3  }
0xc2: {  	[dreg:$0x1] =	wrdreg $0xFFFFFFFF  }
0xc3: {  	_ =	task.clear_ibuf [dreg:s7], $0x2FFFF;
	_ =	strace $0x9FFFFFFF  }
0xc4: {  	(tm) =	ssettm $0x7FFFFFFF  }
0xc5: {  	_ =	shalt  }
tec
execute0_lowered:
.L_overlay_start_1:
0x0: {  	(tag) =	ssettag $0x1  }
0x1: {  	s1 =	rddreg [dreg:$0x0]  }
0x2: {  	s0 =	rddreg [dreg:$0x1]  }
0x3: {  	s2 =	rddreg [dreg:$0x2]  }
0x4: {  	s20 =	rddreg [dreg:$0x3];
	s3 =	srdreg.scid  }
0x5: {  	s4 =	simm.s32 $0x0;
	s21 =	stileid.u32;
	s29 =	simm.s32 $0x5  }
0x6: {  	s30 =	simm.s32 $0x40;
	s31 =	simm.s32 $0x7280;
	s10 =	smul.u32 $0x280, s21  }
0x7: {  	s3 =	sand.u32 $0x1, s3;
	[smem:$0x7FF] =	sst s4;
	s12 =	smul.u32 $0x50000, s21  }
0x8: {  	s6 =	sadd.s32 $0x14200, s0;
	s7 =	sadd.s32 $0x14800, s0;
	s24 =	smul.u32 $0x2800, s21  }
0x9: {  	s8 =	sadd.s32 $0xA400, s0;
	s9 =	sadd.s32 $0x600, s0;
	s5 =	smul.u32 $0x28000, s3  }
0xa: {  	_ =	strace $0x80000047;
	[dreg:$0x5] =	wrdreg s6;
	s18 =	smul.u32 $0x500, s3  }
0xb: {  	[dreg:$0x6] =	wrdreg s7;
	s19 =	ssub.s32 $0x2, s3;
	s3 =	sshll.u32 s3, $0x4  }
0xc: {  	s11 =	sshrl.u32 s19, $0x1;
	s3 =	sor.u32 s21, s3;
	s12 =	sshrl.u32 s12, $0x2  }
0xd: {  	s15 =	sadd.s32 $0x100, s10;
	s17 =	sadd.s32 $0x180, s10;
	s5 =	sadd.s32 s5, s0  }
0xe: {  	s6 =	sadd.s32 s18, s0;
	s7 =	ssub.s32 s19, s11;
	s22 =	smul.u32 $0x2700, s3  }
0xf: {  	s13 =	smin.u32 s3, $0x2;
	p0 =	slt.u32 s3, $0x2;
	s11 =	sadd.s32 $0x80, s10  }
0x10: {  	s16 =	sshll.u32 s15, $0x4;
	s23 =	sshll.u32 s13, $0x8;
	s13 =	simm.s32 $0x28  }
0x11: {  	s5 =	sadd.s32 $0x15800, s5;
	s14 =	sshll.u32 s11, $0x4;
	s13 =	simm.s32 @!p0 $0x27  }
0x12: {  	s10 =	sadd.s32 $0x200, s10;
	s25 =	sadd.s32 s14, s5;
	[dreg:$0x7] =	wrdreg s13  }
0x13: {  	s18 =	sshll.u32 s17, $0x4;
	s26 =	sadd.s32 s16, s5;
	[dreg:$0x9] =	wrdreg s25  }
0x14: {  	s6 =	sadd.s32 $0x14E00, s6;
	s28 =	sadd.s32 s18, s5;
	[dreg:$0xa] =	wrdreg s26  }
0x15: {  	s19 =	sshll.u32 s10, $0x4;
	s18 =	sadd.s32 s12, s2;
	[dreg:$0xb] =	wrdreg s28  }
0x16: {  	s3 =	sadd.s32 s22, s23;
	s13 =	sadd.s32 s24, s5;
	[dreg:$0xd] =	wrdreg s18  }
0x17: {  	p0 =	sgt.u32 s21, $0x9;
	s5 =	sadd.s32 s19, s5;
	[dreg:$0x8] =	wrdreg s13  }
0x18: {  	s14 =	sshrl.u32 s3, $0x3;
	s28 =	sadd.s32 $0x100, s3;
	[dreg:$0xc] =	wrdreg s5  }
0x19: {  	s26 =	sshll.u32 s11, $0x7;
	s3 =	sadd.s32 $0x180, s3;
	[dreg:$0x16] =	wrdreg s28  }
0x1a: {  	s11 =	sshll.u32 s17, $0x7;
	s17 =	sadd.s32 $0x4000, s18;
	[dreg:$0x17] =	wrdreg s3  }
0x1b: {  	s19 =	sadd.s32 $0x608, s0;
	s16 =	sadd.s32 s8, s14;
	[dreg:$0x1e] =	wrdreg s17  }
0x1c: {  	s5 =	sshll.u32 s21, $0x7;
	s0 =	sadd.s32 s14, s19;
	[dreg:$0x10] =	wrdreg s16  }
0x1d: {  	s13 =	sshll.u32 s21, $0xA;
	s28 =	sadd.s32 $0x12000, s18;
	[dreg:$0x12] =	wrdreg s0  }
0x1e: {  	s22 =	sor.u32 $0x10, s14;
	s5 =	sadd.s32 @!p0 s5, s6;
	[smem:$0x7FD] =	sst s28  }
0x1f: {  	s21 =	sadd.s32 s13, s20;
	s20 =	sadd.s32 s9, s14;
	[dreg:$0xe] =	wrdreg s5  }
0x20: {  	s12 =	sshll.u32 s10, $0x7;
	s23 =	sadd.s32 s8, s22;
	[dreg:$0x11] =	wrdreg s20  }
0x21: {  	s17 =	simm.s32 $0x0;
	s24 =	sadd.s32 s9, s22;
	[dreg:$0x13] =	wrdreg s23  }
0x22: {  	s25 =	sadd.s32 s22, s19;
	s6 =	smax.u32 s7, $0x1;
	[dreg:$0x14] =	wrdreg s24  }
0x23: {  	s0 =	sadd.s32 s26, s2;
	s7 =	sshll.u32 s15, $0x7;
	[dreg:$0x15] =	wrdreg s25  }
0x24: {  	s16 =	sadd.s32 $0x2000, s18;
	s22 =	sadd.s32 $0x8000, s18;
	[dreg:$0x18] =	wrdreg s6  }
0x25: {  	s26 =	sadd.s32 $0x10000, s18;
	s3 =	sadd.s32 s7, s2;
	[dreg:$0x1d] =	wrdreg s16  }
0x26: {  	s5 =	sadd.s32 s11, s2;
	s6 =	sadd.s32 s12, s2;
	[smem:$0x7F8] =	sst s22  }
0x27: {  	s0 =	sshrl.u32 s0, $0x3;
	s20 =	sadd.s32 $0x6000, s18;
	[smem:$0x7FC] =	sst s26  }
0x28: {  	s23 =	sadd.s32 $0xA000, s18;
	s24 =	sadd.s32 $0xC000, s18;
	[dreg:$0xf] =	wrdreg s21  }
0x29: {  	s25 =	sadd.s32 $0xE000, s18;
	s22 =	simm.s32 $0x2A80;
	[dreg:$0x19] =	wrdreg s0  }
0x2a: {  	s7 =	simm.s32 $0x280;
	s11 =	simm.s32 $0x5200;
	[dreg:$0x1f] =	wrdreg s20  }
0x2b: {  	s12 =	simm.s32 $0x2;
	s13 =	sshrl.u32 s3, $0x3;
	[smem:$0x7F9] =	sst s23  }
0x2c: {  	s14 =	sshrl.u32 s5, $0x3;
	s15 =	sshrl.u32 s6, $0x3;
	[smem:$0x7FA] =	sst s24  }
0x2d: {  	[smem:$0x7FB] =	sst s25;
	s20 =	simm.s32 $0x300;
	s24 =	simm.s32 $0x7  }
0x2e: {  	s23 =	simm.s32 $0x5280;
	s25 =	simm.s32 $0x180;
	[dreg:$0x1a] =	wrdreg s13  }
0x2f: {  	v0 =	vlaneseq.u32;
	s0 =	simm.s32 $0x80;
	s3 =	simm.s32 $0x200;
	[dreg:$0x1b] =	wrdreg s14  }
0x30: {  	v1 =	vimm.f32 $0.0e+00;
	v2 =	vor.u32 $0x10, v0;
	s5 =	simm.s32 $0x1;
	s6 =	simm.s32 $0x9280;
	[dreg:$0x1c] =	wrdreg s15  }
0x31: {  	v3 =	vor.u32 $0x20, v0;
	v4 =	vor.u32 $0x30, v0;
	v5 =	vor.u32 $0x40, v0;
	s13 =	simm.s32 $0x3;
	s14 =	simm.s32 $0x6;
	s15 =	simm.s32 $0x4  }
.LBB2_1:
0x32: {  	s10 =	rddreg [dreg:$0x5]  }
0x33: {  	[tilespmem:s20], [sflag:$0x7] =	stream.linear.gather [hbm4b:s10+s4], $0x2780, $0x38;
	[tilespmem:$0x1FD80] =	vst v63  }
0x34: {  	_ =	swait.ge [sflag:s24], $0x2780  }
0x35: {  	[sflag:s24] =	ssyncset.done $0x0  }
0x36: {  	s28 =	rddreg [dreg:$0x6];
	[sflag:s24] =	ssyncadd.s32 $0xFFFFD880  }
0x37: {  	[tilespmem:s22], [sflag:$0x7] =	stream.linear.gather [hbm4b:s28+s4], $0x2780, $0x38;
	[tilespmem:$0x1FD80] =	vst v63  }
0x38: {  	_ =	swait.ge [sflag:s24], $0x2780  }
0x39: {  	[sflag:s24] =	ssyncset.done $0x0  }
0x3a: {  	s16 =	simm.s32 $0x200;
	s10 =	simm.s32 $0x0;
	[sflag:s24] =	ssyncadd.s32 $0xFFFFD880  }
.LBB2_2:
0x3b: {  	p1 =	sne.s32 s16, $0x7E00;
	[tilespmem:s10+$0x52F0] =	vst v1  }
0x3c: {  	[tilespmem:s10+$0x5280] =	vst v1  }
0x3d: {  	[tilespmem:s10+$0x5290] =	vst v1  }
.Ltmp0:
0x3e: {  	[tilespmem:s10+$0x52A0] =	vst v1;
	(pc) =	sbr.rel @p1 .LBB2_2-.Ltmp0, $4  }
0x3f: {  	[tilespmem:s10+$0x52B0] =	vst v1  }
0x40: {  	[tilespmem:s10+$0x52C0] =	vst v1  }
0x41: {  	[tilespmem:s10+$0x52D0] =	vst v1  }
0x42: {  	[tilespmem:s10+$0x52E0] =	vst v1;
	s10 =	sshra.s32 s16, $0x2;
	s16 =	sadd.s32 $0x200, s16  }
0x43: {  	[tilespmem:s10+$0x52F0] =	vst v1  }
0x44: {  	[tilespmem:s10+$0x5280] =	vst v1  }
0x45: {  	[tilespmem:s10+$0x5290] =	vst v1  }
0x46: {  	[tilespmem:s10+$0x52A0] =	vst v1  }
0x47: {  	[tilespmem:s10+$0x52B0] =	vst v1  }
0x48: {  	[tilespmem:s10+$0x52C0] =	vst v1  }
0x49: {  	[tilespmem:s10+$0x52D0] =	vst v1  }
0x4a: {  	[smem:$0x7F7] =	sst s17;
	[tilespmem:s10+$0x52E0] =	vst v1;
	s10 =	simm.s32 $0x0;
	s16 =	simm.s32 $0x200  }
.LBB2_4:
0x4b: {  	p1 =	sne.s32 s16, $0x9E00;
	[tilespmem:s10+$0x92F0] =	vst v1  }
0x4c: {  	[tilespmem:s10+$0x9280] =	vst v1  }
0x4d: {  	[tilespmem:s10+$0x9290] =	vst v1  }
.Ltmp1:
0x4e: {  	[tilespmem:s10+$0x92A0] =	vst v1;
	(pc) =	sbr.rel @p1 .LBB2_4-.Ltmp1, $4  }
0x4f: {  	[tilespmem:s10+$0x92B0] =	vst v1  }
0x50: {  	[tilespmem:s10+$0x92C0] =	vst v1  }
0x51: {  	[tilespmem:s10+$0x92D0] =	vst v1  }
0x52: {  	[tilespmem:s10+$0x92E0] =	vst v1;
	s10 =	sshra.s32 s16, $0x2;
	s16 =	sadd.s32 $0x200, s16  }
0x53: {  	[tilespmem:s10+$0x92F0] =	vst v1  }
0x54: {  	[tilespmem:s10+$0x9280] =	vst v1  }
0x55: {  	[tilespmem:s10+$0x9290] =	vst v1  }
0x56: {  	[tilespmem:s10+$0x92A0] =	vst v1  }
0x57: {  	[tilespmem:s10+$0x92B0] =	vst v1  }
0x58: {  	[tilespmem:s10+$0x92C0] =	vst v1  }
0x59: {  	[tilespmem:s10+$0x92D0] =	vst v1  }
0x5a: {  	[tilespmem:s10+$0x92E0] =	vst v1  }
0x5b: {  	[tilespmem:$0xBA80] =	vst v0  }
0x5c: {  	[tilespmem:$0xBA90] =	vst v2  }
0x5d: {  	[tilespmem:$0xBAA0] =	vst v3  }
0x5e: {  	[tilespmem:$0xBAB0] =	vst v4  }
0x5f: {  	[tilespmem:$0xBAC0] =	vst v5  }
0x60: {  	[spmem:s18] =	stream.linear.scatter [tilespmem:s23], [sflag:$0x7], $0x2000, $0x38;
	[tilespmem:$0x1FD80] =	vst v63  }
0x61: {  	_ =	swait.ge [sflag:s24], $0x2000  }
0x62: {  	[sflag:s24] =	ssyncset.done $0x0  }
0x63: {  	s17 =	rddreg [dreg:$0x1d];
	[sflag:s24] =	ssyncadd.s32 $0xFFFFE000  }
0x64: {  	[spmem:s17] =	stream.linear.scatter [tilespmem:s23], [sflag:$0x7], $0x2000, $0x38;
	[tilespmem:$0x1FD80] =	vst v63  }
0x65: {  	_ =	swait.ge [sflag:s24], $0x2000  }
0x66: {  	[sflag:s24] =	ssyncset.done $0x0  }
0x67: {  	s18 =	rddreg [dreg:$0x1e];
	[sflag:s24] =	ssyncadd.s32 $0xFFFFE000  }
0x68: {  	[spmem:s18] =	stream.linear.scatter [tilespmem:s23], [sflag:$0x7], $0x2000, $0x38;
	[tilespmem:$0x1FD80] =	vst v63  }
0x69: {  	_ =	swait.ge [sflag:s24], $0x2000  }
0x6a: {  	[sflag:s24] =	ssyncset.done $0x0  }
0x6b: {  	s26 =	rddreg [dreg:$0x1f];
	[sflag:s24] =	ssyncadd.s32 $0xFFFFE000  }
0x6c: {  	[spmem:s26] =	stream.linear.scatter [tilespmem:s23], [sflag:$0x7], $0x2000, $0x38;
	[tilespmem:$0x1FD80] =	vst v63  }
0x6d: {  	_ =	swait.ge [sflag:s24], $0x2000  }
0x6e: {  	s28 =	sld [smem:$0x7F8]  }
0x6f: {  	[sflag:s24] =	ssyncset.done $0x0  }
0x70: {  	[sflag:s24] =	ssyncadd.s32 $0xFFFFE000  }
0x71: {  	[spmem:s28] =	stream.linear.scatter [tilespmem:s23], [sflag:$0x7], $0x2000, $0x38;
	[tilespmem:$0x1FD80] =	vst v63  }
0x72: {  	_ =	swait.ge [sflag:s24], $0x2000  }
0x73: {  	s16 =	sld [smem:$0x7F9]  }
0x74: {  	[sflag:s24] =	ssyncset.done $0x0  }
0x75: {  	[sflag:s24] =	ssyncadd.s32 $0xFFFFE000  }
0x76: {  	[spmem:s16] =	stream.linear.scatter [tilespmem:s23], [sflag:$0x7], $0x2000, $0x38;
	[tilespmem:$0x1FD80] =	vst v63  }
0x77: {  	_ =	swait.ge [sflag:s24], $0x2000  }
0x78: {  	s17 =	sld [smem:$0x7FA]  }
0x79: {  	[sflag:s24] =	ssyncset.done $0x0  }
0x7a: {  	[sflag:s24] =	ssyncadd.s32 $0xFFFFE000  }
0x7b: {  	[spmem:s17] =	stream.linear.scatter [tilespmem:s23], [sflag:$0x7], $0x2000, $0x38;
	[tilespmem:$0x1FD80] =	vst v63  }
0x7c: {  	_ =	swait.ge [sflag:s24], $0x2000  }
0x7d: {  	s18 =	sld [smem:$0x7FB]  }
0x7e: {  	[sflag:s24] =	ssyncset.done $0x0  }
0x7f: {  	[sflag:s24] =	ssyncadd.s32 $0xFFFFE000  }
0x80: {  	[spmem:s18] =	stream.linear.scatter [tilespmem:s23], [sflag:$0x7], $0x2000, $0x38;
	[tilespmem:$0x1FD80] =	vst v63  }
0x81: {  	_ =	swait.ge [sflag:s24], $0x2000  }
0x82: {  	s26 =	sld [smem:$0x7FC]  }
0x83: {  	[sflag:s24] =	ssyncset.done $0x0  }
0x84: {  	[sflag:s24] =	ssyncadd.s32 $0xFFFFE000  }
0x85: {  	[spmem:s26] =	stream.linear.scatter [tilespmem:s23], [sflag:$0x7], $0x2000, $0x38;
	[tilespmem:$0x1FD80] =	vst v63  }
0x86: {  	_ =	swait.ge [sflag:s24], $0x2000  }
0x87: {  	s28 =	sld [smem:$0x7FD]  }
0x88: {  	[sflag:s24] =	ssyncset.done $0x0  }
0x89: {  	[sflag:s24] =	ssyncadd.s32 $0xFFFFE000  }
0x8a: {  	[spmem:s28] =	stream.linear.scatter [tilespmem:s23], [sflag:$0x7], $0x2000, $0x38;
	[tilespmem:$0x1FD80] =	vst v63  }
0x8b: {  	_ =	swait.ge [sflag:s24], $0x2000  }
0x8c: {  	[sflag:s24] =	ssyncset.done $0x0  }
0x8d: {  	s10 =	simm.s32 @!p0 $0x5280;
	[sflag:s24] =	ssyncadd.s32 $0xFFFFE000  }
0x8e: {  	[spmem:s21] =	stream.linear.scatter @!p0 [tilespmem:s10], [sflag:$0x7], $0x400, $0x38;
	[tilespmem:$0x1FD80] =	vst v63  }
0x8f: {  	s10 =	simm.s32 @!p0 $0x7  }
0x90: {  	_ =	swait.ge @!p0 [sflag:s10], $0x400  }
0x91: {  	[sflag:s10] =	ssyncset.done @!p0 $0x0  }
0x92: {  	[sflag:s10] =	ssyncadd.s32 @!p0 $0xFFFFFC00;
	s10 =	simm.s32 $0x0  }
0x93: {  	v6 =	vimm.f32 $-1.000000020e+30;
	v7 =	vimm.f32 $-1.000000020e+30;
	s16 =	simm.s32 $0x40;
	v8 =	vld [tilespmem:s10+$0x300]  }
.LBB2_6:
0x94: {  	p1 =	sne.s32 s16, $0x9C00  }
.Ltmp2:
0x95: {  	_ = 	snop;
	(pc) =	sbr.rel @p1 .LBB2_6-.Ltmp2, $3  }
0x96: {  	_ =	sdelay $0x1  }
0x97: {  	s17 =	sshra.s32 s16, $0x2;
	s16 =	sadd.s32 $0x40, s16;
	v7 =	vmax.f32 v7, v8  }
0x98: {  	v8 =	vld [tilespmem:s17+$0x300]  }
0x99: {  	_ =	sdelay $0x3  }
0x9a: {  	s16 =	simm.s32 $0x40;
	v7 =	vmax.f32 v7, v8;
	v8 =	vld [tilespmem:s10+$0x2A80]  }
.LBB2_8:
0x9b: {  	p1 =	sne.s32 s16, $0x9C00  }
.Ltmp3:
0x9c: {  	_ = 	snop;
	(pc) =	sbr.rel @p1 .LBB2_8-.Ltmp3, $3  }
0x9d: {  	_ =	sdelay $0x1  }
0x9e: {  	s10 =	sshra.s32 s16, $0x2;
	s16 =	sadd.s32 $0x40, s16;
	v6 =	vmax.f32 v6, v8  }
0x9f: {  	v8 =	vld [tilespmem:s10+$0x2A80]  }
0xa0: {  	_ =	sdelay $0x3  }
0xa1: {  	(xrf0) =	vmax.scan.msk.f32 $0xffff, v7;
	v6 =	vmax.f32 v6, v8  }
0xa2: {  	(xrf0) =	vmax.scan.msk.f32 $0xffff, v6;
	_ =	sdelay $0x4  }
0xa3: {  	v6, _, _ =	vpop (xrf0)  }
0xa4: {  	(v2sf) =	vpush v6, $0xF;
	v6, _, _ =	vpop (xrf0)  }
0xa5: {  	(v2sf) =	vpush v6, $0xF;
	_ =	sdelay $0xd  }
0xa6: {  	s10 =	spop (v2sf)  }
0xa7: {  	s16 =	spop (v2sf)  }
0xa8: {  	[bflag:$0x0] =	sbarrier.arrive $0xFFFF  }
0xa9: {  	s21 =	simm.s32 $0x0;
	s17 =	rddreg [dreg:$0x10]  }
0xaa: {  	[tilespmem:s21], [sflag:$0x5] =	stream.linear.gather [hbm4b:s17+s21], $0x80, $0x38;
	[tilespmem:$0x1FD80] =	vst v63  }
0xab: {  	s18 =	simm.s32 $0x100;
	s28 =	rddreg [dreg:$0x11]  }
0xac: {  	[tilespmem:s18], [sflag:$0x5] =	stream.linear.gather [hbm4b:s28+s21], $0x40, $0x38;
	[tilespmem:$0x1FD80] =	vst v63  }
0xad: {  	s18 =	rddreg [dreg:$0x12]  }
0xae: {  	[tilespmem:s25], [sflag:$0x5] =	stream.linear.gather [hbm4b:s18+s21], $0x40, $0x38;
	[tilespmem:$0x1FD80] =	vst v63  }
0xaf: {  	_ =	swait.ge [sflag:s29], $0x80  }
0xb0: {  	[sflag:s29] =	ssyncset.done $0x0  }
0xb1: {  	[sflag:s29] =	ssyncadd.s32 $0xFFFFFF80  }
0xb2: {  	_ =	swait.ge [sflag:s29], $0x40  }
0xb3: {  	[sflag:s29] =	ssyncset.done $0x0  }
0xb4: {  	[sflag:s29] =	ssyncadd.s32 $0xFFFFFFC0  }
0xb5: {  	_ =	swait.ge [sflag:s29], $0x40  }
0xb6: {  	[sflag:s29] =	ssyncset.done $0x0  }
0xb7: {  	[sflag:s29] =	ssyncadd.s32 $0xFFFFFFC0  }
0xb8: {  	[tilespmem:s23], [sflag:$0x1] =	stream.indirect.gather [hbm4b:s1+s30], $0x80, s21, s30, $0xb8;
	[tilespmem:$0x1FD80] =	vst v63  }
0xb9: {  	s10 =	sadd.f32 s16, s10  }
0xba: {  	[tilespmem:s31], [sflag:$0x2] =	stream.indirect.gather [hbm4b:s1+s30], $0x80, s30, s30, $0xb8;
	[tilespmem:$0x1FD80] =	vst v63  }
0xbb: {  	s10 =	smax.f32 s10, $0.0e+00;
	s24 =	rddreg [dreg:$0x13]  }
0xbc: {  	[tilespmem:s0], [sflag:$0x6] =	stream.linear.gather [hbm4b:s24+s21], $0x80, $0x38;
	[tilespmem:$0x1FD80] =	vst v63  }
0xbd: {  	v6 =	vmov s10;
	s26 =	rddreg [dreg:$0x14]  }
0xbe: {  	v6 =	vadd.f32 $0.0e+00, v6;
	[tilespmem:s3], [sflag:$0x6] =	stream.linear.gather [hbm4b:s26+s21], $0x40, $0x38;
	[tilespmem:$0x1FD80] =	vst v63  }
0xbf: {  	s18 =	simm.s32 $0x0;
	s28 =	rddreg [dreg:$0x15]  }
0xc0: {  	v6 =	vbroadcast v6, $0x0;
	[tilespmem:s7], [sflag:$0x6] =	stream.linear.gather [hbm4b:s28+s21], $0x40, $0x38;
	[tilespmem:$0x1FD80] =	vst v63  }
.LBB2_10:
0xc1: {  	_ =	swait.ge [sflag:s5], $0x2000  }
0xc2: {  	[sflag:s5] =	ssyncset.done $0x0  }
0xc3: {  	[sflag:s5] =	ssyncadd.s32 $0xFFFFE000  }
0xc4: {  	v7 =	vld [tilespmem:$0x0]  }
0xc5: {  	v8 =	vld [tilespmem:$0x100];
	_ =	sdelay $0x6  }
0xc6: {  	v7 =	vld.idx.msk [tilespmem:v7+s20+$0x0], $0xffff  }
0xc7: {  	v9 =	vld.idx.msk [tilespmem:v8+s22+$0x0], $0xffff;
	_ =	sdelay $0x4  }
0xc8: {  	v7 =	vadd.f32 v9, v7;
	_ =	sdelay $0x1  }
0xc9: {  	v9 =	vmul.f32 $2.000000030e-01, v7  }
0xca: {  	vm0 =	vgt.f32 v7, $0.0e+00  }
0xcb: {  	v7 =	vsel vm0, v7, v9  }
0xcc: {  	v7 =	vsub.f32 v7, v6;
	_ =	sdelay $0x1  }
0xcd: {  	v7 =	vmul.f32 $1.442695020e+00, v7;
	_ =	sdelay $0x1  }
0xce: {  	(erf) = vpow2.f32 v7;
	_ =	sdelay $0x8  }
0xcf: {  	v7 =	vpop (erf)  }
0xd0: {  	[tilespmem:$0x5200] =	vst v7  }
0xd1: {  	[tilespmem:v8+s6+$0x0] =	vst.idx.add.f32.msk $0xffff, v7  }
0xd2: {  	v7 =	vld [tilespmem:$0x10]  }
0xd3: {  	v8 =	vld [tilespmem:$0x110];
	_ =	sdelay $0x6  }
0xd4: {  	v7 =	vld.idx.msk [tilespmem:v7+s20+$0x0], $0xffff  }
0xd5: {  	v9 =	vld.idx.msk [tilespmem:v8+s22+$0x0], $0xffff;
	_ =	sdelay $0x4  }
0xd6: {  	v7 =	vadd.f32 v9, v7;
	_ =	sdelay $0x1  }
0xd7: {  	v9 =	vmul.f32 $2.000000030e-01, v7  }
0xd8: {  	vm13 =	vgt.f32 v7, $0.0e+00  }
0xd9: {  	v7 =	vsel vm13, v7, v9  }
0xda: {  	v7 =	vsub.f32 v7, v6;
	_ =	sdelay $0x1  }
0xdb: {  	v7 =	vmul.f32 $1.442695020e+00, v7;
	_ =	sdelay $0x1  }
0xdc: {  	(erf) = vpow2.f32 v7;
	_ =	sdelay $0x8  }
0xdd: {  	v7 =	vpop (erf)  }
0xde: {  	[tilespmem:$0x5210] =	vst v7  }
0xdf: {  	[tilespmem:v8+s6+$0x0] =	vst.idx.add.f32.msk $0xffff, v7  }
0xe0: {  	v7 =	vld [tilespmem:$0x20]  }
0xe1: {  	v8 =	vld [tilespmem:$0x120];
	_ =	sdelay $0x6  }
0xe2: {  	v7 =	vld.idx.msk [tilespmem:v7+s20+$0x0], $0xffff  }
0xe3: {  	v9 =	vld.idx.msk [tilespmem:v8+s22+$0x0], $0xffff;
	_ =	sdelay $0x4  }
0xe4: {  	v7 =	vadd.f32 v9, v7;
	_ =	sdelay $0x1  }
0xe5: {  	v9 =	vmul.f32 $2.000000030e-01, v7  }
0xe6: {  	vm14 =	vgt.f32 v7, $0.0e+00  }
0xe7: {  	v7 =	vsel vm14, v7, v9  }
0xe8: {  	v7 =	vsub.f32 v7, v6;
	_ =	sdelay $0x1  }
0xe9: {  	v7 =	vmul.f32 $1.442695020e+00, v7;
	_ =	sdelay $0x1  }
0xea: {  	(erf) = vpow2.f32 v7;
	_ =	sdelay $0x8  }
0xeb: {  	v7 =	vpop (erf)  }
0xec: {  	[tilespmem:$0x5220] =	vst v7  }
0xed: {  	[tilespmem:v8+s6+$0x0] =	vst.idx.add.f32.msk $0xffff, v7  }
0xee: {  	v7 =	vld [tilespmem:$0x30]  }
0xef: {  	v8 =	vld [tilespmem:$0x130];
	_ =	sdelay $0x6  }
0xf0: {  	v7 =	vld.idx.msk [tilespmem:v7+s20+$0x0], $0xffff  }
0xf1: {  	v9 =	vld.idx.msk [tilespmem:v8+s22+$0x0], $0xffff;
	_ =	sdelay $0x4  }
0xf2: {  	v7 =	vadd.f32 v9, v7;
	_ =	sdelay $0x1  }
0xf3: {  	v9 =	vmul.f32 $2.000000030e-01, v7  }
0xf4: {  	vm15 =	vgt.f32 v7, $0.0e+00  }
0xf5: {  	v7 =	vsel vm15, v7, v9  }
0xf6: {  	v7 =	vsub.f32 v7, v6;
	_ =	sdelay $0x1  }
0xf7: {  	v7 =	vmul.f32 $1.442695020e+00, v7;
	_ =	sdelay $0x1  }
0xf8: {  	(erf) = vpow2.f32 v7;
	_ =	sdelay $0x2  }
0xf9: {  	s10 =	simm.s32 $0x0  }
0xfa: {  	s17 =	simm.s32 $0x2;
	v7 =	vmov s10  }
0xfb: {  	v9 =	vmov s17;
	v7 =	vand.u32 $0xFFFFFFFC, v7  }
0xfc: {  	v9 =	vand.u32 $0xFFFFFFFE, v9;
	v7 =	vbroadcast v7, $0x0  }
0xfd: {  	v9 =	vbroadcast v9, $0x0;
	_ =	sdelay $0x1  }
0xfe: {  	v10 =	vpop (erf)  }
0xff: {  	[tilespmem:$0x5230] =	vst v10  }
0x100: {  	[tilespmem:v8+s6+$0x0] =	vst.idx.add.f32.msk $0xffff, v10  }
0x101: {  	v7 =	vld.idx.msk [tilespmem:v7+s11+$0x0], $0xffff  }
0x102: {  	s17 =	simm.s32 $0x5380;
	v8 =	vld.idx.msk [tilespmem:v9+s11+$0x0], $0xffff  }
0x103: {  	v10 =	vld [tilespmem:s17+$0x70]  }
0x104: {  	v11 =	vld [tilespmem:s17+$0xFFFFFF00]  }
0x105: {  	s21 =	simm.s32 $0x1;
	v12 =	vld [tilespmem:s17+$0xFFFFFF10]  }
0x106: {  	v9 =	vmov s21;
	v13 =	vld [tilespmem:s17+$0xFFFFFF20]  }
0x107: {  	v14 =	vld [tilespmem:s17+$0xFFFFFF30];
	v9 =	vand.u32 $0xFFFFFFFD, v9  }
0x108: {  	v15 =	vld [tilespmem:s17+$0xFFFFFF40];
	v9 =	vbroadcast v9, $0x0  }
0x109: {  	v16 =	vld [tilespmem:s17+$0xFFFFFF50]  }
0x10a: {  	v17 =	vld [tilespmem:s17+$0xFFFFFF60];
	v11 =	vmul.f32 v11, v7  }
0x10b: {  	v19 =	vld [tilespmem:s17+$0x40];
	v10 =	vmul.f32 v10, v8  }
0x10c: {  	[tilespmem:s17+$0xFFFFFF00] =	vst v11;
	v11 =	vmul.f32 v12, v7;
	v12 =	vld [tilespmem:s17+$0xFFFFFF70]  }
0x10d: {  	[tilespmem:s17+$0x70] =	vst v10;
	v10 =	vmul.f32 v13, v7;
	v13 =	vld [tilespmem:s17+$0xFFFFFF80]  }
0x10e: {  	v9 =	vld.idx.msk [tilespmem:v9+s11+$0x0], $0xffff;
	[tilespmem:s17+$0xFFFFFF10] =	vst v11;
	v11 =	vmul.f32 v14, v7  }
0x10f: {  	v14 =	vld [tilespmem:s17+$0xFFFFFF90];
	[tilespmem:s17+$0xFFFFFF20] =	vst v10;
	v10 =	vmul.f32 v15, v7  }
0x110: {  	v15 =	vld [tilespmem:s17+$0xFFFFFFA0];
	[tilespmem:s17+$0xFFFFFF30] =	vst v11;
	v11 =	vmul.f32 v16, v7  }
0x111: {  	v16 =	vld [tilespmem:s17+$0xFFFFFFB0];
	[tilespmem:s17+$0xFFFFFF40] =	vst v10;
	v10 =	vmul.f32 v17, v7  }
0x112: {  	v17 =	vld [tilespmem:s17+$0xFFFFFFC0];
	v12 =	vmul.f32 v12, v7;
	[tilespmem:s17+$0xFFFFFF50] =	vst v11  }
0x113: {  	v11 =	vmul.f32 v13, v9;
	v13 =	vld [tilespmem:s17+$0xFFFFFFD0];
	[tilespmem:s17+$0xFFFFFF60] =	vst v10  }
0x114: {  	s24 =	simm.s32 $0x3;
	v10 =	vld [tilespmem:s17+$0xFFFFFFE0];
	v14 =	vmul.f32 v14, v9;
	[tilespmem:s17+$0xFFFFFF70] =	vst v12  }
0x115: {  	v18 =	vmov s24;
	v12 =	vld [tilespmem:s17+$0xFFFFFFF0];
	[tilespmem:s17+$0xFFFFFF80] =	vst v11;
	v11 =	vmul.f32 v15, v9  }
0x116: {  	v15 =	vld [tilespmem:s17+$0x0];
	[tilespmem:s17+$0xFFFFFF90] =	vst v14;
	v14 =	vmul.f32 v16, v9  }
0x117: {  	v16 =	vld [tilespmem:s17+$0x10];
	[tilespmem:s17+$0xFFFFFFA0] =	vst v11;
	v11 =	vmul.f32 v17, v9  }
0x118: {  	[tilespmem:s17+$0xFFFFFFB0] =	vst v14;
	v13 =	vmul.f32 v13, v9;
	v14 =	vld [tilespmem:s17+$0x20]  }
0x119: {  	v17 =	vld [tilespmem:s17+$0x30];
	v10 =	vmul.f32 v10, v9;
	[tilespmem:s17+$0xFFFFFFC0] =	vst v11  }
0x11a: {  	v7 =	vld.idx.msk [tilespmem:v18+s11+$0x0], $0xffff;
	v9 =	vmul.f32 v12, v9;
	[tilespmem:s17+$0xFFFFFFD0] =	vst v13  }
0x11b: {  	[tilespmem:s17+$0xFFFFFFE0] =	vst v10;
	v11 =	vmul.f32 v15, v8;
	v10 =	vld [tilespmem:s17+$0x50]  }
0x11c: {  	s26 =	simm.s32 $0x4;
	[tilespmem:s17+$0xFFFFFFF0] =	vst v9;
	v12 =	vmul.f32 v16, v8;
	v9 =	vld [tilespmem:s17+$0x60]  }
0x11d: {  	s28 =	simm.s32 $0x7;
	v13 =	vmov s26;
	[tilespmem:s17+$0x0] =	vst v11;
	v15 =	vmul.f32 v14, v8;
	v14 =	vld [tilespmem:s17+$0x80]  }
0x11e: {  	s16 =	simm.s32 $0x5;
	v18 =	vand.u32 $0xFFFFFFFC, v13;
	v13 =	vld [tilespmem:s17+$0x90];
	v11 =	vmov s28;
	v16 =	vmul.f32 v17, v8;
	[tilespmem:s17+$0x10] =	vst v12  }
0x11f: {  	s10 =	simm.s32 $0x8;
	s21 =	simm.s32 $0x6;
	v17 =	vmul.f32 v19, v8;
	v12 =	vbroadcast v18, $0x0;
	v18 =	vmov s16;
	s16 =	simm.s32 $0x5380;
	[tilespmem:s17+$0x20] =	vst v15;
	v15 =	vld [tilespmem:s17+$0xA0]  }
.LBB2_11:
0x120: {  	p1 =	slt.u32 s10, $0x3C;
	v18 =	vand.u32 $0xFFFFFFFD, v18;
	v19 =	vmov s21;
	[tilespmem:s17+$0x30] =	vst v16;
	v10 =	vmul.f32 v10, v8;
	v16 =	vld [tilespmem:s17+$0xB0]  }
0x121: {  	v18 =	vbroadcast v18, $0x0;
	v19 =	vand.u32 $0xFFFFFFFE, v19;
	[tilespmem:s17+$0x40] =	vst v17;
	v8 =	vmul.f32 v9, v8;
	v9 =	vld [tilespmem:s17+$0xC0]  }
0x122: {  	v17 =	vbroadcast v19, $0x0;
	[tilespmem:s17+$0x50] =	vst v10;
	v10 =	vmul.f32 v14, v7;
	v14 =	vld [tilespmem:s17+$0xD0]  }
0x123: {  	[tilespmem:s17+$0x60] =	vst v8;
	v8 =	vmul.f32 v13, v7;
	v13 =	vld [tilespmem:s17+$0xE0]  }
0x124: {  	[tilespmem:s17+$0x80] =	vst v10;
	v10 =	vmul.f32 v15, v7;
	v15 =	vld [tilespmem:s17+$0xF0]  }
0x125: {  	v11 =	vld.idx.msk [tilespmem:v11+s11+$0x0], $0xffff;
	[tilespmem:s17+$0x90] =	vst v8;
	v8 =	vmul.f32 v16, v7  }
0x126: {  	v12 =	vld.idx.msk [tilespmem:v12+s11+$0x0], $0xffff;
	[tilespmem:s17+$0xA0] =	vst v10;
	v9 =	vmul.f32 v9, v7  }
0x127: {  	v10 =	vld.idx.msk [tilespmem:v18+s11+$0x0], $0xffff;
	[tilespmem:s17+$0xB0] =	vst v8;
	v14 =	vmul.f32 v14, v7  }
0x128: {  	s17 =	sadd.s32 $0x200, s17;
	v8 =	vld.idx.msk [tilespmem:v17+s11+$0x0], $0xffff;
	[tilespmem:s16+$0xC0] =	vst v9;
	v9 =	vmul.f32 v13, v7  }
0x129: {  	v13 =	vld [tilespmem:s17+$0x70];
	[tilespmem:s16+$0xD0] =	vst v14;
	v15 =	vmul.f32 v15, v7  }
0x12a: {  	v14 =	vld [tilespmem:s17+$0xFFFFFF00];
	[tilespmem:s16+$0xE0] =	vst v9  }
0x12b: {  	v7 =	vmov v11;
	v9 =	vld [tilespmem:s17+$0xFFFFFF10];
	[tilespmem:s16+$0xF0] =	vst v15;
	s16 =	smov.u32 s17  }
0x12c: {  	v11 =	vld [tilespmem:s17+$0xFFFFFF20]  }
0x12d: {  	v15 =	vld [tilespmem:s17+$0xFFFFFF30]  }
0x12e: {  	v16 =	vld [tilespmem:s17+$0xFFFFFF40];
	v13 =	vmul.f32 v13, v8  }
0x12f: {  	v14 =	vmul.f32 v14, v12;
	v17 =	vld [tilespmem:s17+$0xFFFFFF50]  }
0x130: {  	v9 =	vmul.f32 v9, v12;
	v18 =	vld [tilespmem:s17+$0xFFFFFF60];
	[tilespmem:s17+$0x70] =	vst v13  }
0x131: {  	[tilespmem:s17+$0xFFFFFF00] =	vst v14;
	v11 =	vmul.f32 v11, v12;
	v13 =	vld [tilespmem:s17+$0xFFFFFF70]  }
0x132: {  	[tilespmem:s17+$0xFFFFFF10] =	vst v9;
	v9 =	vmul.f32 v15, v12;
	v14 =	vld [tilespmem:s17+$0xFFFFFF80]  }
0x133: {  	[tilespmem:s17+$0xFFFFFF20] =	vst v11;
	v11 =	vmul.f32 v16, v12;
	v15 =	vld [tilespmem:s17+$0xFFFFFF90]  }
0x134: {  	[tilespmem:s17+$0xFFFFFF30] =	vst v9;
	v9 =	vmul.f32 v17, v12;
	v16 =	vld [tilespmem:s17+$0xFFFFFFA0]  }
0x135: {  	[tilespmem:s17+$0xFFFFFF40] =	vst v11;
	v11 =	vmul.f32 v18, v12;
	v17 =	vld [tilespmem:s17+$0xFFFFFFB0]  }
0x136: {  	[tilespmem:s17+$0xFFFFFF50] =	vst v9;
	v9 =	vmul.f32 v13, v12;
	v12 =	vld [tilespmem:s17+$0xFFFFFFC0]  }
0x137: {  	[tilespmem:s17+$0xFFFFFF60] =	vst v11;
	v11 =	vmul.f32 v14, v10;
	v13 =	vld [tilespmem:s17+$0xFFFFFFD0]  }
0x138: {  	[tilespmem:s17+$0xFFFFFF70] =	vst v9;
	v9 =	vmul.f32 v15, v10;
	v14 =	vld [tilespmem:s17+$0xFFFFFFE0]  }
0x139: {  	[tilespmem:s17+$0xFFFFFF80] =	vst v11;
	v11 =	vmul.f32 v16, v10;
	v15 =	vld [tilespmem:s17+$0xFFFFFFF0]  }
0x13a: {  	[tilespmem:s17+$0xFFFFFF90] =	vst v9;
	v9 =	vmul.f32 v17, v10;
	v16 =	vld [tilespmem:s17+$0x0]  }
0x13b: {  	[tilespmem:s17+$0xFFFFFFA0] =	vst v11;
	v11 =	vmul.f32 v12, v10;
	v12 =	vld [tilespmem:s17+$0x10]  }
0x13c: {  	[tilespmem:s17+$0xFFFFFFB0] =	vst v9;
	v9 =	vmul.f32 v13, v10;
	v13 =	vld [tilespmem:s17+$0x20]  }
0x13d: {  	[tilespmem:s17+$0xFFFFFFC0] =	vst v11;
	v11 =	vmul.f32 v14, v10;
	v17 =	vld [tilespmem:s17+$0x30]  }
0x13e: {  	[tilespmem:s17+$0xFFFFFFD0] =	vst v9;
	v9 =	vmul.f32 v15, v10;
	v15 =	vld [tilespmem:s17+$0x40]  }
.Ltmp4:
0x13f: {  	[tilespmem:s17+$0xFFFFFFE0] =	vst v11;
	v11 =	vmul.f32 v16, v8;
	v10 =	vld [tilespmem:s17+$0x50];
	(pc) =	sbr.rel @p1 .LBB2_11-.Ltmp4, $4  }
0x140: {  	[tilespmem:s17+$0xFFFFFFF0] =	vst v9;
	v12 =	vmul.f32 v12, v8;
	v9 =	vld [tilespmem:s17+$0x60]  }
0x141: {  	s21 =	sadd.s32 $0x3, s10;
	v16 =	vmov s10;
	[tilespmem:s17+$0x0] =	vst v11;
	v19 =	vmul.f32 v13, v8;
	v14 =	vld [tilespmem:s17+$0x80]  }
0x142: {  	s26 =	sadd.s32 $0x1, s10;
	v18 =	vand.u32 $0xFFFFFFFC, v16;
	v11 =	vmov s21;
	[tilespmem:s17+$0x10] =	vst v12;
	v16 =	vmul.f32 v17, v8;
	v13 =	vld [tilespmem:s17+$0x90]  }
0x143: {  	s21 =	sadd.s32 $0x2, s10;
	s10 =	sadd.s32 $0x4, s10;
	v12 =	vbroadcast v18, $0x0;
	v18 =	vmov s26;
	[tilespmem:s17+$0x20] =	vst v19;
	v17 =	vmul.f32 v15, v8;
	v15 =	vld [tilespmem:s17+$0xA0]  }
0x144: {  	v19 =	vld [tilespmem:s17+$0xB0]  }
0x145: {  	v21 =	vld [tilespmem:s17+$0xC0]  }
0x146: {  	v20 =	vmov s21;
	v22 =	vld [tilespmem:s17+$0xD0]  }
0x147: {  	v23 =	vld [tilespmem:s17+$0xE0];
	[tilespmem:s17+$0x30] =	vst v16;
	v10 =	vmul.f32 v10, v8;
	v20 =	vand.u32 $0xFFFFFFFE, v20  }
0x148: {  	v11 =	vld.idx.msk [tilespmem:v11+s11+$0x0], $0xffff;
	[tilespmem:s17+$0x40] =	vst v17;
	v8 =	vmul.f32 v9, v8;
	v20 =	vbroadcast v20, $0x0  }
0x149: {  	v18 =	vand.u32 $0xFFFFFFFD, v18;
	s10 =	sadd.s32 $0x200, s17;
	v9 =	vld.idx.msk [tilespmem:v12+s11+$0x0], $0xffff;
	v14 =	vmul.f32 v14, v7;
	[tilespmem:s17+$0x50] =	vst v10  }
0x14a: {  	v18 =	vbroadcast v18, $0x0;
	v16 =	vld [tilespmem:s10+$0xFFFFFF00];
	v10 =	vmul.f32 v13, v7;
	[tilespmem:s17+$0x60] =	vst v8  }
0x14b: {  	[tilespmem:s17+$0x80] =	vst v14;
	v14 =	vld [tilespmem:s17+$0xF0];
	v8 =	vmul.f32 v15, v7  }
0x14c: {  	v17 =	vld [tilespmem:s10+$0xFFFFFF10];
	[tilespmem:s17+$0x90] =	vst v10;
	v10 =	vmul.f32 v19, v7  }
0x14d: {  	v15 =	vld [tilespmem:s10+$0x70];
	[tilespmem:s17+$0xA0] =	vst v8;
	v8 =	vmul.f32 v21, v7  }
0x14e: {  	[tilespmem:s17+$0xB0] =	vst v10;
	v10 =	vmul.f32 v22, v7;
	v13 =	vld.idx.msk [tilespmem:v20+s11+$0x0], $0xffff  }
0x14f: {  	v61 =	vld [tilespmem:s10+$0xFFFFFF20];
	[tilespmem:s16+$0xC0] =	vst v8;
	v8 =	vmul.f32 v23, v7  }
0x150: {  	v12 =	vld.idx.msk [tilespmem:v18+s11+$0x0], $0xffff;
	[tilespmem:s16+$0xD0] =	vst v10;
	v7 =	vmul.f32 v14, v7  }
0x151: {  	v10 =	vld [tilespmem:s10+$0xFFFFFF30];
	[tilespmem:s16+$0xE0] =	vst v8  }
0x152: {  	v8 =	vld [tilespmem:s10+$0xFFFFFF40];
	[tilespmem:s16+$0xF0] =	vst v7;
	v7 =	vmul.f32 v16, v9  }
0x153: {  	v14 =	vmul.f32 v15, v13;
	v15 =	vld [tilespmem:s10+$0xFFFFFF50]  }
0x154: {  	v16 =	vmul.f32 v17, v9;
	v17 =	vld [tilespmem:s10+$0xFFFFFF60];
	[tilespmem:s10+$0xFFFFFF00] =	vst v7  }
0x155: {  	v7 =	vmul.f32 v61, v9;
	[tilespmem:s10+$0x70] =	vst v14;
	v14 =	vld [tilespmem:s10+$0xFFFFFF70]  }
0x156: {  	[tilespmem:s10+$0xFFFFFF10] =	vst v16;
	v16 =	vld [tilespmem:s10+$0xFFFFFF80];
	v10 =	vmul.f32 v10, v9  }
0x157: {  	[tilespmem:s10+$0xFFFFFF20] =	vst v7;
	v7 =	vmul.f32 v8, v9;
	v8 =	vld [tilespmem:s10+$0xFFFFFF90]  }
0x158: {  	[tilespmem:s10+$0xFFFFFF30] =	vst v10;
	v10 =	vmul.f32 v15, v9;
	v15 =	vld [tilespmem:s10+$0xFFFFFFA0]  }
0x159: {  	[tilespmem:s10+$0xFFFFFF40] =	vst v7;
	v7 =	vmul.f32 v17, v9;
	v17 =	vld [tilespmem:s10+$0xFFFFFFB0]  }
0x15a: {  	[tilespmem:s10+$0xFFFFFF50] =	vst v10;
	v9 =	vmul.f32 v14, v9;
	v10 =	vld [tilespmem:s10+$0xFFFFFFC0]  }
0x15b: {  	[tilespmem:s10+$0xFFFFFF60] =	vst v7;
	v7 =	vmul.f32 v16, v12;
	v14 =	vld [tilespmem:s10+$0xFFFFFFD0]  }
0x15c: {  	v8 =	vmul.f32 v8, v12;
	[tilespmem:s10+$0xFFFFFF70] =	vst v9;
	v9 =	vld [tilespmem:s10+$0xFFFFFFE0]  }
0x15d: {  	[tilespmem:s10+$0xFFFFFF80] =	vst v7;
	v7 =	vmul.f32 v15, v12;
	v15 =	vld [tilespmem:s10+$0xFFFFFFF0]  }
0x15e: {  	v16 =	vld [tilespmem:s10+$0x0];
	[tilespmem:s10+$0xFFFFFF90] =	vst v8;
	v8 =	vmul.f32 v17, v12  }
0x15f: {  	[tilespmem:s10+$0xFFFFFFA0] =	vst v7;
	v7 =	vmul.f32 v10, v12;
	v10 =	vld [tilespmem:s10+$0x10]  }
0x160: {  	[tilespmem:s10+$0xFFFFFFB0] =	vst v8;
	v8 =	vmul.f32 v14, v12;
	v14 =	vld [tilespmem:s10+$0x20]  }
0x161: {  	[tilespmem:s10+$0xFFFFFFC0] =	vst v7;
	v7 =	vmul.f32 v9, v12;
	v9 =	vld [tilespmem:s10+$0x30]  }
0x162: {  	[tilespmem:s10+$0xFFFFFFD0] =	vst v8;
	v8 =	vmul.f32 v15, v12;
	v12 =	vld [tilespmem:s10+$0x40]  }
0x163: {  	v15 =	vld [tilespmem:s10+$0x50];
	[tilespmem:s10+$0xFFFFFFE0] =	vst v7;
	v7 =	vmul.f32 v16, v13  }
0x164: {  	[tilespmem:s10+$0xFFFFFFF0] =	vst v8;
	v8 =	vmul.f32 v10, v13;
	v10 =	vld [tilespmem:s10+$0x60]  }
0x165: {  	[tilespmem:s10+$0x0] =	vst v7;
	v7 =	vmul.f32 v14, v13;
	v14 =	vld [tilespmem:s10+$0x80]  }
0x166: {  	[tilespmem:s10+$0x10] =	vst v8;
	v8 =	vmul.f32 v9, v13;
	v9 =	vld [tilespmem:s10+$0x90]  }
0x167: {  	[tilespmem:s10+$0x20] =	vst v7;
	v7 =	vmul.f32 v12, v13;
	v12 =	vld [tilespmem:s10+$0xA0]  }
0x168: {  	[tilespmem:s10+$0x30] =	vst v8;
	v8 =	vmul.f32 v15, v13;
	v15 =	vld [tilespmem:s10+$0xB0]  }
0x169: {  	[tilespmem:s10+$0x40] =	vst v7;
	v7 =	vmul.f32 v10, v13;
	v10 =	vld [tilespmem:s10+$0xC0]  }
0x16a: {  	v13 =	vld [tilespmem:s10+$0xD0];
	[tilespmem:s10+$0x50] =	vst v8;
	v8 =	vmul.f32 v14, v11  }
0x16b: {  	[tilespmem:s10+$0x60] =	vst v7;
	v7 =	vmul.f32 v9, v11;
	v9 =	vld [tilespmem:s10+$0xE0]  }
0x16c: {  	[tilespmem:s10+$0x80] =	vst v8;
	v8 =	vmul.f32 v12, v11;
	v12 =	vld [tilespmem:s10+$0xF0]  }
0x16d: {  	[tilespmem:s10+$0x90] =	vst v7;
	v7 =	vmul.f32 v15, v11  }
0x16e: {  	[tilespmem:s10+$0xA0] =	vst v8;
	v8 =	vmul.f32 v10, v11  }
0x16f: {  	[tilespmem:s10+$0xB0] =	vst v7;
	v7 =	vmul.f32 v13, v11  }
0x170: {  	[tilespmem:s10+$0xC0] =	vst v8;
	v8 =	vmul.f32 v9, v11  }
0x171: {  	[tilespmem:s10+$0xD0] =	vst v7;
	v7 =	vmul.f32 v12, v11  }
0x172: {  	[tilespmem:s10+$0xE0] =	vst v8  }
0x173: {  	s17 =	simm.s32 $0x100;
	[tilespmem:s10+$0xF0] =	vst v7  }
0x174: {  	[spmem:s2] =	stream.indirect.scatter.add.f32 [tilespmem:s23], [sflag:$0x3], $0x80, s17, s30, $0xb8;
	[tilespmem:$0x1FD80] =	vst v63  }
0x175: {  	_ =	swait.ge [sflag:s12], $0x2000  }
0x176: {  	[sflag:s12] =	ssyncset.done $0x0  }
0x177: {  	[sflag:s12] =	ssyncadd.s32 $0xFFFFE000  }
0x178: {  	v7 =	vld [tilespmem:$0x40]  }
0x179: {  	v8 =	vld [tilespmem:$0x180];
	_ =	sdelay $0x6  }
0x17a: {  	v7 =	vld.idx.msk [tilespmem:v7+s20+$0x0], $0xffff  }
0x17b: {  	v9 =	vld.idx.msk [tilespmem:v8+s22+$0x0], $0xffff;
	_ =	sdelay $0x4  }
0x17c: {  	v7 =	vadd.f32 v9, v7;
	_ =	sdelay $0x1  }
0x17d: {  	v9 =	vmul.f32 $2.000000030e-01, v7  }
0x17e: {  	vm0 =	vgt.f32 v7, $0.0e+00  }
0x17f: {  	v7 =	vsel vm0, v7, v9  }
0x180: {  	v7 =	vsub.f32 v7, v6;
	_ =	sdelay $0x1  }
0x181: {  	v7 =	vmul.f32 $1.442695020e+00, v7;
	_ =	sdelay $0x1  }
0x182: {  	(erf) = vpow2.f32 v7;
	_ =	sdelay $0x8  }
0x183: {  	v7 =	vpop (erf)  }
0x184: {  	[tilespmem:$0x5240] =	vst v7  }
0x185: {  	[tilespmem:v8+s6+$0x0] =	vst.idx.add.f32.msk $0xffff, v7  }
0x186: {  	v7 =	vld [tilespmem:$0x50]  }
0x187: {  	v8 =	vld [tilespmem:$0x190];
	_ =	sdelay $0x6  }
0x188: {  	v7 =	vld.idx.msk [tilespmem:v7+s20+$0x0], $0xffff  }
0x189: {  	v9 =	vld.idx.msk [tilespmem:v8+s22+$0x0], $0xffff;
	_ =	sdelay $0x4  }
0x18a: {  	v7 =	vadd.f32 v9, v7;
	_ =	sdelay $0x1  }
0x18b: {  	v9 =	vmul.f32 $2.000000030e-01, v7  }
0x18c: {  	vm13 =	vgt.f32 v7, $0.0e+00  }
0x18d: {  	v7 =	vsel vm13, v7, v9  }
0x18e: {  	v7 =	vsub.f32 v7, v6;
	_ =	sdelay $0x1  }
0x18f: {  	v7 =	vmul.f32 $1.442695020e+00, v7;
	_ =	sdelay $0x1  }
0x190: {  	(erf) = vpow2.f32 v7;
	_ =	sdelay $0x8  }
0x191: {  	v7 =	vpop (erf)  }
0x192: {  	[tilespmem:$0x5250] =	vst v7  }
0x193: {  	[tilespmem:v8+s6+$0x0] =	vst.idx.add.f32.msk $0xffff, v7  }
0x194: {  	v7 =	vld [tilespmem:$0x60]  }
0x195: {  	v8 =	vld [tilespmem:$0x1A0];
	_ =	sdelay $0x6  }
0x196: {  	v7 =	vld.idx.msk [tilespmem:v7+s20+$0x0], $0xffff  }
0x197: {  	v9 =	vld.idx.msk [tilespmem:v8+s22+$0x0], $0xffff;
	_ =	sdelay $0x4  }
0x198: {  	v7 =	vadd.f32 v9, v7;
	_ =	sdelay $0x1  }
0x199: {  	v9 =	vmul.f32 $2.000000030e-01, v7  }
0x19a: {  	vm14 =	vgt.f32 v7, $0.0e+00  }
0x19b: {  	v7 =	vsel vm14, v7, v9  }
0x19c: {  	v7 =	vsub.f32 v7, v6;
	_ =	sdelay $0x1  }
0x19d: {  	v7 =	vmul.f32 $1.442695020e+00, v7;
	_ =	sdelay $0x1  }
0x19e: {  	(erf) = vpow2.f32 v7;
	_ =	sdelay $0x8  }
0x19f: {  	v7 =	vpop (erf)  }
0x1a0: {  	[tilespmem:$0x5260] =	vst v7  }
0x1a1: {  	[tilespmem:v8+s6+$0x0] =	vst.idx.add.f32.msk $0xffff, v7  }
0x1a2: {  	v7 =	vld [tilespmem:$0x70]  }
0x1a3: {  	v8 =	vld [tilespmem:$0x1B0];
	_ =	sdelay $0x6  }
0x1a4: {  	v7 =	vld.idx.msk [tilespmem:v7+s20+$0x0], $0xffff  }
0x1a5: {  	v9 =	vld.idx.msk [tilespmem:v8+s22+$0x0], $0xffff;
	_ =	sdelay $0x4  }
0x1a6: {  	v7 =	vadd.f32 v9, v7;
	_ =	sdelay $0x1  }
0x1a7: {  	v9 =	vmul.f32 $2.000000030e-01, v7  }
0x1a8: {  	vm15 =	vgt.f32 v7, $0.0e+00  }
0x1a9: {  	v7 =	vsel vm15, v7, v9  }
0x1aa: {  	v7 =	vsub.f32 v7, v6;
	_ =	sdelay $0x1  }
0x1ab: {  	v7 =	vmul.f32 $1.442695020e+00, v7;
	_ =	sdelay $0x1  }
0x1ac: {  	(erf) = vpow2.f32 v7;
	_ =	sdelay $0x2  }
0x1ad: {  	s21 =	simm.s32 $0x40  }
0x1ae: {  	s24 =	simm.s32 $0x42;
	v7 =	vmov s21  }
0x1af: {  	v9 =	vmov s24;
	v7 =	vand.u32 $0xFFFFFFFC, v7  }
0x1b0: {  	v9 =	vand.u32 $0xFFFFFFFE, v9;
	v7 =	vbroadcast v7, $0x0  }
0x1b1: {  	v9 =	vbroadcast v9, $0x0;
	_ =	sdelay $0x1  }
0x1b2: {  	v10 =	vpop (erf)  }
0x1b3: {  	[tilespmem:$0x5270] =	vst v10  }
0x1b4: {  	[tilespmem:v8+s6+$0x0] =	vst.idx.add.f32.msk $0xffff, v10  }
0x1b5: {  	v8 =	vld.idx.msk [tilespmem:v7+s11+$0x0], $0xffff  }
0x1b6: {  	s16 =	simm.s32 $0x7380;
	v7 =	vld.idx.msk [tilespmem:v9+s11+$0x0], $0xffff  }
0x1b7: {  	v10 =	vld [tilespmem:s16+$0x70]  }
0x1b8: {  	v11 =	vld [tilespmem:s16+$0xFFFFFF00]  }
0x1b9: {  	s26 =	simm.s32 $0x41;
	v12 =	vld [tilespmem:s16+$0xFFFFFF10]  }
0x1ba: {  	v9 =	vmov s26;
	v13 =	vld [tilespmem:s16+$0xFFFFFF20]  }
0x1bb: {  	v14 =	vld [tilespmem:s16+$0xFFFFFF30];
	v9 =	vand.u32 $0xFFFFFFFD, v9  }
0x1bc: {  	v15 =	vld [tilespmem:s16+$0xFFFFFF40];
	v9 =	vbroadcast v9, $0x0  }
0x1bd: {  	v16 =	vld [tilespmem:s16+$0xFFFFFF50]  }
0x1be: {  	v17 =	vld [tilespmem:s16+$0xFFFFFF60];
	v11 =	vmul.f32 v11, v8  }
0x1bf: {  	v63 =	vld [tilespmem:s16+$0xFFFFFFD0];
	v10 =	vmul.f32 v10, v7  }
0x1c0: {  	[tilespmem:s16+$0xFFFFFF00] =	vst v11;
	v11 =	vmul.f32 v12, v8;
	v12 =	vld [tilespmem:s16+$0xFFFFFF70]  }
0x1c1: {  	s28 =	simm.s32 $0x43;
	[tilespmem:s16+$0x70] =	vst v10;
	v10 =	vmul.f32 v13, v8;
	v13 =	vld [tilespmem:s16+$0xFFFFFF80]  }
0x1c2: {  	v62 =	vmov s28;
	v9 =	vld.idx.msk [tilespmem:v9+s11+$0x0], $0xffff;
	[tilespmem:s16+$0xFFFFFF10] =	vst v11;
	v11 =	vmul.f32 v14, v8  }
0x1c3: {  	v14 =	vld [tilespmem:s16+$0xFFFFFF90];
	[tilespmem:s16+$0xFFFFFF20] =	vst v10;
	v10 =	vmul.f32 v15, v8  }
0x1c4: {  	v15 =	vld [tilespmem:s16+$0xFFFFFFA0];
	[tilespmem:s16+$0xFFFFFF30] =	vst v11;
	v11 =	vmul.f32 v16, v8  }
0x1c5: {  	v16 =	vld [tilespmem:s16+$0xFFFFFFB0];
	[tilespmem:s16+$0xFFFFFF40] =	vst v10;
	v10 =	vmul.f32 v17, v8  }
0x1c6: {  	v17 =	vld [tilespmem:s16+$0xFFFFFFC0];
	v12 =	vmul.f32 v12, v8;
	[tilespmem:s16+$0xFFFFFF50] =	vst v11  }
0x1c7: {  	v8 =	vld.idx.msk [tilespmem:v62+s11+$0x0], $0xffff;
	v11 =	vmul.f32 v13, v9;
	[tilespmem:s16+$0xFFFFFF60] =	vst v10  }
0x1c8: {  	v10 =	vld [tilespmem:s16+$0xFFFFFFE0];
	v13 =	vmul.f32 v14, v9;
	[tilespmem:s16+$0xFFFFFF70] =	vst v12  }
0x1c9: {  	v14 =	vld [tilespmem:s16+$0xFFFFFFF0];
	[tilespmem:s16+$0xFFFFFF80] =	vst v11;
	v11 =	vmul.f32 v15, v9  }
0x1ca: {  	[tilespmem:s16+$0xFFFFFF90] =	vst v13;
	v12 =	vmul.f32 v16, v9;
	v16 =	vld [tilespmem:s16+$0x0]  }
0x1cb: {  	v13 =	vld [tilespmem:s16+$0x10];
	[tilespmem:s16+$0xFFFFFFA0] =	vst v11;
	v11 =	vmul.f32 v17, v9  }
0x1cc: {  	v15 =	vmul.f32 v63, v9;
	[tilespmem:s16+$0xFFFFFFB0] =	vst v12;
	v12 =	vld [tilespmem:s16+$0x20]  }
0x1cd: {  	v17 =	vmul.f32 v10, v9;
	[tilespmem:s16+$0xFFFFFFC0] =	vst v11;
	v11 =	vld [tilespmem:s16+$0x30]  }
0x1ce: {  	[tilespmem:s16+$0xFFFFFFD0] =	vst v15;
	v10 =	vld [tilespmem:s16+$0x40];
	v15 =	vmul.f32 v14, v9  }
0x1cf: {  	s17 =	simm.s32 $0x7380;
	s21 =	simm.s32 $0x0;
	v9 =	vld [tilespmem:s16+$0x50];
	[tilespmem:s16+$0xFFFFFFE0] =	vst v17;
	v14 =	vmul.f32 v16, v7  }
.LBB2_13:
0x1d0: {  	s10 =	sadd.s32 $0x47, s21;
	[tilespmem:s16+$0xFFFFFFF0] =	vst v15;
	v13 =	vmul.f32 v13, v7;
	v15 =	vld [tilespmem:s16+$0x60]  }
0x1d1: {  	s26 =	sadd.s32 $0x44, s21;
	s28 =	sadd.s32 $0x45, s21;
	v16 =	vmov s10;
	[tilespmem:s16+$0x0] =	vst v14;
	v12 =	vmul.f32 v12, v7;
	v14 =	vld [tilespmem:s16+$0x80]  }
0x1d2: {  	v17 =	vmov s26;
	v18 =	vmov s28;
	[tilespmem:s16+$0x10] =	vst v13;
	v11 =	vmul.f32 v11, v7;
	v13 =	vld [tilespmem:s16+$0x90]  }
0x1d3: {  	s10 =	sadd.s32 $0x46, s21;
	s21 =	sadd.s32 $0x4, s21;
	v17 =	vand.u32 $0xFFFFFFFC, v17;
	v18 =	vand.u32 $0xFFFFFFFD, v18;
	[tilespmem:s16+$0x20] =	vst v12;
	v10 =	vmul.f32 v10, v7;
	v12 =	vld [tilespmem:s16+$0xA0]  }
0x1d4: {  	v19 =	vmov s10;
	p1 =	slt.u32 s21, $0x3C;
	v17 =	vbroadcast v17, $0x0;
	[tilespmem:s16+$0x30] =	vst v11;
	v9 =	vmul.f32 v9, v7;
	v11 =	vld [tilespmem:s16+$0xB0]  }
0x1d5: {  	v18 =	vbroadcast v18, $0x0;
	v19 =	vand.u32 $0xFFFFFFFE, v19;
	[tilespmem:s16+$0x40] =	vst v10;
	v7 =	vmul.f32 v15, v7;
	v10 =	vld [tilespmem:s16+$0xC0]  }
0x1d6: {  	v15 =	vbroadcast v19, $0x0;
	[tilespmem:s16+$0x50] =	vst v9;
	v9 =	vmul.f32 v14, v8;
	v14 =	vld [tilespmem:s16+$0xD0]  }
0x1d7: {  	[tilespmem:s16+$0x60] =	vst v7;
	v7 =	vmul.f32 v13, v8;
	v13 =	vld [tilespmem:s16+$0xE0]  }
0x1d8: {  	[tilespmem:s16+$0x80] =	vst v9;
	v9 =	vmul.f32 v12, v8;
	v12 =	vld [tilespmem:s16+$0xF0]  }
0x1d9: {  	v16 =	vld.idx.msk [tilespmem:v16+s11+$0x0], $0xffff;
	[tilespmem:s16+$0x90] =	vst v7;
	v7 =	vmul.f32 v11, v8  }
0x1da: {  	v11 =	vld.idx.msk [tilespmem:v17+s11+$0x0], $0xffff;
	[tilespmem:s16+$0xA0] =	vst v9;
	v9 =	vmul.f32 v10, v8  }
0x1db: {  	v10 =	vld.idx.msk [tilespmem:v18+s11+$0x0], $0xffff;
	[tilespmem:s16+$0xB0] =	vst v7;
	v14 =	vmul.f32 v14, v8  }
0x1dc: {  	s16 =	sadd.s32 $0x200, s16;
	v7 =	vld.idx.msk [tilespmem:v15+s11+$0x0], $0xffff;
	[tilespmem:s17+$0xC0] =	vst v9;
	v9 =	vmul.f32 v13, v8  }
0x1dd: {  	v13 =	vld [tilespmem:s16+$0x70];
	[tilespmem:s17+$0xD0] =	vst v14;
	v14 =	vmul.f32 v12, v8  }
0x1de: {  	v12 =	vld [tilespmem:s16+$0xFFFFFF00];
	[tilespmem:s17+$0xE0] =	vst v9  }
0x1df: {  	v8 =	vmov v16;
	v9 =	vld [tilespmem:s16+$0xFFFFFF10];
	[tilespmem:s17+$0xF0] =	vst v14;
	s17 =	smov.u32 s16  }
0x1e0: {  	v14 =	vld [tilespmem:s16+$0xFFFFFF20]  }
0x1e1: {  	v15 =	vld [tilespmem:s16+$0xFFFFFF30]  }
0x1e2: {  	v16 =	vld [tilespmem:s16+$0xFFFFFF40];
	v13 =	vmul.f32 v13, v7  }
0x1e3: {  	v12 =	vmul.f32 v12, v11;
	v17 =	vld [tilespmem:s16+$0xFFFFFF50]  }
0x1e4: {  	v9 =	vmul.f32 v9, v11;
	v18 =	vld [tilespmem:s16+$0xFFFFFF60];
	[tilespmem:s16+$0x70] =	vst v13  }
0x1e5: {  	[tilespmem:s16+$0xFFFFFF00] =	vst v12;
	v12 =	vmul.f32 v14, v11;
	v13 =	vld [tilespmem:s16+$0xFFFFFF70]  }
0x1e6: {  	[tilespmem:s16+$0xFFFFFF10] =	vst v9;
	v9 =	vmul.f32 v15, v11;
	v14 =	vld [tilespmem:s16+$0xFFFFFF80]  }
0x1e7: {  	[tilespmem:s16+$0xFFFFFF20] =	vst v12;
	v12 =	vmul.f32 v16, v11;
	v15 =	vld [tilespmem:s16+$0xFFFFFF90]  }
0x1e8: {  	[tilespmem:s16+$0xFFFFFF30] =	vst v9;
	v9 =	vmul.f32 v17, v11;
	v16 =	vld [tilespmem:s16+$0xFFFFFFA0]  }
0x1e9: {  	[tilespmem:s16+$0xFFFFFF40] =	vst v12;
	v12 =	vmul.f32 v18, v11;
	v17 =	vld [tilespmem:s16+$0xFFFFFFB0]  }
0x1ea: {  	[tilespmem:s16+$0xFFFFFF50] =	vst v9;
	v9 =	vmul.f32 v13, v11;
	v11 =	vld [tilespmem:s16+$0xFFFFFFC0]  }
0x1eb: {  	[tilespmem:s16+$0xFFFFFF60] =	vst v12;
	v12 =	vmul.f32 v14, v10;
	v14 =	vld [tilespmem:s16+$0xFFFFFFD0]  }
0x1ec: {  	[tilespmem:s16+$0xFFFFFF70] =	vst v9;
	v9 =	vmul.f32 v15, v10;
	v15 =	vld [tilespmem:s16+$0xFFFFFFE0]  }
0x1ed: {  	[tilespmem:s16+$0xFFFFFF80] =	vst v12;
	v12 =	vmul.f32 v16, v10;
	v16 =	vld [tilespmem:s16+$0xFFFFFFF0]  }
0x1ee: {  	[tilespmem:s16+$0xFFFFFF90] =	vst v9;
	v9 =	vmul.f32 v17, v10;
	v17 =	vld [tilespmem:s16+$0x0]  }
.Ltmp5:
0x1ef: {  	[tilespmem:s16+$0xFFFFFFA0] =	vst v12;
	v11 =	vmul.f32 v11, v10;
	v13 =	vld [tilespmem:s16+$0x10];
	(pc) =	sbr.rel @p1 .LBB2_13-.Ltmp5, $4  }
0x1f0: {  	[tilespmem:s16+$0xFFFFFFB0] =	vst v9;
	v9 =	vmul.f32 v14, v10;
	v12 =	vld [tilespmem:s16+$0x20]  }
0x1f1: {  	[tilespmem:s16+$0xFFFFFFC0] =	vst v11;
	v14 =	vmul.f32 v15, v10;
	v11 =	vld [tilespmem:s16+$0x30]  }
0x1f2: {  	[tilespmem:s16+$0xFFFFFFD0] =	vst v9;
	v15 =	vmul.f32 v16, v10;
	v10 =	vld [tilespmem:s16+$0x40]  }
0x1f3: {  	[tilespmem:s16+$0xFFFFFFE0] =	vst v14;
	v14 =	vmul.f32 v17, v7;
	v9 =	vld [tilespmem:s16+$0x50]  }
0x1f4: {  	[tilespmem:s16+$0xFFFFFFF0] =	vst v15;
	v13 =	vmul.f32 v13, v7;
	v15 =	vld [tilespmem:s16+$0x80]  }
0x1f5: {  	v16 =	vld [tilespmem:s16+$0x60];
	[tilespmem:s16+$0x0] =	vst v14;
	v12 =	vmul.f32 v12, v7  }
0x1f6: {  	v14 =	vld [tilespmem:s16+$0x90];
	[tilespmem:s16+$0x10] =	vst v13;
	v11 =	vmul.f32 v11, v7  }
0x1f7: {  	v13 =	vld [tilespmem:s16+$0xA0];
	[tilespmem:s16+$0x20] =	vst v12;
	v10 =	vmul.f32 v10, v7  }
0x1f8: {  	v12 =	vld [tilespmem:s16+$0xB0];
	[tilespmem:s16+$0x30] =	vst v11;
	v9 =	vmul.f32 v9, v7  }
0x1f9: {  	v11 =	vld [tilespmem:s16+$0xC0];
	[tilespmem:s16+$0x40] =	vst v10;
	v10 =	vmul.f32 v15, v8  }
0x1fa: {  	v15 =	vld [tilespmem:s16+$0xD0];
	v7 =	vmul.f32 v16, v7;
	[tilespmem:s16+$0x50] =	vst v9  }
0x1fb: {  	v9 =	vld [tilespmem:s16+$0xE0];
	v14 =	vmul.f32 v14, v8;
	[tilespmem:s16+$0x80] =	vst v10  }
0x1fc: {  	[tilespmem:s16+$0x60] =	vst v7;
	v7 =	vmul.f32 v13, v8;
	v10 =	vld [tilespmem:s16+$0xF0]  }
0x1fd: {  	[tilespmem:s16+$0x90] =	vst v14;
	v12 =	vmul.f32 v12, v8  }
0x1fe: {  	[tilespmem:s16+$0xA0] =	vst v7;
	v7 =	vmul.f32 v11, v8  }
0x1ff: {  	[tilespmem:s16+$0xB0] =	vst v12;
	v11 =	vmul.f32 v15, v8  }
0x200: {  	[tilespmem:s17+$0xC0] =	vst v7;
	v7 =	vmul.f32 v9, v8  }
0x201: {  	[tilespmem:s17+$0xD0] =	vst v11;
	v8 =	vmul.f32 v10, v8  }
0x202: {  	[tilespmem:s17+$0xE0] =	vst v7  }
0x203: {  	[tilespmem:s17+$0xF0] =	vst v8  }
0x204: {  	[spmem:s2] =	stream.indirect.scatter.add.f32 [tilespmem:s31], [sflag:$0x4], $0x80, s25, s30, $0xb8;
	[tilespmem:$0x1FD80] =	vst v63  }
0x205: {  	_ =	swait.ge [sflag:s13], $0x2000  }
0x206: {  	[sflag:s13] =	ssyncset.done $0x0  }
0x207: {  	[sflag:s13] =	ssyncadd.s32 $0xFFFFE000  }
0x208: {  	_ =	swait.ge [sflag:s14], $0x80  }
0x209: {  	[sflag:s14] =	ssyncset.done $0x0  }
0x20a: {  	[sflag:s14] =	ssyncadd.s32 $0xFFFFFF80  }
0x20b: {  	_ =	swait.ge [sflag:s14], $0x40  }
0x20c: {  	[sflag:s14] =	ssyncset.done $0x0  }
0x20d: {  	[sflag:s14] =	ssyncadd.s32 $0xFFFFFFC0  }
0x20e: {  	_ =	swait.ge [sflag:s14], $0x40  }
0x20f: {  	[sflag:s14] =	ssyncset.done $0x0  }
0x210: {  	[sflag:s14] =	ssyncadd.s32 $0xFFFFFFC0  }
0x211: {  	[tilespmem:s23], [sflag:$0x1] =	stream.indirect.gather [hbm4b:s1+s30], $0x80, s0, s30, $0xb8;
	[tilespmem:$0x1FD80] =	vst v63  }
0x212: {  	_ =	swait.ge [sflag:s15], $0x2000  }
0x213: {  	s10 =	simm.s32 $0xC0;
	[sflag:s15] =	ssyncset.done $0x0  }
0x214: {  	s17 =	sshll.u32 s18, $0x8;
	s24 =	rddreg [dreg:$0x16];
	[sflag:s15] =	ssyncadd.s32 $0xFFFFE000  }
0x215: {  	[tilespmem:s31], [sflag:$0x2] =	stream.indirect.gather [hbm4b:s1+s30], $0x80, s10, s30, $0xb8;
	[tilespmem:$0x1FD80] =	vst v63  }
0x216: {  	s10 =	sadd.s32 s17, s24  }
0x217: {  	p1 =	slt.s32 s10, $0x4E180  }
0x218: {  	s10 =	simm.s32 @!p1 $0x4E180  }
0x219: {  	s10 =	sshrl.u32 s10, $0x3  }
0x21a: {  	s21 =	simm.s32 $0x0;
	s26 =	sadd.s32 s8, s10  }
0x21b: {  	[tilespmem:s21], [sflag:$0x5] =	stream.linear.gather [hbm4b:s26+s21], $0x80, $0x38;
	[tilespmem:$0x1FD80] =	vst v63  }
0x21c: {  	s24 =	simm.s32 $0x100;
	s28 =	sadd.s32 s9, s10  }
0x21d: {  	[tilespmem:s24], [sflag:$0x5] =	stream.linear.gather [hbm4b:s28+s21], $0x40, $0x38;
	[tilespmem:$0x1FD80] =	vst v63  }
0x21e: {  	s10 =	sadd.s32 s10, s19  }
0x21f: {  	[tilespmem:s25], [sflag:$0x5] =	stream.linear.gather [hbm4b:s10+s21], $0x40, $0x38;
	[tilespmem:$0x1FD80] =	vst v63  }
0x220: {  	_ =	swait.ge [sflag:s5], $0x2000  }
0x221: {  	[sflag:s5] =	ssyncset.done $0x0  }
0x222: {  	[sflag:s5] =	ssyncadd.s32 $0xFFFFE000  }
0x223: {  	v7 =	vld [tilespmem:$0x80]  }
0x224: {  	v8 =	vld [tilespmem:$0x200];
	_ =	sdelay $0x6  }
0x225: {  	v7 =	vld.idx.msk [tilespmem:v7+s20+$0x0], $0xffff  }
0x226: {  	v9 =	vld.idx.msk [tilespmem:v8+s22+$0x0], $0xffff;
	_ =	sdelay $0x4  }
0x227: {  	v7 =	vadd.f32 v9, v7;
	_ =	sdelay $0x1  }
0x228: {  	v9 =	vmul.f32 $2.000000030e-01, v7  }
0x229: {  	vm0 =	vgt.f32 v7, $0.0e+00  }
0x22a: {  	v7 =	vsel vm0, v7, v9  }
0x22b: {  	v7 =	vsub.f32 v7, v6;
	_ =	sdelay $0x1  }
0x22c: {  	v7 =	vmul.f32 $1.442695020e+00, v7;
	_ =	sdelay $0x1  }
0x22d: {  	(erf) = vpow2.f32 v7;
	_ =	sdelay $0x8  }
0x22e: {  	v7 =	vpop (erf)  }
0x22f: {  	[tilespmem:$0x5200] =	vst v7  }
0x230: {  	[tilespmem:v8+s6+$0x0] =	vst.idx.add.f32.msk $0xffff, v7  }
0x231: {  	v7 =	vld [tilespmem:$0x90]  }
0x232: {  	v8 =	vld [tilespmem:$0x210];
	_ =	sdelay $0x6  }
0x233: {  	v7 =	vld.idx.msk [tilespmem:v7+s20+$0x0], $0xffff  }
0x234: {  	v9 =	vld.idx.msk [tilespmem:v8+s22+$0x0], $0xffff;
	_ =	sdelay $0x4  }
0x235: {  	v7 =	vadd.f32 v9, v7;
	_ =	sdelay $0x1  }
0x236: {  	v9 =	vmul.f32 $2.000000030e-01, v7  }
0x237: {  	vm13 =	vgt.f32 v7, $0.0e+00  }
0x238: {  	v7 =	vsel vm13, v7, v9  }
0x239: {  	v7 =	vsub.f32 v7, v6;
	_ =	sdelay $0x1  }
0x23a: {  	v7 =	vmul.f32 $1.442695020e+00, v7;
	_ =	sdelay $0x1  }
0x23b: {  	(erf) = vpow2.f32 v7;
	_ =	sdelay $0x8  }
0x23c: {  	v7 =	vpop (erf)  }
0x23d: {  	[tilespmem:$0x5210] =	vst v7  }
0x23e: {  	[tilespmem:v8+s6+$0x0] =	vst.idx.add.f32.msk $0xffff, v7  }
0x23f: {  	v7 =	vld [tilespmem:$0xA0]  }
0x240: {  	v8 =	vld [tilespmem:$0x220];
	_ =	sdelay $0x6  }
0x241: {  	v7 =	vld.idx.msk [tilespmem:v7+s20+$0x0], $0xffff  }
0x242: {  	v9 =	vld.idx.msk [tilespmem:v8+s22+$0x0], $0xffff;
	_ =	sdelay $0x4  }
0x243: {  	v7 =	vadd.f32 v9, v7;
	_ =	sdelay $0x1  }
0x244: {  	v9 =	vmul.f32 $2.000000030e-01, v7  }
0x245: {  	vm14 =	vgt.f32 v7, $0.0e+00  }
0x246: {  	v7 =	vsel vm14, v7, v9  }
0x247: {  	v7 =	vsub.f32 v7, v6;
	_ =	sdelay $0x1  }
0x248: {  	v7 =	vmul.f32 $1.442695020e+00, v7;
	_ =	sdelay $0x1  }
0x249: {  	(erf) = vpow2.f32 v7;
	_ =	sdelay $0x8  }
0x24a: {  	v7 =	vpop (erf)  }
0x24b: {  	[tilespmem:$0x5220] =	vst v7  }
0x24c: {  	[tilespmem:v8+s6+$0x0] =	vst.idx.add.f32.msk $0xffff, v7  }
0x24d: {  	v7 =	vld [tilespmem:$0xB0]  }
0x24e: {  	v8 =	vld [tilespmem:$0x230];
	_ =	sdelay $0x6  }
0x24f: {  	v7 =	vld.idx.msk [tilespmem:v7+s20+$0x0], $0xffff  }
0x250: {  	v9 =	vld.idx.msk [tilespmem:v8+s22+$0x0], $0xffff;
	_ =	sdelay $0x4  }
0x251: {  	v7 =	vadd.f32 v9, v7;
	_ =	sdelay $0x1  }
0x252: {  	v9 =	vmul.f32 $2.000000030e-01, v7  }
0x253: {  	vm15 =	vgt.f32 v7, $0.0e+00  }
0x254: {  	v7 =	vsel vm15, v7, v9  }
0x255: {  	v7 =	vsub.f32 v7, v6;
	_ =	sdelay $0x1  }
0x256: {  	v7 =	vmul.f32 $1.442695020e+00, v7;
	_ =	sdelay $0x1  }
0x257: {  	(erf) = vpow2.f32 v7;
	_ =	sdelay $0x3  }
0x258: {  	s26 =	simm.s32 $0x2;
	v7 =	vmov s21  }
0x259: {  	v9 =	vmov s26;
	v7 =	vand.u32 $0xFFFFFFFC, v7  }
0x25a: {  	v9 =	vand.u32 $0xFFFFFFFE, v9;
	v7 =	vbroadcast v7, $0x0  }
0x25b: {  	v9 =	vbroadcast v9, $0x0;
	_ =	sdelay $0x1  }
0x25c: {  	v10 =	vpop (erf)  }
0x25d: {  	[tilespmem:$0x5230] =	vst v10  }
0x25e: {  	[tilespmem:v8+s6+$0x0] =	vst.idx.add.f32.msk $0xffff, v10  }
0x25f: {  	v7 =	vld.idx.msk [tilespmem:v7+s11+$0x0], $0xffff  }
0x260: {  	s16 =	simm.s32 $0x5380;
	v8 =	vld.idx.msk [tilespmem:v9+s11+$0x0], $0xffff  }
0x261: {  	v10 =	vld [tilespmem:s16+$0x70]  }
0x262: {  	v11 =	vld [tilespmem:s16+$0xFFFFFF00]  }
0x263: {  	s28 =	simm.s32 $0x1;
	v12 =	vld [tilespmem:s16+$0xFFFFFF10]  }
0x264: {  	v9 =	vmov s28;
	v13 =	vld [tilespmem:s16+$0xFFFFFF20]  }
0x265: {  	v14 =	vld [tilespmem:s16+$0xFFFFFF30];
	v9 =	vand.u32 $0xFFFFFFFD, v9  }
0x266: {  	v15 =	vld [tilespmem:s16+$0xFFFFFF40];
	v9 =	vbroadcast v9, $0x0  }
0x267: {  	v16 =	vld [tilespmem:s16+$0xFFFFFF50]  }
0x268: {  	v17 =	vld [tilespmem:s16+$0xFFFFFF60];
	v11 =	vmul.f32 v11, v7  }
0x269: {  	v19 =	vld [tilespmem:s16+$0x40];
	v10 =	vmul.f32 v10, v8  }
0x26a: {  	[tilespmem:s16+$0xFFFFFF00] =	vst v11;
	v11 =	vmul.f32 v12, v7;
	v12 =	vld [tilespmem:s16+$0xFFFFFF70]  }
0x26b: {  	[tilespmem:s16+$0x70] =	vst v10;
	v10 =	vmul.f32 v13, v7;
	v13 =	vld [tilespmem:s16+$0xFFFFFF80]  }
0x26c: {  	v9 =	vld.idx.msk [tilespmem:v9+s11+$0x0], $0xffff;
	[tilespmem:s16+$0xFFFFFF10] =	vst v11;
	v11 =	vmul.f32 v14, v7  }
0x26d: {  	v14 =	vld [tilespmem:s16+$0xFFFFFF90];
	[tilespmem:s16+$0xFFFFFF20] =	vst v10;
	v10 =	vmul.f32 v15, v7  }
0x26e: {  	v15 =	vld [tilespmem:s16+$0xFFFFFFA0];
	[tilespmem:s16+$0xFFFFFF30] =	vst v11;
	v11 =	vmul.f32 v16, v7  }
0x26f: {  	v16 =	vld [tilespmem:s16+$0xFFFFFFB0];
	[tilespmem:s16+$0xFFFFFF40] =	vst v10;
	v10 =	vmul.f32 v17, v7  }
0x270: {  	v17 =	vld [tilespmem:s16+$0xFFFFFFC0];
	v12 =	vmul.f32 v12, v7;
	[tilespmem:s16+$0xFFFFFF50] =	vst v11  }
0x271: {  	v11 =	vmul.f32 v13, v9;
	v13 =	vld [tilespmem:s16+$0xFFFFFFD0];
	[tilespmem:s16+$0xFFFFFF60] =	vst v10  }
0x272: {  	s21 =	simm.s32 $0x3;
	v10 =	vld [tilespmem:s16+$0xFFFFFFE0];
	v14 =	vmul.f32 v14, v9;
	[tilespmem:s16+$0xFFFFFF70] =	vst v12  }
0x273: {  	v18 =	vmov s21;
	v12 =	vld [tilespmem:s16+$0xFFFFFFF0];
	[tilespmem:s16+$0xFFFFFF80] =	vst v11;
	v11 =	vmul.f32 v15, v9  }
0x274: {  	v15 =	vld [tilespmem:s16+$0x0];
	[tilespmem:s16+$0xFFFFFF90] =	vst v14;
	v14 =	vmul.f32 v16, v9  }
0x275: {  	v16 =	vld [tilespmem:s16+$0x10];
	[tilespmem:s16+$0xFFFFFFA0] =	vst v11;
	v11 =	vmul.f32 v17, v9  }
0x276: {  	[tilespmem:s16+$0xFFFFFFB0] =	vst v14;
	v13 =	vmul.f32 v13, v9;
	v14 =	vld [tilespmem:s16+$0x20]  }
0x277: {  	v17 =	vld [tilespmem:s16+$0x30];
	v10 =	vmul.f32 v10, v9;
	[tilespmem:s16+$0xFFFFFFC0] =	vst v11  }
0x278: {  	v7 =	vld.idx.msk [tilespmem:v18+s11+$0x0], $0xffff;
	v9 =	vmul.f32 v12, v9;
	[tilespmem:s16+$0xFFFFFFD0] =	vst v13  }
0x279: {  	[tilespmem:s16+$0xFFFFFFE0] =	vst v10;
	v11 =	vmul.f32 v15, v8;
	v10 =	vld [tilespmem:s16+$0x50]  }
0x27a: {  	s24 =	simm.s32 $0x4;
	[tilespmem:s16+$0xFFFFFFF0] =	vst v9;
	v12 =	vmul.f32 v16, v8;
	v9 =	vld [tilespmem:s16+$0x60]  }
0x27b: {  	s26 =	simm.s32 $0x7;
	v13 =	vmov s24;
	[tilespmem:s16+$0x0] =	vst v11;
	v15 =	vmul.f32 v14, v8;
	v14 =	vld [tilespmem:s16+$0x80]  }
0x27c: {  	s28 =	simm.s32 $0x5;
	v18 =	vand.u32 $0xFFFFFFFC, v13;
	v13 =	vld [tilespmem:s16+$0x90];
	v11 =	vmov s26;
	v16 =	vmul.f32 v17, v8;
	[tilespmem:s16+$0x10] =	vst v12  }
0x27d: {  	s10 =	simm.s32 $0x8;
	s21 =	simm.s32 $0x5380;
	s26 =	simm.s32 $0x6;
	v17 =	vmul.f32 v19, v8;
	v12 =	vbroadcast v18, $0x0;
	v18 =	vmov s28;
	[tilespmem:s16+$0x20] =	vst v15;
	v15 =	vld [tilespmem:s16+$0xA0]  }
.LBB2_15:
0x27e: {  	p1 =	slt.u32 s10, $0x3C;
	v18 =	vand.u32 $0xFFFFFFFD, v18;
	v19 =	vmov s26;
	[tilespmem:s16+$0x30] =	vst v16;
	v10 =	vmul.f32 v10, v8;
	v16 =	vld [tilespmem:s16+$0xB0]  }
0x27f: {  	v18 =	vbroadcast v18, $0x0;
	v19 =	vand.u32 $0xFFFFFFFE, v19;
	[tilespmem:s16+$0x40] =	vst v17;
	v8 =	vmul.f32 v9, v8;
	v9 =	vld [tilespmem:s16+$0xC0]  }
0x280: {  	v17 =	vbroadcast v19, $0x0;
	[tilespmem:s16+$0x50] =	vst v10;
	v10 =	vmul.f32 v14, v7;
	v14 =	vld [tilespmem:s16+$0xD0]  }
0x281: {  	[tilespmem:s16+$0x60] =	vst v8;
	v8 =	vmul.f32 v13, v7;
	v13 =	vld [tilespmem:s16+$0xE0]  }
0x282: {  	[tilespmem:s16+$0x80] =	vst v10;
	v10 =	vmul.f32 v15, v7;
	v15 =	vld [tilespmem:s16+$0xF0]  }
0x283: {  	v11 =	vld.idx.msk [tilespmem:v11+s11+$0x0], $0xffff;
	[tilespmem:s16+$0x90] =	vst v8;
	v8 =	vmul.f32 v16, v7  }
0x284: {  	v12 =	vld.idx.msk [tilespmem:v12+s11+$0x0], $0xffff;
	[tilespmem:s16+$0xA0] =	vst v10;
	v9 =	vmul.f32 v9, v7  }
0x285: {  	v10 =	vld.idx.msk [tilespmem:v18+s11+$0x0], $0xffff;
	[tilespmem:s16+$0xB0] =	vst v8;
	v14 =	vmul.f32 v14, v7  }
0x286: {  	s16 =	sadd.s32 $0x200, s16;
	v8 =	vld.idx.msk [tilespmem:v17+s11+$0x0], $0xffff;
	[tilespmem:s21+$0xC0] =	vst v9;
	v9 =	vmul.f32 v13, v7  }
0x287: {  	v13 =	vld [tilespmem:s16+$0x70];
	[tilespmem:s21+$0xD0] =	vst v14;
	v15 =	vmul.f32 v15, v7  }
0x288: {  	v14 =	vld [tilespmem:s16+$0xFFFFFF00];
	[tilespmem:s21+$0xE0] =	vst v9  }
0x289: {  	v7 =	vmov v11;
	v9 =	vld [tilespmem:s16+$0xFFFFFF10];
	[tilespmem:s21+$0xF0] =	vst v15;
	s21 =	smov.u32 s16  }
0x28a: {  	v11 =	vld [tilespmem:s16+$0xFFFFFF20]  }
0x28b: {  	v15 =	vld [tilespmem:s16+$0xFFFFFF30]  }
0x28c: {  	v16 =	vld [tilespmem:s16+$0xFFFFFF40];
	v13 =	vmul.f32 v13, v8  }
0x28d: {  	v14 =	vmul.f32 v14, v12;
	v17 =	vld [tilespmem:s16+$0xFFFFFF50]  }
0x28e: {  	v9 =	vmul.f32 v9, v12;
	v18 =	vld [tilespmem:s16+$0xFFFFFF60];
	[tilespmem:s16+$0x70] =	vst v13  }
0x28f: {  	[tilespmem:s16+$0xFFFFFF00] =	vst v14;
	v11 =	vmul.f32 v11, v12;
	v13 =	vld [tilespmem:s16+$0xFFFFFF70]  }
0x290: {  	[tilespmem:s16+$0xFFFFFF10] =	vst v9;
	v9 =	vmul.f32 v15, v12;
	v14 =	vld [tilespmem:s16+$0xFFFFFF80]  }
0x291: {  	[tilespmem:s16+$0xFFFFFF20] =	vst v11;
	v11 =	vmul.f32 v16, v12;
	v15 =	vld [tilespmem:s16+$0xFFFFFF90]  }
0x292: {  	[tilespmem:s16+$0xFFFFFF30] =	vst v9;
	v9 =	vmul.f32 v17, v12;
	v16 =	vld [tilespmem:s16+$0xFFFFFFA0]  }
0x293: {  	[tilespmem:s16+$0xFFFFFF40] =	vst v11;
	v11 =	vmul.f32 v18, v12;
	v17 =	vld [tilespmem:s16+$0xFFFFFFB0]  }
0x294: {  	[tilespmem:s16+$0xFFFFFF50] =	vst v9;
	v9 =	vmul.f32 v13, v12;
	v12 =	vld [tilespmem:s16+$0xFFFFFFC0]  }
0x295: {  	[tilespmem:s16+$0xFFFFFF60] =	vst v11;
	v11 =	vmul.f32 v14, v10;
	v13 =	vld [tilespmem:s16+$0xFFFFFFD0]  }
0x296: {  	[tilespmem:s16+$0xFFFFFF70] =	vst v9;
	v9 =	vmul.f32 v15, v10;
	v14 =	vld [tilespmem:s16+$0xFFFFFFE0]  }
0x297: {  	[tilespmem:s16+$0xFFFFFF80] =	vst v11;
	v11 =	vmul.f32 v16, v10;
	v15 =	vld [tilespmem:s16+$0xFFFFFFF0]  }
0x298: {  	[tilespmem:s16+$0xFFFFFF90] =	vst v9;
	v9 =	vmul.f32 v17, v10;
	v16 =	vld [tilespmem:s16+$0x0]  }
0x299: {  	[tilespmem:s16+$0xFFFFFFA0] =	vst v11;
	v11 =	vmul.f32 v12, v10;
	v12 =	vld [tilespmem:s16+$0x10]  }
0x29a: {  	[tilespmem:s16+$0xFFFFFFB0] =	vst v9;
	v9 =	vmul.f32 v13, v10;
	v13 =	vld [tilespmem:s16+$0x20]  }
0x29b: {  	[tilespmem:s16+$0xFFFFFFC0] =	vst v11;
	v11 =	vmul.f32 v14, v10;
	v17 =	vld [tilespmem:s16+$0x30]  }
0x29c: {  	[tilespmem:s16+$0xFFFFFFD0] =	vst v9;
	v9 =	vmul.f32 v15, v10;
	v15 =	vld [tilespmem:s16+$0x40]  }
.Ltmp6:
0x29d: {  	[tilespmem:s16+$0xFFFFFFE0] =	vst v11;
	v11 =	vmul.f32 v16, v8;
	v10 =	vld [tilespmem:s16+$0x50];
	(pc) =	sbr.rel @p1 .LBB2_15-.Ltmp6, $4  }
0x29e: {  	[tilespmem:s16+$0xFFFFFFF0] =	vst v9;
	v12 =	vmul.f32 v12, v8;
	v9 =	vld [tilespmem:s16+$0x60]  }
0x29f: {  	s26 =	sadd.s32 $0x3, s10;
	v16 =	vmov s10;
	[tilespmem:s16+$0x0] =	vst v11;
	v19 =	vmul.f32 v13, v8;
	v14 =	vld [tilespmem:s16+$0x80]  }
0x2a0: {  	s28 =	sadd.s32 $0x1, s10;
	v18 =	vand.u32 $0xFFFFFFFC, v16;
	v11 =	vmov s26;
	[tilespmem:s16+$0x10] =	vst v12;
	v16 =	vmul.f32 v17, v8;
	v13 =	vld [tilespmem:s16+$0x90]  }
0x2a1: {  	s26 =	sadd.s32 $0x2, s10;
	s10 =	sadd.s32 $0x4, s10;
	v12 =	vbroadcast v18, $0x0;
	v18 =	vmov s28;
	[tilespmem:s16+$0x20] =	vst v19;
	v17 =	vmul.f32 v15, v8;
	v15 =	vld [tilespmem:s16+$0xA0]  }
0x2a2: {  	v19 =	vld [tilespmem:s16+$0xB0]  }
0x2a3: {  	v21 =	vld [tilespmem:s16+$0xC0]  }
0x2a4: {  	v20 =	vmov s26;
	v22 =	vld [tilespmem:s16+$0xD0]  }
0x2a5: {  	v23 =	vld [tilespmem:s16+$0xE0];
	[tilespmem:s16+$0x30] =	vst v16;
	v10 =	vmul.f32 v10, v8;
	v20 =	vand.u32 $0xFFFFFFFE, v20  }
0x2a6: {  	v11 =	vld.idx.msk [tilespmem:v11+s11+$0x0], $0xffff;
	[tilespmem:s16+$0x40] =	vst v17;
	v8 =	vmul.f32 v9, v8;
	v20 =	vbroadcast v20, $0x0  }
0x2a7: {  	v18 =	vand.u32 $0xFFFFFFFD, v18;
	s10 =	sadd.s32 $0x200, s16;
	v9 =	vld.idx.msk [tilespmem:v12+s11+$0x0], $0xffff;
	v14 =	vmul.f32 v14, v7;
	[tilespmem:s16+$0x50] =	vst v10  }
0x2a8: {  	v18 =	vbroadcast v18, $0x0;
	v16 =	vld [tilespmem:s10+$0xFFFFFF00];
	v10 =	vmul.f32 v13, v7;
	[tilespmem:s16+$0x60] =	vst v8  }
0x2a9: {  	[tilespmem:s16+$0x80] =	vst v14;
	v14 =	vld [tilespmem:s16+$0xF0];
	v8 =	vmul.f32 v15, v7  }
0x2aa: {  	v17 =	vld [tilespmem:s10+$0xFFFFFF10];
	[tilespmem:s16+$0x90] =	vst v10;
	v10 =	vmul.f32 v19, v7  }
0x2ab: {  	v15 =	vld [tilespmem:s10+$0x70];
	[tilespmem:s16+$0xA0] =	vst v8;
	v8 =	vmul.f32 v21, v7  }
0x2ac: {  	[tilespmem:s16+$0xB0] =	vst v10;
	v10 =	vmul.f32 v22, v7;
	v13 =	vld.idx.msk [tilespmem:v20+s11+$0x0], $0xffff  }
0x2ad: {  	v61 =	vld [tilespmem:s10+$0xFFFFFF20];
	[tilespmem:s21+$0xC0] =	vst v8;
	v8 =	vmul.f32 v23, v7  }
0x2ae: {  	v12 =	vld.idx.msk [tilespmem:v18+s11+$0x0], $0xffff;
	[tilespmem:s21+$0xD0] =	vst v10;
	v7 =	vmul.f32 v14, v7  }
0x2af: {  	v10 =	vld [tilespmem:s10+$0xFFFFFF30];
	[tilespmem:s21+$0xE0] =	vst v8  }
0x2b0: {  	v8 =	vld [tilespmem:s10+$0xFFFFFF40];
	[tilespmem:s21+$0xF0] =	vst v7;
	v7 =	vmul.f32 v16, v9  }
0x2b1: {  	v14 =	vmul.f32 v15, v13;
	v15 =	vld [tilespmem:s10+$0xFFFFFF50]  }
0x2b2: {  	v16 =	vmul.f32 v17, v9;
	v17 =	vld [tilespmem:s10+$0xFFFFFF60];
	[tilespmem:s10+$0xFFFFFF00] =	vst v7  }
0x2b3: {  	v7 =	vmul.f32 v61, v9;
	[tilespmem:s10+$0x70] =	vst v14;
	v14 =	vld [tilespmem:s10+$0xFFFFFF70]  }
0x2b4: {  	[tilespmem:s10+$0xFFFFFF10] =	vst v16;
	v16 =	vld [tilespmem:s10+$0xFFFFFF80];
	v10 =	vmul.f32 v10, v9  }
0x2b5: {  	[tilespmem:s10+$0xFFFFFF20] =	vst v7;
	v7 =	vmul.f32 v8, v9;
	v8 =	vld [tilespmem:s10+$0xFFFFFF90]  }
0x2b6: {  	[tilespmem:s10+$0xFFFFFF30] =	vst v10;
	v10 =	vmul.f32 v15, v9;
	v15 =	vld [tilespmem:s10+$0xFFFFFFA0]  }
0x2b7: {  	[tilespmem:s10+$0xFFFFFF40] =	vst v7;
	v7 =	vmul.f32 v17, v9;
	v17 =	vld [tilespmem:s10+$0xFFFFFFB0]  }
0x2b8: {  	[tilespmem:s10+$0xFFFFFF50] =	vst v10;
	v9 =	vmul.f32 v14, v9;
	v10 =	vld [tilespmem:s10+$0xFFFFFFC0]  }
0x2b9: {  	[tilespmem:s10+$0xFFFFFF60] =	vst v7;
	v7 =	vmul.f32 v16, v12;
	v14 =	vld [tilespmem:s10+$0xFFFFFFD0]  }
0x2ba: {  	v8 =	vmul.f32 v8, v12;
	[tilespmem:s10+$0xFFFFFF70] =	vst v9;
	v9 =	vld [tilespmem:s10+$0xFFFFFFE0]  }
0x2bb: {  	[tilespmem:s10+$0xFFFFFF80] =	vst v7;
	v7 =	vmul.f32 v15, v12;
	v15 =	vld [tilespmem:s10+$0xFFFFFFF0]  }
0x2bc: {  	v16 =	vld [tilespmem:s10+$0x0];
	[tilespmem:s10+$0xFFFFFF90] =	vst v8;
	v8 =	vmul.f32 v17, v12  }
0x2bd: {  	[tilespmem:s10+$0xFFFFFFA0] =	vst v7;
	v7 =	vmul.f32 v10, v12;
	v10 =	vld [tilespmem:s10+$0x10]  }
0x2be: {  	[tilespmem:s10+$0xFFFFFFB0] =	vst v8;
	v8 =	vmul.f32 v14, v12;
	v14 =	vld [tilespmem:s10+$0x20]  }
0x2bf: {  	[tilespmem:s10+$0xFFFFFFC0] =	vst v7;
	v7 =	vmul.f32 v9, v12;
	v9 =	vld [tilespmem:s10+$0x30]  }
0x2c0: {  	[tilespmem:s10+$0xFFFFFFD0] =	vst v8;
	v8 =	vmul.f32 v15, v12;
	v12 =	vld [tilespmem:s10+$0x40]  }
0x2c1: {  	v15 =	vld [tilespmem:s10+$0x50];
	[tilespmem:s10+$0xFFFFFFE0] =	vst v7;
	v7 =	vmul.f32 v16, v13  }
0x2c2: {  	[tilespmem:s10+$0xFFFFFFF0] =	vst v8;
	v8 =	vmul.f32 v10, v13;
	v10 =	vld [tilespmem:s10+$0x60]  }
0x2c3: {  	[tilespmem:s10+$0x0] =	vst v7;
	v7 =	vmul.f32 v14, v13;
	v14 =	vld [tilespmem:s10+$0x80]  }
0x2c4: {  	[tilespmem:s10+$0x10] =	vst v8;
	v8 =	vmul.f32 v9, v13;
	v9 =	vld [tilespmem:s10+$0x90]  }
0x2c5: {  	[tilespmem:s10+$0x20] =	vst v7;
	v7 =	vmul.f32 v12, v13;
	v12 =	vld [tilespmem:s10+$0xA0]  }
0x2c6: {  	[tilespmem:s10+$0x30] =	vst v8;
	v8 =	vmul.f32 v15, v13;
	v15 =	vld [tilespmem:s10+$0xB0]  }
0x2c7: {  	[tilespmem:s10+$0x40] =	vst v7;
	v7 =	vmul.f32 v10, v13;
	v10 =	vld [tilespmem:s10+$0xC0]  }
0x2c8: {  	v13 =	vld [tilespmem:s10+$0xD0];
	[tilespmem:s10+$0x50] =	vst v8;
	v8 =	vmul.f32 v14, v11  }
0x2c9: {  	[tilespmem:s10+$0x60] =	vst v7;
	v7 =	vmul.f32 v9, v11;
	v9 =	vld [tilespmem:s10+$0xE0]  }
0x2ca: {  	[tilespmem:s10+$0x80] =	vst v8;
	v8 =	vmul.f32 v12, v11;
	v12 =	vld [tilespmem:s10+$0xF0]  }
0x2cb: {  	[tilespmem:s10+$0x90] =	vst v7;
	v7 =	vmul.f32 v15, v11  }
0x2cc: {  	[tilespmem:s10+$0xA0] =	vst v8;
	v8 =	vmul.f32 v10, v11  }
0x2cd: {  	[tilespmem:s10+$0xB0] =	vst v7;
	v7 =	vmul.f32 v13, v11  }
0x2ce: {  	[tilespmem:s10+$0xC0] =	vst v8;
	v8 =	vmul.f32 v9, v11  }
0x2cf: {  	[tilespmem:s10+$0xD0] =	vst v7;
	v7 =	vmul.f32 v12, v11  }
0x2d0: {  	[tilespmem:s10+$0xE0] =	vst v8  }
0x2d1: {  	[tilespmem:s10+$0xF0] =	vst v7  }
0x2d2: {  	[spmem:s2] =	stream.indirect.scatter.add.f32 [tilespmem:s23], [sflag:$0x3], $0x80, s3, s30, $0xb8;
	[tilespmem:$0x1FD80] =	vst v63  }
0x2d3: {  	_ =	swait.ge [sflag:s12], $0x2000  }
0x2d4: {  	[sflag:s12] =	ssyncset.done $0x0  }
0x2d5: {  	[sflag:s12] =	ssyncadd.s32 $0xFFFFE000  }
0x2d6: {  	v7 =	vld [tilespmem:$0xC0]  }
0x2d7: {  	v8 =	vld [tilespmem:$0x280];
	_ =	sdelay $0x6  }
0x2d8: {  	v7 =	vld.idx.msk [tilespmem:v7+s20+$0x0], $0xffff  }
0x2d9: {  	v9 =	vld.idx.msk [tilespmem:v8+s22+$0x0], $0xffff;
	_ =	sdelay $0x4  }
0x2da: {  	v7 =	vadd.f32 v9, v7;
	_ =	sdelay $0x1  }
0x2db: {  	v9 =	vmul.f32 $2.000000030e-01, v7  }
0x2dc: {  	vm0 =	vgt.f32 v7, $0.0e+00  }
0x2dd: {  	v7 =	vsel vm0, v7, v9  }
0x2de: {  	v7 =	vsub.f32 v7, v6;
	_ =	sdelay $0x1  }
0x2df: {  	v7 =	vmul.f32 $1.442695020e+00, v7;
	_ =	sdelay $0x1  }
0x2e0: {  	(erf) = vpow2.f32 v7;
	_ =	sdelay $0x8  }
0x2e1: {  	v7 =	vpop (erf)  }
0x2e2: {  	[tilespmem:$0x5240] =	vst v7  }
0x2e3: {  	[tilespmem:v8+s6+$0x0] =	vst.idx.add.f32.msk $0xffff, v7  }
0x2e4: {  	v7 =	vld [tilespmem:$0xD0]  }
0x2e5: {  	v8 =	vld [tilespmem:$0x290];
	_ =	sdelay $0x6  }
0x2e6: {  	v7 =	vld.idx.msk [tilespmem:v7+s20+$0x0], $0xffff  }
0x2e7: {  	v9 =	vld.idx.msk [tilespmem:v8+s22+$0x0], $0xffff;
	_ =	sdelay $0x4  }
0x2e8: {  	v7 =	vadd.f32 v9, v7;
	_ =	sdelay $0x1  }
0x2e9: {  	v9 =	vmul.f32 $2.000000030e-01, v7  }
0x2ea: {  	vm13 =	vgt.f32 v7, $0.0e+00  }
0x2eb: {  	v7 =	vsel vm13, v7, v9  }
0x2ec: {  	v7 =	vsub.f32 v7, v6;
	_ =	sdelay $0x1  }
0x2ed: {  	v7 =	vmul.f32 $1.442695020e+00, v7;
	_ =	sdelay $0x1  }
0x2ee: {  	(erf) = vpow2.f32 v7;
	_ =	sdelay $0x8  }
0x2ef: {  	v7 =	vpop (erf)  }
0x2f0: {  	[tilespmem:$0x5250] =	vst v7  }
0x2f1: {  	[tilespmem:v8+s6+$0x0] =	vst.idx.add.f32.msk $0xffff, v7  }
0x2f2: {  	v7 =	vld [tilespmem:$0xE0]  }
0x2f3: {  	v8 =	vld [tilespmem:$0x2A0];
	_ =	sdelay $0x6  }
0x2f4: {  	v7 =	vld.idx.msk [tilespmem:v7+s20+$0x0], $0xffff  }
0x2f5: {  	v9 =	vld.idx.msk [tilespmem:v8+s22+$0x0], $0xffff;
	_ =	sdelay $0x4  }
0x2f6: {  	v7 =	vadd.f32 v9, v7;
	_ =	sdelay $0x1  }
0x2f7: {  	v9 =	vmul.f32 $2.000000030e-01, v7  }
0x2f8: {  	vm14 =	vgt.f32 v7, $0.0e+00  }
0x2f9: {  	v7 =	vsel vm14, v7, v9  }
0x2fa: {  	v7 =	vsub.f32 v7, v6;
	_ =	sdelay $0x1  }
0x2fb: {  	v7 =	vmul.f32 $1.442695020e+00, v7;
	_ =	sdelay $0x1  }
0x2fc: {  	(erf) = vpow2.f32 v7;
	_ =	sdelay $0x8  }
0x2fd: {  	v7 =	vpop (erf)  }
0x2fe: {  	[tilespmem:$0x5260] =	vst v7  }
0x2ff: {  	[tilespmem:v8+s6+$0x0] =	vst.idx.add.f32.msk $0xffff, v7  }
0x300: {  	v7 =	vld [tilespmem:$0xF0]  }
0x301: {  	v8 =	vld [tilespmem:$0x2B0];
	_ =	sdelay $0x6  }
0x302: {  	v7 =	vld.idx.msk [tilespmem:v7+s20+$0x0], $0xffff  }
0x303: {  	v9 =	vld.idx.msk [tilespmem:v8+s22+$0x0], $0xffff;
	_ =	sdelay $0x4  }
0x304: {  	v7 =	vadd.f32 v9, v7;
	_ =	sdelay $0x1  }
0x305: {  	v9 =	vmul.f32 $2.000000030e-01, v7  }
0x306: {  	vm15 =	vgt.f32 v7, $0.0e+00  }
0x307: {  	v7 =	vsel vm15, v7, v9  }
0x308: {  	v7 =	vsub.f32 v7, v6;
	_ =	sdelay $0x1  }
0x309: {  	v7 =	vmul.f32 $1.442695020e+00, v7;
	_ =	sdelay $0x1  }
0x30a: {  	(erf) = vpow2.f32 v7;
	_ =	sdelay $0x2  }
0x30b: {  	s21 =	simm.s32 $0x40  }
0x30c: {  	s24 =	simm.s32 $0x42;
	v7 =	vmov s21  }
0x30d: {  	v9 =	vmov s24;
	v7 =	vand.u32 $0xFFFFFFFC, v7  }
0x30e: {  	v9 =	vand.u32 $0xFFFFFFFE, v9;
	v7 =	vbroadcast v7, $0x0  }
0x30f: {  	v9 =	vbroadcast v9, $0x0;
	_ =	sdelay $0x1  }
0x310: {  	v10 =	vpop (erf)  }
0x311: {  	[tilespmem:$0x5270] =	vst v10  }
0x312: {  	[tilespmem:v8+s6+$0x0] =	vst.idx.add.f32.msk $0xffff, v10  }
0x313: {  	v8 =	vld.idx.msk [tilespmem:v7+s11+$0x0], $0xffff  }
0x314: {  	s16 =	simm.s32 $0x7380;
	v7 =	vld.idx.msk [tilespmem:v9+s11+$0x0], $0xffff  }
0x315: {  	v10 =	vld [tilespmem:s16+$0x70]  }
0x316: {  	v11 =	vld [tilespmem:s16+$0xFFFFFF00]  }
0x317: {  	s26 =	simm.s32 $0x41;
	v12 =	vld [tilespmem:s16+$0xFFFFFF10]  }
0x318: {  	v9 =	vmov s26;
	v13 =	vld [tilespmem:s16+$0xFFFFFF20]  }
0x319: {  	v14 =	vld [tilespmem:s16+$0xFFFFFF30];
	v9 =	vand.u32 $0xFFFFFFFD, v9  }
0x31a: {  	v15 =	vld [tilespmem:s16+$0xFFFFFF40];
	v9 =	vbroadcast v9, $0x0  }
0x31b: {  	v16 =	vld [tilespmem:s16+$0xFFFFFF50]  }
0x31c: {  	v17 =	vld [tilespmem:s16+$0xFFFFFF60];
	v11 =	vmul.f32 v11, v8  }
0x31d: {  	v63 =	vld [tilespmem:s16+$0xFFFFFFD0];
	v10 =	vmul.f32 v10, v7  }
0x31e: {  	[tilespmem:s16+$0xFFFFFF00] =	vst v11;
	v11 =	vmul.f32 v12, v8;
	v12 =	vld [tilespmem:s16+$0xFFFFFF70]  }
0x31f: {  	s28 =	simm.s32 $0x43;
	[tilespmem:s16+$0x70] =	vst v10;
	v10 =	vmul.f32 v13, v8;
	v13 =	vld [tilespmem:s16+$0xFFFFFF80]  }
0x320: {  	v62 =	vmov s28;
	v9 =	vld.idx.msk [tilespmem:v9+s11+$0x0], $0xffff;
	[tilespmem:s16+$0xFFFFFF10] =	vst v11;
	v11 =	vmul.f32 v14, v8  }
0x321: {  	v14 =	vld [tilespmem:s16+$0xFFFFFF90];
	[tilespmem:s16+$0xFFFFFF20] =	vst v10;
	v10 =	vmul.f32 v15, v8  }
0x322: {  	v15 =	vld [tilespmem:s16+$0xFFFFFFA0];
	[tilespmem:s16+$0xFFFFFF30] =	vst v11;
	v11 =	vmul.f32 v16, v8  }
0x323: {  	v16 =	vld [tilespmem:s16+$0xFFFFFFB0];
	[tilespmem:s16+$0xFFFFFF40] =	vst v10;
	v10 =	vmul.f32 v17, v8  }
0x324: {  	v17 =	vld [tilespmem:s16+$0xFFFFFFC0];
	v12 =	vmul.f32 v12, v8;
	[tilespmem:s16+$0xFFFFFF50] =	vst v11  }
0x325: {  	v8 =	vld.idx.msk [tilespmem:v62+s11+$0x0], $0xffff;
	v11 =	vmul.f32 v13, v9;
	[tilespmem:s16+$0xFFFFFF60] =	vst v10  }
0x326: {  	v10 =	vld [tilespmem:s16+$0xFFFFFFE0];
	v13 =	vmul.f32 v14, v9;
	[tilespmem:s16+$0xFFFFFF70] =	vst v12  }
0x327: {  	v14 =	vld [tilespmem:s16+$0xFFFFFFF0];
	[tilespmem:s16+$0xFFFFFF80] =	vst v11;
	v11 =	vmul.f32 v15, v9  }
0x328: {  	[tilespmem:s16+$0xFFFFFF90] =	vst v13;
	v12 =	vmul.f32 v16, v9;
	v16 =	vld [tilespmem:s16+$0x0]  }
0x329: {  	v13 =	vld [tilespmem:s16+$0x10];
	[tilespmem:s16+$0xFFFFFFA0] =	vst v11;
	v11 =	vmul.f32 v17, v9  }
0x32a: {  	v15 =	vmul.f32 v63, v9;
	[tilespmem:s16+$0xFFFFFFB0] =	vst v12;
	v12 =	vld [tilespmem:s16+$0x20]  }
0x32b: {  	v17 =	vmul.f32 v10, v9;
	[tilespmem:s16+$0xFFFFFFC0] =	vst v11;
	v11 =	vld [tilespmem:s16+$0x30]  }
0x32c: {  	[tilespmem:s16+$0xFFFFFFD0] =	vst v15;
	v10 =	vld [tilespmem:s16+$0x40];
	v15 =	vmul.f32 v14, v9  }
0x32d: {  	s10 =	simm.s32 $0x0;
	s21 =	simm.s32 $0x7380;
	v9 =	vld [tilespmem:s16+$0x50];
	[tilespmem:s16+$0xFFFFFFE0] =	vst v17;
	v14 =	vmul.f32 v16, v7  }
.LBB2_17:
0x32e: {  	s26 =	sadd.s32 $0x47, s10;
	[tilespmem:s16+$0xFFFFFFF0] =	vst v15;
	v13 =	vmul.f32 v13, v7;
	v15 =	vld [tilespmem:s16+$0x60]  }
0x32f: {  	s28 =	sadd.s32 $0x44, s10;
	s24 =	sadd.s32 $0x45, s10;
	v16 =	vmov s26;
	[tilespmem:s16+$0x0] =	vst v14;
	v12 =	vmul.f32 v12, v7;
	v14 =	vld [tilespmem:s16+$0x80]  }
0x330: {  	v17 =	vmov s28;
	v18 =	vmov s24;
	[tilespmem:s16+$0x10] =	vst v13;
	v11 =	vmul.f32 v11, v7;
	v13 =	vld [tilespmem:s16+$0x90]  }
0x331: {  	s24 =	sadd.s32 $0x46, s10;
	s10 =	sadd.s32 $0x4, s10;
	v17 =	vand.u32 $0xFFFFFFFC, v17;
	v18 =	vand.u32 $0xFFFFFFFD, v18;
	[tilespmem:s16+$0x20] =	vst v12;
	v10 =	vmul.f32 v10, v7;
	v12 =	vld [tilespmem:s16+$0xA0]  }
0x332: {  	v19 =	vmov s24;
	p1 =	slt.u32 s10, $0x3C;
	v17 =	vbroadcast v17, $0x0;
	[tilespmem:s16+$0x30] =	vst v11;
	v9 =	vmul.f32 v9, v7;
	v11 =	vld [tilespmem:s16+$0xB0]  }
0x333: {  	v18 =	vbroadcast v18, $0x0;
	v19 =	vand.u32 $0xFFFFFFFE, v19;
	[tilespmem:s16+$0x40] =	vst v10;
	v7 =	vmul.f32 v15, v7;
	v10 =	vld [tilespmem:s16+$0xC0]  }
0x334: {  	v15 =	vbroadcast v19, $0x0;
	[tilespmem:s16+$0x50] =	vst v9;
	v9 =	vmul.f32 v14, v8;
	v14 =	vld [tilespmem:s16+$0xD0]  }
0x335: {  	[tilespmem:s16+$0x60] =	vst v7;
	v7 =	vmul.f32 v13, v8;
	v13 =	vld [tilespmem:s16+$0xE0]  }
0x336: {  	[tilespmem:s16+$0x80] =	vst v9;
	v9 =	vmul.f32 v12, v8;
	v12 =	vld [tilespmem:s16+$0xF0]  }
0x337: {  	v16 =	vld.idx.msk [tilespmem:v16+s11+$0x0], $0xffff;
	[tilespmem:s16+$0x90] =	vst v7;
	v7 =	vmul.f32 v11, v8  }
0x338: {  	v11 =	vld.idx.msk [tilespmem:v17+s11+$0x0], $0xffff;
	[tilespmem:s16+$0xA0] =	vst v9;
	v9 =	vmul.f32 v10, v8  }
0x339: {  	v10 =	vld.idx.msk [tilespmem:v18+s11+$0x0], $0xffff;
	[tilespmem:s16+$0xB0] =	vst v7;
	v14 =	vmul.f32 v14, v8  }
0x33a: {  	s16 =	sadd.s32 $0x200, s16;
	v7 =	vld.idx.msk [tilespmem:v15+s11+$0x0], $0xffff;
	[tilespmem:s21+$0xC0] =	vst v9;
	v9 =	vmul.f32 v13, v8  }
0x33b: {  	v13 =	vld [tilespmem:s16+$0x70];
	[tilespmem:s21+$0xD0] =	vst v14;
	v14 =	vmul.f32 v12, v8  }
0x33c: {  	v12 =	vld [tilespmem:s16+$0xFFFFFF00];
	[tilespmem:s21+$0xE0] =	vst v9  }
0x33d: {  	v8 =	vmov v16;
	v9 =	vld [tilespmem:s16+$0xFFFFFF10];
	[tilespmem:s21+$0xF0] =	vst v14;
	s21 =	smov.u32 s16  }
0x33e: {  	v14 =	vld [tilespmem:s16+$0xFFFFFF20]  }
0x33f: {  	v15 =	vld [tilespmem:s16+$0xFFFFFF30]  }
0x340: {  	v16 =	vld [tilespmem:s16+$0xFFFFFF40];
	v13 =	vmul.f32 v13, v7  }
0x341: {  	v12 =	vmul.f32 v12, v11;
	v17 =	vld [tilespmem:s16+$0xFFFFFF50]  }
0x342: {  	v9 =	vmul.f32 v9, v11;
	v18 =	vld [tilespmem:s16+$0xFFFFFF60];
	[tilespmem:s16+$0x70] =	vst v13  }
0x343: {  	[tilespmem:s16+$0xFFFFFF00] =	vst v12;
	v12 =	vmul.f32 v14, v11;
	v13 =	vld [tilespmem:s16+$0xFFFFFF70]  }
0x344: {  	[tilespmem:s16+$0xFFFFFF10] =	vst v9;
	v9 =	vmul.f32 v15, v11;
	v14 =	vld [tilespmem:s16+$0xFFFFFF80]  }
0x345: {  	[tilespmem:s16+$0xFFFFFF20] =	vst v12;
	v12 =	vmul.f32 v16, v11;
	v15 =	vld [tilespmem:s16+$0xFFFFFF90]  }
0x346: {  	[tilespmem:s16+$0xFFFFFF30] =	vst v9;
	v9 =	vmul.f32 v17, v11;
	v16 =	vld [tilespmem:s16+$0xFFFFFFA0]  }
0x347: {  	[tilespmem:s16+$0xFFFFFF40] =	vst v12;
	v12 =	vmul.f32 v18, v11;
	v17 =	vld [tilespmem:s16+$0xFFFFFFB0]  }
0x348: {  	[tilespmem:s16+$0xFFFFFF50] =	vst v9;
	v9 =	vmul.f32 v13, v11;
	v11 =	vld [tilespmem:s16+$0xFFFFFFC0]  }
0x349: {  	[tilespmem:s16+$0xFFFFFF60] =	vst v12;
	v12 =	vmul.f32 v14, v10;
	v14 =	vld [tilespmem:s16+$0xFFFFFFD0]  }
0x34a: {  	[tilespmem:s16+$0xFFFFFF70] =	vst v9;
	v9 =	vmul.f32 v15, v10;
	v15 =	vld [tilespmem:s16+$0xFFFFFFE0]  }
0x34b: {  	[tilespmem:s16+$0xFFFFFF80] =	vst v12;
	v12 =	vmul.f32 v16, v10;
	v16 =	vld [tilespmem:s16+$0xFFFFFFF0]  }
0x34c: {  	[tilespmem:s16+$0xFFFFFF90] =	vst v9;
	v9 =	vmul.f32 v17, v10;
	v17 =	vld [tilespmem:s16+$0x0]  }
.Ltmp7:
0x34d: {  	[tilespmem:s16+$0xFFFFFFA0] =	vst v12;
	v11 =	vmul.f32 v11, v10;
	v13 =	vld [tilespmem:s16+$0x10];
	(pc) =	sbr.rel @p1 .LBB2_17-.Ltmp7, $4  }
0x34e: {  	[tilespmem:s16+$0xFFFFFFB0] =	vst v9;
	v9 =	vmul.f32 v14, v10;
	v12 =	vld [tilespmem:s16+$0x20]  }
0x34f: {  	[tilespmem:s16+$0xFFFFFFC0] =	vst v11;
	v14 =	vmul.f32 v15, v10;
	v11 =	vld [tilespmem:s16+$0x30]  }
0x350: {  	[tilespmem:s16+$0xFFFFFFD0] =	vst v9;
	v15 =	vmul.f32 v16, v10;
	v10 =	vld [tilespmem:s16+$0x40]  }
0x351: {  	[tilespmem:s16+$0xFFFFFFE0] =	vst v14;
	v14 =	vmul.f32 v17, v7;
	v9 =	vld [tilespmem:s16+$0x50]  }
0x352: {  	[tilespmem:s16+$0xFFFFFFF0] =	vst v15;
	v13 =	vmul.f32 v13, v7;
	v54 =	vld [tilespmem:s16+$0x80]  }
0x353: {  	v16 =	vld [tilespmem:s16+$0x60];
	[tilespmem:s16+$0x0] =	vst v14;
	v12 =	vmul.f32 v12, v7  }
0x354: {  	v55 =	vld [tilespmem:s16+$0x90];
	[tilespmem:s16+$0x10] =	vst v13;
	v11 =	vmul.f32 v11, v7  }
0x355: {  	v56 =	vld [tilespmem:s16+$0xA0];
	[tilespmem:s16+$0x20] =	vst v12;
	v10 =	vmul.f32 v10, v7  }
0x356: {  	v57 =	vld [tilespmem:s16+$0xB0];
	[tilespmem:s16+$0x30] =	vst v11;
	v9 =	vmul.f32 v9, v7  }
0x357: {  	v58 =	vld [tilespmem:s16+$0xC0];
	[tilespmem:s16+$0x40] =	vst v10;
	v59 =	vmul.f32 v54, v8  }
0x358: {  	v60 =	vld [tilespmem:s16+$0xD0];
	v7 =	vmul.f32 v16, v7;
	[tilespmem:s16+$0x50] =	vst v9  }
0x359: {  	v61 =	vld [tilespmem:s16+$0xE0];
	v14 =	vmul.f32 v55, v8;
	[tilespmem:s16+$0x80] =	vst v59  }
0x35a: {  	v62 =	vld [tilespmem:s16+$0xF0];
	[tilespmem:s16+$0x60] =	vst v7;
	v7 =	vmul.f32 v56, v8  }
0x35b: {  	v12 =	vmul.f32 v57, v8;
	[tilespmem:s16+$0x90] =	vst v14  }
0x35c: {  	[tilespmem:s16+$0xA0] =	vst v7;
	v7 =	vmul.f32 v58, v8  }
0x35d: {  	v63 =	vmul.f32 v60, v8;
	[tilespmem:s16+$0xB0] =	vst v12  }
0x35e: {  	[tilespmem:s21+$0xC0] =	vst v7;
	v7 =	vmul.f32 v61, v8  }
0x35f: {  	[tilespmem:s21+$0xD0] =	vst v63;
	v8 =	vmul.f32 v62, v8  }
0x360: {  	[tilespmem:s21+$0xE0] =	vst v7  }
0x361: {  	[tilespmem:s21+$0xF0] =	vst v8  }
0x362: {  	[spmem:s2] =	stream.indirect.scatter.add.f32 [tilespmem:s31], [sflag:$0x4], $0x80, s7, s30, $0xb8;
	[tilespmem:$0x1FD80] =	vst v63  }
0x363: {  	_ =	swait.ge [sflag:s13], $0x2000  }
0x364: {  	[sflag:s13] =	ssyncset.done $0x0  }
0x365: {  	[sflag:s13] =	ssyncadd.s32 $0xFFFFE000  }
0x366: {  	_ =	swait.ge [sflag:s29], $0x80  }
0x367: {  	[sflag:s29] =	ssyncset.done $0x0  }
0x368: {  	[sflag:s29] =	ssyncadd.s32 $0xFFFFFF80  }
0x369: {  	_ =	swait.ge [sflag:s29], $0x40  }
0x36a: {  	[sflag:s29] =	ssyncset.done $0x0  }
0x36b: {  	[sflag:s29] =	ssyncadd.s32 $0xFFFFFFC0  }
0x36c: {  	_ =	swait.ge [sflag:s29], $0x40  }
0x36d: {  	[sflag:s29] =	ssyncset.done $0x0  }
0x36e: {  	[sflag:s29] =	ssyncadd.s32 $0xFFFFFFC0  }
0x36f: {  	[tilespmem:s23], [sflag:$0x1] =	stream.indirect.gather [hbm4b:s1+s30], $0x80, s4, s30, $0xb8;
	[tilespmem:$0x1FD80] =	vst v63  }
0x370: {  	_ =	swait.ge [sflag:s15], $0x2000  }
0x371: {  	[sflag:s15] =	ssyncset.done $0x0;
	s10 =	rddreg [dreg:$0x17]  }
0x372: {  	[sflag:s15] =	ssyncadd.s32 $0xFFFFE000;
	s10 =	sadd.s32 s17, s10  }
0x373: {  	[tilespmem:s31], [sflag:$0x2] =	stream.indirect.gather [hbm4b:s1+s30], $0x80, s30, s30, $0xb8;
	[tilespmem:$0x1FD80] =	vst v63  }
0x374: {  	p1 =	slt.s32 s10, $0x4E180  }
0x375: {  	s10 =	simm.s32 @!p1 $0x4E180  }
0x376: {  	s18 =	sadd.s32 $0x1, s18;
	s28 =	rddreg [dreg:$0x7];
	s10 =	sshrl.u32 s10, $0x3  }
0x377: {  	p1 =	sne.s32 s18, s28;
	s24 =	sadd.s32 s8, s10  }
0x378: {  	[tilespmem:s0], [sflag:$0x6] =	stream.linear.gather [hbm4b:s24+s4], $0x80, $0x38;
	[tilespmem:$0x1FD80] =	vst v63  }
.Ltmp8:
0x379: {  	_ = 	snop;
	(pc) =	sbr.rel @p1 .LBB2_10-.Ltmp8, $4  }
0x37a: {  	s26 =	sadd.s32 s9, s10  }
0x37b: {  	[tilespmem:s3], [sflag:$0x6] =	stream.linear.gather [hbm4b:s26+s4], $0x40, $0x38;
	[tilespmem:$0x1FD80] =	vst v63  }
0x37c: {  	s10 =	sadd.s32 s10, s19  }
0x37d: {  	[tilespmem:s7], [sflag:$0x6] =	stream.linear.gather [hbm4b:s10+s4], $0x40, $0x38;
	[tilespmem:$0x1FD80] =	vst v63  }
0x37e: {  	_ =	swait.ge [sflag:s5], $0x2000  }
0x37f: {  	[sflag:s5] =	ssyncset.done $0x0  }
0x380: {  	[sflag:s5] =	ssyncadd.s32 $0xFFFFE000  }
0x381: {  	_ =	swait.ge [sflag:s12], $0x2000  }
0x382: {  	[sflag:s12] =	ssyncset.done $0x0  }
0x383: {  	[sflag:s12] =	ssyncadd.s32 $0xFFFFE000  }
0x384: {  	_ =	swait.ge [sflag:s14], $0x80  }
0x385: {  	[sflag:s14] =	ssyncset.done $0x0  }
0x386: {  	[sflag:s14] =	ssyncadd.s32 $0xFFFFFF80  }
0x387: {  	_ =	swait.ge [sflag:s14], $0x40  }
0x388: {  	[sflag:s14] =	ssyncset.done $0x0  }
0x389: {  	[sflag:s14] =	ssyncadd.s32 $0xFFFFFFC0  }
0x38a: {  	_ =	swait.ge [sflag:s14], $0x40  }
0x38b: {  	[sflag:s14] =	ssyncset.done $0x0  }
0x38c: {  	s16 =	simm.s32 $0x50;
	[sflag:s14] =	ssyncadd.s32 $0xFFFFFFC0  }
0x38d: {  	s17 =	simm.s32 $0xBA80;
	s24 =	simm.s32 $0x7;
	s10 =	rddreg [dreg:$0x3]  }
0x38e: {  	[spmem:s10] =	stream.indirect.scatter.add.f32 [tilespmem:s6], [sflag:$0x7], $0x80, s17, s16, $0xb8;
	[tilespmem:$0x1FD80] =	vst v63  }
0x38f: {  	_ =	swait.ge [sflag:s24], $0x2800  }
0x390: {  	[sflag:s24] =	ssyncset.done $0x0  }
0x391: {  	[sflag:s24] =	ssyncadd.s32 $0xFFFFD800  }
0x392: {  	s16 =	stileid.u32;
	[bflag:$0x0] =	sbarrier.arrive $0xFFFF  }
0x393: {  	s10 =	sshll.u32 s16, $0x6;
	s18 =	rddreg [dreg:$0xd]  }
0x394: {  	s10 =	sor.u32 $0x1C07, s10;
	s21 =	rddreg [dreg:$0x8];
	s17 =	sshrl.u32 s18, $0x3  }
0x395: {  	[hbm:s21], [sflag:s10] =	dma.local [spmem:s17], $0x800  }
0x396: {  	_ =	swait.ge [sflag:s24], $0x800  }
0x397: {  	[sflag:s24] =	ssyncset.done $0x0;
	s26 =	rddreg [dreg:$0x9]  }
0x398: {  	s28 =	rddreg [dreg:$0x19];
	[sflag:s24] =	ssyncadd.s32 $0xFFFFF800  }
0x399: {  	[hbm:s26], [sflag:s10] =	dma.local [spmem:s28], $0x800  }
0x39a: {  	_ =	swait.ge [sflag:s24], $0x800  }
0x39b: {  	[sflag:s24] =	ssyncset.done $0x0;
	s17 =	rddreg [dreg:$0xa]  }
0x39c: {  	s21 =	rddreg [dreg:$0x1a];
	[sflag:s24] =	ssyncadd.s32 $0xFFFFF800  }
0x39d: {  	[hbm:s17], [sflag:s10] =	dma.local [spmem:s21], $0x800  }
0x39e: {  	_ =	swait.ge [sflag:s24], $0x800  }
0x39f: {  	[sflag:s24] =	ssyncset.done $0x0;
	s26 =	rddreg [dreg:$0xb]  }
0x3a0: {  	s28 =	rddreg [dreg:$0x1b];
	[sflag:s24] =	ssyncadd.s32 $0xFFFFF800  }
0x3a1: {  	[hbm:s26], [sflag:s10] =	dma.local [spmem:s28], $0x800  }
0x3a2: {  	_ =	swait.ge [sflag:s24], $0x800  }
0x3a3: {  	[sflag:s24] =	ssyncset.done $0x0;
	s17 =	rddreg [dreg:$0xc]  }
0x3a4: {  	s21 =	rddreg [dreg:$0x1c];
	[sflag:s24] =	ssyncadd.s32 $0xFFFFF800  }
0x3a5: {  	[hbm:s17], [sflag:s10] =	dma.local [spmem:s21], $0x800  }
0x3a6: {  	_ =	swait.ge [sflag:s24], $0x800  }
0x3a7: {  	[sflag:s24] =	ssyncset.done $0x0;
	s21 =	rddreg [dreg:$0xf]  }
0x3a8: {  	s17 =	rddreg [dreg:$0xe];
	[sflag:s24] =	ssyncadd.s32 $0xFFFFF800;
	s16 =	sshrl.u32 @!p0 s21, $0x3  }
0x3a9: {  	[hbm:s17], [sflag:s10] =	dma.local @!p0 [spmem:s16], $0x80  }
0x3aa: {  	s10 =	simm.s32 @!p0 $0x7  }
0x3ab: {  	_ =	swait.ge @!p0 [sflag:s10], $0x80  }
0x3ac: {  	s26 =	sld [smem:$0x7F7];
	_ =	sdelay $0x2  }
0x3ad: {  	s28 =	rddreg [dreg:$0x18];
	s17 =	sadd.s32 $0x1, s26  }
0x3ae: {  	p1 =	sne.s32 s17, s28  }
.Ltmp9:
0x3af: {  	_ = 	snop;
	(pc) =	sbr.rel @p1 .LBB2_1-.Ltmp9, $3  }
0x3b0: {  	_ =	sdelay $0x1  }
0x3b1: {  	[sflag:s10] =	ssyncset.done @!p0 $0x0  }
0x3b2: {  	[sflag:s10] =	ssyncadd.s32 @!p0 $0xFFFFFF80  }
0x3b3: {  	_ =	sfence.sel $0x180000  }
0x3b4: {  	[bflag:$0x0] =	sbarrier.arrive $0xFFFF  }
0x3b5: {  	_ =	strace $0x90000047  }
0x3b6: {  	s0 =	stileid.u32;
	[bflag:$0x2] =	sbarrier.arrive $0xFFFF  }
0x3b7: {  	p0 =	sne.s32 s0, $0x0;
	s0 =	rddreg [dreg:$0x4]  }
0x3b8: {  	s0 =	sadd.s32 @!p0 $0x100000, s0  }
0x3b9: {  	[sflag:s0] =	ssyncadd.tile.s32 @!p0 $0x1;
	_ =	shalt  }
.Lfunc_end2:
_tile_overlayer_lowered:
.L_overlay_start_2:
0x3ba: {  	(tag) =	ssettag $0x2  }
0x3bb: {  	s0 =	rddreg [dreg:$0x0];
	s2 =	stileid.u32  }
0x3bc: {  	s1 =	rddreg [dreg:$0x1];
	p0 =	sne.s32 s2, $0x0  }
0x3bd: {  	s3 =	rddreg [dreg:$0x2];
	[bflag:$0x3] =	sbarrier.arrive $0xFFFF;
	s2 =	simm.s32 @!p0 $0x1C07  }
0x3be: {  	[timem:s3], [sflag:s2] =	dma.local @!p0 [hbm:s0], s1  }
0x3bf: {  	s0 =	simm.s32 @!p0 $0x7  }
0x3c0: {  	_ =	swait.ge @!p0 [sflag:s0], s1  }
0x3c1: {  	s1 =	ssub.s32 @!p0 $0x0, s1;
	[sflag:s0] =	ssyncset.done @!p0 $0x0  }
0x3c2: {  	[sflag:s0] =	ssyncadd.s32 @!p0 s1  }
0x3c3: {  	[bflag:$0x3] =	sbarrier.arrive $0xFFFF  }
0x3c4: {  	_ =	shalt  }

</sc_bundles>
